<compile_context>
chip_gen: v7x
topology: tpu7x:2x2x1
jax: 0.10.2.dev20260603
libtpu: 0.0.44.dev20260713+nightly
codegen_flags: <defaults>
</compile_context>

<pallas_src>
import functools
import numpy as np
import jax
import jax.numpy as jnp
from jax import lax
from jax.experimental import pallas as pl
from jax.experimental.pallas import tpu as pltpu
from jax.experimental.pallas import tpu_sc as plsc

_N = 10000
_E = 320000
_HID = 128
_HEADS = 8
_DH = 16
_S = 4
_G = 64
_L = 3
_NT = _N + _G * _S
_NPAD = 10240
_C = 128
_CHUNKS = 182
_EPT = _C * _CHUNKS
_EPAD = 16 * _EPT
_ROWS_PER_TILE = 640

_HH = _HEADS // 2
_WQK = _HH * _DH
_W = _WQK + 16

_GDN = lax.GatherDimensionNumbers(
    offset_dims=(), collapsed_slice_dims=(0,), start_index_map=(0,))


def _lanesum(v, iota):
    for sh in (8, 4, 2, 1):
        idx = (iota ^ sh)[:, None]
        v = v + lax.gather(v, idx, _GDN, (1,),
                           mode=lax.GatherScatterMode.PROMISE_IN_BOUNDS)
    return v


def _edge_body(qc, kvc, src3, dst3, bnd,
               agg_hbm,
               dst_v, srco_v, dsto_v, qrows, kvrows, sbuf, bscr,
               agg_sh, gsem, isem):
    c = lax.axis_index("c")
    s = lax.axis_index("s")

    pltpu.sync_copy(bnd.at[c], bscr)

    def _zv(i, _):
        for j in range(_W // 16):
            sbuf[0][i, pl.ds(j * 16, 16)] = jnp.zeros((16,), jnp.float32)
        return 0
    lax.fori_loop(0, _C, _zv, 0)

    row0 = s * _ROWS_PER_TILE
    for j in range(_ROWS_PER_TILE // _C):
        pltpu.sync_copy(sbuf[0], agg_sh.at[pl.ds(row0 + j * _C, _C)])
    plsc.subcore_barrier()

    coff = c * _NT

    def _fire_idx(j, b):
        pltpu.async_copy(src3.at[s, j], srco_v[b], isem[b])
        pltpu.async_copy(dst3.at[s, j], dst_v[b], isem[b])

    def _wait_idx(b):
        pltpu.make_async_copy(src3.at[s, 0], srco_v[b], isem[b]).wait()
        pltpu.make_async_copy(dst3.at[s, 0], dst_v[b], isem[b]).wait()

    def _fire_gathers(b):
        for j in range(_C // 16):
            sl = pl.ds(j * 16, 16)
            srco_v[b][sl] = srco_v[b][sl] + coff
            dsto_v[b][sl] = dst_v[b][sl] + coff
        pltpu.async_copy(qc.at[dsto_v[b]], qrows[b], gsem[b])
        pltpu.async_copy(kvc.at[srco_v[b]], kvrows[b], gsem[b])

    def _wait_gathers(b):
        pltpu.make_async_copy(qc.at[dsto_v[b]], qrows[b], gsem[b]).wait()
        pltpu.make_async_copy(kvc.at[srco_v[b]], kvrows[b], gsem[b]).wait()



    _fire_idx(0, 0)
    _fire_idx(1, 1)
    _wait_idx(0)
    _fire_gathers(0)

    def _turn(i, _):
        bq = lax.rem(i, 2)
        iota = lax.iota(jnp.int32, 16)
        bvec = bscr[...]
        for b in range(2):
            b1 = 1 - b

            @pl.when(bq == b)
            def _(b=b, b1=b1):
                _wait_gathers(b)


                def _edge(e, _):
                    evec = jnp.zeros((16,), jnp.float32)
                    for p in range(_HH // 2):
                        sl32 = pl.ds(p * 32, 32)
                        qa, qb = plsc.unpack(
                            qrows[b][e, sl32], format=plsc.PackFormat.INTERLEAVED)
                        ka, kb = plsc.unpack(
                            kvrows[b][e, sl32], format=plsc.PackFormat.INTERLEAVED)
                        va, vb = plsc.unpack(
                            kvrows[b][e, pl.ds(_WQK + p * 32, 32)],
                            format=plsc.PackFormat.INTERLEAVED)
                        for hh, (qv, kv, vv) in enumerate(
                                [(qa, ka, va), (qb, kb, vb)]):
                            h = p * 2 + hh
                            ev = jnp.exp(
                                _lanesum(qv * kv, iota) - bvec[h])
                            sbuf[b][e, pl.ds(h * 16, 16)] = vv * ev
                            evec = jnp.where(iota == h, ev, evec)
                    sbuf[b][e, pl.ds(_WQK, 16)] = evec
                    return 0
                lax.fori_loop(0, _C, _edge, 0, unroll=4)

                pltpu.sync_copy(sbuf[b], agg_sh.at[dst_v[b]], add=True)

                @pl.when(i + 1 < _CHUNKS)
                def _(b1=b1):
                    _wait_idx(b1)
                    _fire_gathers(b1)

                @pl.when(i + 2 < _CHUNKS)
                def _(b=b, i=i):
                    _fire_idx(i + 2, b)
        return 0

    lax.fori_loop(0, _CHUNKS, _turn, 0)
    plsc.subcore_barrier()

    for j in range(_ROWS_PER_TILE // _C):
        r = row0 + j * _C
        pltpu.sync_copy(agg_sh.at[pl.ds(r, _C)], sbuf[0])
        pltpu.sync_copy(sbuf[0], agg_hbm.at[c, pl.ds(r, _C)])


@jax.jit
def _edge_pass(qt, kvt, src3, dst3, bnd2):
    mesh = plsc.VectorSubcoreMesh(core_axis_name="c", subcore_axis_name="s")
    f = pl.kernel(
        _edge_body,
        out_type=jax.ShapeDtypeStruct((2, _NPAD, _W), jnp.float32),
        mesh=mesh,
        compiler_params=pltpu.CompilerParams(
            needs_layout_passes=False, use_tc_tiling_on_sc=False),
        scratch_types=[
            [pltpu.VMEM((_C,), jnp.int32) for _ in range(2)],
            [pltpu.VMEM((_C,), jnp.int32) for _ in range(2)],
            [pltpu.VMEM((_C,), jnp.int32) for _ in range(2)],
            [pltpu.VMEM((_C, _WQK), jnp.bfloat16) for _ in range(2)],
            [pltpu.VMEM((_C, 2 * _WQK), jnp.bfloat16) for _ in range(2)],
            [pltpu.VMEM((_C, _W), jnp.float32) for _ in range(2)],
            pltpu.VMEM((16,), jnp.float32),
            pltpu.VMEM_SHARED((_NPAD, _W), jnp.float32),
            [pltpu.SemaphoreType.DMA for _ in range(2)],
            [pltpu.SemaphoreType.DMA for _ in range(2)],
        ],
    )
    return f(qt, kvt, src3, dst3, bnd2)


def _ln(t, eps=1e-5):
    m = t.mean(-1, keepdims=True)
    v = t.var(-1, keepdims=True)
    return (t - m) / jnp.sqrt(v + eps)


def _seg_softmax_dense(scores, bmat, bmatT):
    sh = scores.shape
    gm = jax.lax.stop_gradient(scores.max())
    e = jnp.exp(scores - gm)
    ef = e.reshape(_N, -1)
    ssum = bmatT @ (bmat @ ef)
    return (ef / (ssum + 1e-16)).reshape(sh)


def _head_bound(q4, k):
    qn = jnp.sqrt((q4.reshape(_NT, _HEADS, _DH) ** 2).sum(-1)).max(0)
    kn = jnp.sqrt((k.reshape(_NT, _HEADS, _DH) ** 2).sum(-1)).max(0)
    b = (qn * kn).reshape(2, _HH)
    return jnp.concatenate([b, jnp.zeros((2, 16 - _HH), jnp.float32)], axis=1)


def kernel(x, edge_index, batch, fl_W, fl_b, si_Wq, si_Wk, si_Wv,
           conv_Wq, conv_Wk, conv_Wv, conv_Wo,
           sa_Wq, sa_Wk, sa_Wv, sa_Wo,
           node_W, node_b, star_W, star_b):
    loop = jnp.arange(_N, dtype=edge_index.dtype)
    star_src = (_N + batch[:, None] * _S
                + jnp.arange(_S, dtype=batch.dtype)[None, :]).reshape(-1)
    star_dst = jnp.repeat(loop, _S)
    pad = jnp.full((_EPAD - _E - _N - _N * _S,), _N, dtype=edge_index.dtype)
    src3 = jnp.concatenate([edge_index[0], loop, star_src, pad]).reshape(
        16, _CHUNKS, _C)
    dst3 = jnp.concatenate([edge_index[1], loop, star_dst, pad]).reshape(
        16, _CHUNKS, _C)

    h = jax.nn.relu(x @ fl_W + fl_b)

    bmat = (batch[None, :] == jnp.arange(_G, dtype=batch.dtype)[:, None]
            ).astype(jnp.float32)
    bmatT = bmat.T

    cnt = bmat.sum(1)
    seed = (bmat @ h) / jnp.maximum(cnt, 1.0)[:, None]
    q = (seed @ si_Wq).reshape(_G, _S, _HID)
    k = (h @ si_Wk).reshape(_N, _S, _HID)
    v = (h @ si_Wv).reshape(_N, _S, _HID)
    qb = (bmatT @ q.reshape(_G, _S * _HID)).reshape(_N, _S, _HID)
    sc = (qb * k).sum(-1) / jnp.sqrt(float(_HID))
    al = _seg_softmax_dense(sc, bmat, bmatT)
    stars = _ln((bmat @ (al[..., None] * v).reshape(_N, _S * _HID)
                 ).reshape(_G, _S, _HID))

    for i in range(_L):
        allh = jnp.concatenate([h, stars.reshape(_G * _S, _HID)], axis=0)
        qc4 = (allh @ conv_Wq[i]) * (1.0 / jnp.sqrt(float(_DH)))
        kc = allh @ conv_Wk[i]
        vc = allh @ conv_Wv[i]
        qr = qc4.astype(jnp.bfloat16)
        kr = kc.astype(jnp.bfloat16)
        vr = vc.astype(jnp.bfloat16)

        def _ilv(t):
            t2 = jnp.concatenate([t[:, :_WQK], t[:, _WQK:]], axis=0)
            return t2.reshape(2 * _NT, 2, 2, _DH).transpose(
                0, 1, 3, 2).reshape(2 * _NT, _WQK)
        qt = _ilv(qr)
        kvt = jnp.concatenate([_ilv(kr), _ilv(vr)], axis=1)
        bnd2 = _head_bound(qr.astype(jnp.float32), kr.astype(jnp.float32))
        agg2 = _edge_pass(qt, kvt, src3, dst3, bnd2)
        num = jnp.concatenate([agg2[0, :_N, :_WQK], agg2[1, :_N, :_WQK]],
                              axis=1).reshape(_N, _HEADS, _DH)
        den = jnp.concatenate([agg2[0, :_N, _WQK:_WQK + _HH],
                               agg2[1, :_N, _WQK:_WQK + _HH]], axis=1)
        agg = num / (den[..., None] + 1e-30)
        h = _ln(h + agg.reshape(_N, _HID) @ conv_Wo[i])

        qs = (stars.reshape(_G * _S, _HID) @ sa_Wq[i]).reshape(
            _G, _S, _HEADS, _DH)
        ksn = (h @ sa_Wk[i]).reshape(_N, _HEADS, _DH)
        vsn = (h @ sa_Wv[i]).reshape(_N, _HEADS, _DH)
        qsb = (bmatT @ qs.reshape(_G, _S * _HID)).reshape(_N, _S, _HEADS, _DH)
        scs = (qsb * ksn[:, None]).sum(-1) / jnp.sqrt(float(_DH))
        als = _seg_softmax_dense(scs, bmat, bmatT)
        aggs = (bmat @ (als[..., None] * vsn[:, None]).reshape(
            _N, _S * _HID)).reshape(_G, _S, _HID)
        stars = _ln(stars + (aggs.reshape(_G * _S, _HID) @ sa_Wo[i]).reshape(
            _G, _S, _HID))

    x_out = h @ node_W + node_b
    stars_out = (stars @ star_W + star_b).mean(axis=1)
    return x_out, stars_out, h

# --- scband reference (transcript-rebuilt; emitter-appended) ---
"""Pipeline reference for scband-graph-star-37495064494091 (READ-ONLY COPY).

The authoritative reference and input builder live on the scoring server;
editing this copy changes nothing except your own understanding.
"""

import jax, jax.numpy as jnp
import numpy as np

N = 10000
E = 320000
HID = 128
HEADS = 8
DH = HID // HEADS
S = 4
G = 64
L = 3
NODE_CLS = 16
GRAPH_CLS = 8


def _ln(t, eps=1e-5):
    m = t.mean(-1, keepdims=True)
    v = t.var(-1, keepdims=True)
    return (t - m) / jnp.sqrt(v + eps)


def _seg_softmax(scores, seg, num_segments):
    m = jax.ops.segment_max(scores, seg, num_segments=num_segments)
    m = jnp.where(jnp.isfinite(m), m, 0.0)
    e = jnp.exp(scores - m[seg])
    s = jax.ops.segment_sum(e, seg, num_segments=num_segments)
    return e / (s[seg] + 1e-16)


def _glorot(key, shape):
    fan_in, fan_out = shape[-2], shape[-1]
    return jax.random.normal(key, shape, dtype=jnp.float32) * jnp.sqrt(2.0 / (fan_in + fan_out))


def setup_inputs(seed: int = 0):
    key = jax.random.key(seed)
    ks = jax.random.split(key, 20)
    inp = {}
    inp['x'] = jax.random.normal(ks[0], (N, HID), dtype=jnp.float32)
    inp['edge_index'] = jax.random.randint(ks[1], (2, E), 0, N, dtype=jnp.int32)
    inp['batch'] = jnp.sort(jax.random.randint(ks[2], (N,), 0, G, dtype=jnp.int32))
    inp['fl_W'] = _glorot(ks[3], (HID, HID))
    inp['fl_b'] = jnp.zeros((HID,), jnp.float32)
    inp['si_Wq'] = _glorot(ks[4], (HID, S * HID))
    inp['si_Wk'] = _glorot(ks[5], (HID, S * HID))
    inp['si_Wv'] = _glorot(ks[6], (HID, S * HID))
    inp['conv_Wq'] = _glorot(ks[7], (L, HID, HID))
    inp['conv_Wk'] = _glorot(ks[8], (L, HID, HID))
    inp['conv_Wv'] = _glorot(ks[9], (L, HID, HID))
    inp['conv_Wo'] = _glorot(ks[10], (L, HID, HID))
    inp['sa_Wq'] = _glorot(ks[11], (L, HID, HID))
    inp['sa_Wk'] = _glorot(ks[12], (L, HID, HID))
    inp['sa_Wv'] = _glorot(ks[13], (L, HID, HID))
    inp['sa_Wo'] = _glorot(ks[14], (L, HID, HID))
    inp['node_W'] = _glorot(ks[15], (HID, NODE_CLS))
    inp['node_b'] = jnp.zeros((NODE_CLS,), jnp.float32)
    inp['star_W'] = _glorot(ks[16], (HID, GRAPH_CLS))
    inp['star_b'] = jnp.zeros((GRAPH_CLS,), jnp.float32)
    return inp


def _forward(x, fl_W, fl_b, si_Wq, si_Wk, si_Wv, conv_Wq, conv_Wk, conv_Wv, conv_Wo, sa_Wq, sa_Wk, sa_Wv, sa_Wo, node_W, node_b, star_W, star_b, src, dst, batch):
    # input projection (one_hot_node=False branch): fl + relu
    h = jax.nn.relu(x @ fl_W + fl_b)
    # star init (attn): seed = global mean pool per graph, num_star attention heads over graph nodes
    cnt = jax.ops.segment_sum(jnp.ones((N,), jnp.float32), batch, num_segments=G)
    seed = jax.ops.segment_sum(h, batch, num_segments=G) / jnp.maximum(cnt, 1.0)[:, None]
    q = (seed @ si_Wq).reshape(G, S, HID)
    k = (h @ si_Wk).reshape(N, S, HID)
    v = (h @ si_Wv).reshape(N, S, HID)
    sc = (q[batch] * k).sum(-1) / jnp.sqrt(float(HID))
    al = _seg_softmax(sc, batch, G)
    stars = _ln(jax.ops.segment_sum(al[..., None] * v, batch, num_segments=G))
    for i in range(L):
        # GraphStarConv: multi-head attention over (real + self-loop + star->node) edges
        allh = jnp.concatenate([h, stars.reshape(G * S, HID)], axis=0)
        qc = (allh @ conv_Wq[i]).reshape(-1, HEADS, DH)
        kc = (allh @ conv_Wk[i]).reshape(-1, HEADS, DH)
        vc = (allh @ conv_Wv[i]).reshape(-1, HEADS, DH)
        sce = (qc[dst] * kc[src]).sum(-1) / jnp.sqrt(float(DH))
        ale = _seg_softmax(sce, dst, N)
        agg = jax.ops.segment_sum(ale[..., None] * vc[src], dst, num_segments=N).reshape(N, HID)
        h = _ln(h + agg @ conv_Wo[i])
        # StarAttn: each star attends over its graph's nodes
        qs = (stars.reshape(G * S, HID) @ sa_Wq[i]).reshape(G, S, HEADS, DH)
        ksn = (h @ sa_Wk[i]).reshape(N, HEADS, DH)
        vsn = (h @ sa_Wv[i]).reshape(N, HEADS, DH)
        scs = (qs[batch] * ksn[:, None]).sum(-1) / jnp.sqrt(float(DH))
        als = _seg_softmax(scs, batch, G)
        aggs = jax.ops.segment_sum(als[..., None] * vsn[:, None], batch, num_segments=G).reshape(G, S, HID)
        stars = _ln(stars + (aggs.reshape(G * S, HID) @ sa_Wo[i]).reshape(G, S, HID))
    x_lp = h
    x_out = h @ node_W + node_b
    stars_out = (stars @ star_W + star_b).mean(axis=1)
    return x_out, stars_out, x_lp


def reference(x, edge_index, batch, fl_W, fl_b, si_Wq, si_Wk, si_Wv, conv_Wq, conv_Wk, conv_Wv, conv_Wo, sa_Wq, sa_Wk, sa_Wv, sa_Wo, node_W, node_b, star_W, star_b):
    loop = jnp.arange(N, dtype=edge_index.dtype)
    star_src = (N + batch[:, None] * S + jnp.arange(S, dtype=batch.dtype)[None, :]).reshape(-1)
    star_dst = jnp.repeat(loop, S)
    src = jnp.concatenate([edge_index[0], loop, star_src])
    dst = jnp.concatenate([edge_index[1], loop, star_dst])
    return _forward(x, fl_W, fl_b, si_Wq, si_Wk, si_Wv, conv_Wq, conv_Wk, conv_Wv, conv_Wo, sa_Wq, sa_Wk, sa_Wv, sa_Wo, node_W, node_b, star_W, star_b, src, dst, batch)


if False:  # reference __main__ guard neutralized (emitter)
    out = reference(**setup_inputs())
    print([o.shape for o in out])

if __name__ == "__main__":
    import jax
    _d = setup_inputs()
    print(jax.jit(kernel)(*tuple(_d.values())))

</pallas_src>

<mosaic_0001>
#map = affine_map<(d0, d1) -> (0, 0)>
#map1 = affine_map<(d0, d1) -> (0, 0, 0)>
module attributes {stable_mosaic.version = 14 : i64} {
  func.func @_edge_body(%arg0: i32, %arg1: i32, %arg2: memref<20512x64xbf16, #tpu.memory_space<hbm>>, %arg3: memref<20512x128xbf16, #tpu.memory_space<hbm>>, %arg4: memref<16x182x128xi32, #tpu.memory_space<hbm>>, %arg5: memref<16x182x128xi32, #tpu.memory_space<hbm>>, %arg6: memref<2x16xf32, #tpu.memory_space<hbm>>, %arg7: memref<2x10240x80xf32, #tpu.memory_space<hbm>>, %arg8: memref<128xi32, #tpu.memory_space<vmem>>, %arg9: memref<128xi32, #tpu.memory_space<vmem>>, %arg10: memref<128xi32, #tpu.memory_space<vmem>>, %arg11: memref<128xi32, #tpu.memory_space<vmem>>, %arg12: memref<128xi32, #tpu.memory_space<vmem>>, %arg13: memref<128xi32, #tpu.memory_space<vmem>>, %arg14: memref<128x64xbf16, #tpu.memory_space<vmem>>, %arg15: memref<128x64xbf16, #tpu.memory_space<vmem>>, %arg16: memref<128x128xbf16, #tpu.memory_space<vmem>>, %arg17: memref<128x128xbf16, #tpu.memory_space<vmem>>, %arg18: memref<128x80xf32, #tpu.memory_space<vmem>>, %arg19: memref<128x80xf32, #tpu.memory_space<vmem>>, %arg20: memref<16xf32, #tpu.memory_space<vmem>>, %arg21: memref<10240x80xf32, #tpu.memory_space<vmem_shared>>, %arg22: memref<!tpu.dma_semaphore, #tpu.memory_space<semaphore_mem>>, %arg23: memref<!tpu.dma_semaphore, #tpu.memory_space<semaphore_mem>>, %arg24: memref<!tpu.dma_semaphore, #tpu.memory_space<semaphore_mem>>, %arg25: memref<!tpu.dma_semaphore, #tpu.memory_space<semaphore_mem>>) attributes {dimension_semantics = [#tpu.dimension_semantics<core_parallel>, #tpu.dimension_semantics<subcore_parallel>], iteration_bounds = array<i64: 2, 16>, scalar_prefetch = 0 : i64, scratch_operands = 18 : i64, tpu.core_type = #tpu.core_type<sc_vector_subcore>, window_params = [{transform_indices = #map}, {transform_indices = #map}, {transform_indices = #map1}, {transform_indices = #map1}, {transform_indices = #map}, {transform_indices = #map1}]} {
    "tpu.region"() ({
      %run_scoped3A = tpu.sem_alloc : memref<!tpu.dma_semaphore, #tpu.memory_space<semaphore_mem>>
      %dma_start3A_176 = arith.constant 0 : i32
      %dma_start3A_177 = tpu.memref_slice %arg6[%arg0, %dma_start3A_176] : memref<2x16xf32, #tpu.memory_space<hbm>> -> memref<1x16xf32, #tpu.memory_space<hbm>>
      %dma_start3A_178 = tpu.memref_squeeze %dma_start3A_177 : memref<1x16xf32, #tpu.memory_space<hbm>> -> memref<16xf32, #tpu.memory_space<hbm>>
      %dma_start3A_179 = arith.constant 0 : i32
      %dma_start3A_180 = tpu.memref_slice %arg6[%arg0, %dma_start3A_179] : memref<2x16xf32, #tpu.memory_space<hbm>> -> memref<1x16xf32, #tpu.memory_space<hbm>>
      %dma_start3A_181 = tpu.memref_squeeze %dma_start3A_180 : memref<1x16xf32, #tpu.memory_space<hbm>> -> memref<16xf32, #tpu.memory_space<hbm>>
      tpu.enqueue_dma source(%dma_start3A_181 : memref<16xf32, #tpu.memory_space<hbm>>) target(%arg20 : memref<16xf32, #tpu.memory_space<vmem>>) target_semaphore(%run_scoped3A : memref<!tpu.dma_semaphore, #tpu.memory_space<semaphore_mem>>)
      %dma_wait3A_182 = arith.constant 0 : i32
      %dma_wait3A_183 = tpu.memref_slice %arg6[%arg0, %dma_wait3A_182] : memref<2x16xf32, #tpu.memory_space<hbm>> -> memref<1x16xf32, #tpu.memory_space<hbm>>
      %dma_wait3A_184 = tpu.memref_squeeze %dma_wait3A_183 : memref<1x16xf32, #tpu.memory_space<hbm>> -> memref<16xf32, #tpu.memory_space<hbm>>
      %dma_wait3A_185 = arith.constant 0 : i32
      %dma_wait3A_186 = tpu.memref_slice %arg6[%arg0, %dma_wait3A_185] : memref<2x16xf32, #tpu.memory_space<hbm>> -> memref<1x16xf32, #tpu.memory_space<hbm>>
      %dma_wait3A_187 = tpu.memref_squeeze %dma_wait3A_186 : memref<1x16xf32, #tpu.memory_space<hbm>> -> memref<16xf32, #tpu.memory_space<hbm>>
      tpu.wait_dma2 semaphore(%run_scoped3A : memref<!tpu.dma_semaphore, #tpu.memory_space<semaphore_mem>>) src(%dma_wait3A_187 : memref<16xf32, #tpu.memory_space<hbm>>) dst(%arg20 : memref<16xf32, #tpu.memory_space<vmem>>)
      tpu.yield
    }) : () -> ()
    %scan3A = arith.constant 0 : i32
    %scan3A_0 = arith.constant 0 : i32
    %scan3A_1 = arith.constant 128 : i32
    %scan3A_2 = arith.addi %scan3A_0, %scan3A_1 : i32
    %scan3A_3 = arith.constant 1 : i32
    %scan3A_4 = scf.for %scan3A_176 = %scan3A_0 to %scan3A_2 step %scan3A_3 iter_args(%scan3A_177 = %scan3A) -> (i32)  : i32 {
      %broadcast_in_dim3A = arith.constant 0.000000e+00 : f32
      %broadcast_in_dim3A_178 = vector.broadcast %broadcast_in_dim3A : f32 to vector<16xf32>
      %swap3A_179 = arith.index_cast %scan3A_176 : i32 to index
      %swap3A_180 = arith.constant 0 : index
      %swap3A_181 = tpu.vector_load %arg18[%swap3A_179, %swap3A_180] {strides = array<i32>} : memref<128x80xf32, #tpu.memory_space<vmem>>, vector<16xf32>,
      tpu.vector_store %arg18[%swap3A_179, %swap3A_180], %broadcast_in_dim3A_178 {strides = array<i32>} : memref<128x80xf32, #tpu.memory_space<vmem>>, vector<16xf32>,
      %broadcast_in_dim3A_182 = arith.constant 0.000000e+00 : f32
      %broadcast_in_dim3A_183 = vector.broadcast %broadcast_in_dim3A_182 : f32 to vector<16xf32>
      %swap3A_184 = arith.index_cast %scan3A_176 : i32 to index
      %swap3A_185 = arith.constant 16 : index
      %swap3A_186 = tpu.vector_load %arg18[%swap3A_184, %swap3A_185] {strides = array<i32>} : memref<128x80xf32, #tpu.memory_space<vmem>>, vector<16xf32>,
      tpu.vector_store %arg18[%swap3A_184, %swap3A_185], %broadcast_in_dim3A_183 {strides = array<i32>} : memref<128x80xf32, #tpu.memory_space<vmem>>, vector<16xf32>,
      %broadcast_in_dim3A_187 = arith.constant 0.000000e+00 : f32
      %broadcast_in_dim3A_188 = vector.broadcast %broadcast_in_dim3A_187 : f32 to vector<16xf32>
      %swap3A_189 = arith.index_cast %scan3A_176 : i32 to index
      %swap3A_190 = arith.constant 32 : index
      %swap3A_191 = tpu.vector_load %arg18[%swap3A_189, %swap3A_190] {strides = array<i32>} : memref<128x80xf32, #tpu.memory_space<vmem>>, vector<16xf32>,
      tpu.vector_store %arg18[%swap3A_189, %swap3A_190], %broadcast_in_dim3A_188 {strides = array<i32>} : memref<128x80xf32, #tpu.memory_space<vmem>>, vector<16xf32>,
      %broadcast_in_dim3A_192 = arith.constant 0.000000e+00 : f32
      %broadcast_in_dim3A_193 = vector.broadcast %broadcast_in_dim3A_192 : f32 to vector<16xf32>
      %swap3A_194 = arith.index_cast %scan3A_176 : i32 to index
      %swap3A_195 = arith.constant 48 : index
      %swap3A_196 = tpu.vector_load %arg18[%swap3A_194, %swap3A_195] {strides = array<i32>} : memref<128x80xf32, #tpu.memory_space<vmem>>, vector<16xf32>,
      tpu.vector_store %arg18[%swap3A_194, %swap3A_195], %broadcast_in_dim3A_193 {strides = array<i32>} : memref<128x80xf32, #tpu.memory_space<vmem>>, vector<16xf32>,
      %broadcast_in_dim3A_197 = arith.constant 0.000000e+00 : f32
      %broadcast_in_dim3A_198 = vector.broadcast %broadcast_in_dim3A_197 : f32 to vector<16xf32>
      %swap3A_199 = arith.index_cast %scan3A_176 : i32 to index
      %swap3A_200 = arith.constant 64 : index
      %swap3A_201 = tpu.vector_load %arg18[%swap3A_199, %swap3A_200] {strides = array<i32>} : memref<128x80xf32, #tpu.memory_space<vmem>>, vector<16xf32>,
      tpu.vector_store %arg18[%swap3A_199, %swap3A_200], %broadcast_in_dim3A_198 {strides = array<i32>} : memref<128x80xf32, #tpu.memory_space<vmem>>, vector<16xf32>,
      %scan3A_202 = arith.constant 0 : i32
      scf.yield %scan3A_202 : i32
    }
    %scan3A_5 = arith.constant 128 : i32
    %mul3A = arith.constant 640 : i32
    %mul3A_6 = arith.muli %arg1, %mul3A : i32
    %add3A = arith.constant 0 : i32
    %add3A_7 = arith.addi %mul3A_6, %add3A : i32
    "tpu.region"() ({
      %run_scoped3A = tpu.sem_alloc : memref<!tpu.dma_semaphore, #tpu.memory_space<semaphore_mem>>
      %dma_start3A_176 = arith.constant 0 : i32
      %dma_start3A_177 = tpu.memref_slice %arg21[%add3A_7, %dma_start3A_176] : memref<10240x80xf32, #tpu.memory_space<vmem_shared>> -> memref<128x80xf32, #tpu.memory_space<vmem_shared>>
      %dma_start3A_178 = arith.constant 0 : i32
      %dma_start3A_179 = tpu.memref_slice %arg21[%add3A_7, %dma_start3A_178] : memref<10240x80xf32, #tpu.memory_space<vmem_shared>> -> memref<128x80xf32, #tpu.memory_space<vmem_shared>>
      tpu.enqueue_dma source(%arg18 : memref<128x80xf32, #tpu.memory_space<vmem>>) target(%dma_start3A_179 : memref<128x80xf32, #tpu.memory_space<vmem_shared>>) target_semaphore(%run_scoped3A : memref<!tpu.dma_semaphore, #tpu.memory_space<semaphore_mem>>)
      %dma_wait3A_180 = arith.constant 0 : i32
      %dma_wait3A_181 = tpu.memref_slice %arg21[%add3A_7, %dma_wait3A_180] : memref<10240x80xf32, #tpu.memory_space<vmem_shared>> -> memref<128x80xf32, #tpu.memory_space<vmem_shared>>
      %dma_wait3A_182 = arith.constant 0 : i32
      %dma_wait3A_183 = tpu.memref_slice %arg21[%add3A_7, %dma_wait3A_182] : memref<10240x80xf32, #tpu.memory_space<vmem_shared>> -> memref<128x80xf32, #tpu.memory_space<vmem_shared>>
      tpu.wait_dma2 semaphore(%run_scoped3A : memref<!tpu.dma_semaphore, #tpu.memory_space<semaphore_mem>>) src(%arg18 : memref<128x80xf32, #tpu.memory_space<vmem>>) dst(%dma_wait3A_183 : memref<128x80xf32, #tpu.memory_space<vmem_shared>>)
      tpu.yield
    }) : () -> ()
    %add3A_8 = arith.constant 128 : i32
    %add3A_9 = arith.addi %mul3A_6, %add3A_8 : i32
    "tpu.region"() ({
      %run_scoped3A = tpu.sem_alloc : memref<!tpu.dma_semaphore, #tpu.memory_space<semaphore_mem>>
      %dma_start3A_176 = arith.constant 0 : i32
      %dma_start3A_177 = tpu.memref_slice %arg21[%add3A_9, %dma_start3A_176] : memref<10240x80xf32, #tpu.memory_space<vmem_shared>> -> memref<128x80xf32, #tpu.memory_space<vmem_shared>>
      %dma_start3A_178 = arith.constant 0 : i32
      %dma_start3A_179 = tpu.memref_slice %arg21[%add3A_9, %dma_start3A_178] : memref<10240x80xf32, #tpu.memory_space<vmem_shared>> -> memref<128x80xf32, #tpu.memory_space<vmem_shared>>
      tpu.enqueue_dma source(%arg18 : memref<128x80xf32, #tpu.memory_space<vmem>>) target(%dma_start3A_179 : memref<128x80xf32, #tpu.memory_space<vmem_shared>>) target_semaphore(%run_scoped3A : memref<!tpu.dma_semaphore, #tpu.memory_space<semaphore_mem>>)
      %dma_wait3A_180 = arith.constant 0 : i32
      %dma_wait3A_181 = tpu.memref_slice %arg21[%add3A_9, %dma_wait3A_180] : memref<10240x80xf32, #tpu.memory_space<vmem_shared>> -> memref<128x80xf32, #tpu.memory_space<vmem_shared>>
      %dma_wait3A_182 = arith.constant 0 : i32
      %dma_wait3A_183 = tpu.memref_slice %arg21[%add3A_9, %dma_wait3A_182] : memref<10240x80xf32, #tpu.memory_space<vmem_shared>> -> memref<128x80xf32, #tpu.memory_space<vmem_shared>>
      tpu.wait_dma2 semaphore(%run_scoped3A : memref<!tpu.dma_semaphore, #tpu.memory_space<semaphore_mem>>) src(%arg18 : memref<128x80xf32, #tpu.memory_space<vmem>>) dst(%dma_wait3A_183 : memref<128x80xf32, #tpu.memory_space<vmem_shared>>)
      tpu.yield
    }) : () -> ()
    %add3A_10 = arith.constant 256 : i32
    %add3A_11 = arith.addi %mul3A_6, %add3A_10 : i32
    "tpu.region"() ({
      %run_scoped3A = tpu.sem_alloc : memref<!tpu.dma_semaphore, #tpu.memory_space<semaphore_mem>>
      %dma_start3A_176 = arith.constant 0 : i32
      %dma_start3A_177 = tpu.memref_slice %arg21[%add3A_11, %dma_start3A_176] : memref<10240x80xf32, #tpu.memory_space<vmem_shared>> -> memref<128x80xf32, #tpu.memory_space<vmem_shared>>
      %dma_start3A_178 = arith.constant 0 : i32
      %dma_start3A_179 = tpu.memref_slice %arg21[%add3A_11, %dma_start3A_178] : memref<10240x80xf32, #tpu.memory_space<vmem_shared>> -> memref<128x80xf32, #tpu.memory_space<vmem_shared>>
      tpu.enqueue_dma source(%arg18 : memref<128x80xf32, #tpu.memory_space<vmem>>) target(%dma_start3A_179 : memref<128x80xf32, #tpu.memory_space<vmem_shared>>) target_semaphore(%run_scoped3A : memref<!tpu.dma_semaphore, #tpu.memory_space<semaphore_mem>>)
      %dma_wait3A_180 = arith.constant 0 : i32
      %dma_wait3A_181 = tpu.memref_slice %arg21[%add3A_11, %dma_wait3A_180] : memref<10240x80xf32, #tpu.memory_space<vmem_shared>> -> memref<128x80xf32, #tpu.memory_space<vmem_shared>>
      %dma_wait3A_182 = arith.constant 0 : i32
      %dma_wait3A_183 = tpu.memref_slice %arg21[%add3A_11, %dma_wait3A_182] : memref<10240x80xf32, #tpu.memory_space<vmem_shared>> -> memref<128x80xf32, #tpu.memory_space<vmem_shared>>
      tpu.wait_dma2 semaphore(%run_scoped3A : memref<!tpu.dma_semaphore, #tpu.memory_space<semaphore_mem>>) src(%arg18 : memref<128x80xf32, #tpu.memory_space<vmem>>) dst(%dma_wait3A_183 : memref<128x80xf32, #tpu.memory_space<vmem_shared>>)
      tpu.yield
    }) : () -> ()
    %add3A_12 = arith.constant 384 : i32
    %add3A_13 = arith.addi %mul3A_6, %add3A_12 : i32
    "tpu.region"() ({
      %run_scoped3A = tpu.sem_alloc : memref<!tpu.dma_semaphore, #tpu.memory_space<semaphore_mem>>
      %dma_start3A_176 = arith.constant 0 : i32
      %dma_start3A_177 = tpu.memref_slice %arg21[%add3A_13, %dma_start3A_176] : memref<10240x80xf32, #tpu.memory_space<vmem_shared>> -> memref<128x80xf32, #tpu.memory_space<vmem_shared>>
      %dma_start3A_178 = arith.constant 0 : i32
      %dma_start3A_179 = tpu.memref_slice %arg21[%add3A_13, %dma_start3A_178] : memref<10240x80xf32, #tpu.memory_space<vmem_shared>> -> memref<128x80xf32, #tpu.memory_space<vmem_shared>>
      tpu.enqueue_dma source(%arg18 : memref<128x80xf32, #tpu.memory_space<vmem>>) target(%dma_start3A_179 : memref<128x80xf32, #tpu.memory_space<vmem_shared>>) target_semaphore(%run_scoped3A : memref<!tpu.dma_semaphore, #tpu.memory_space<semaphore_mem>>)
      %dma_wait3A_180 = arith.constant 0 : i32
      %dma_wait3A_181 = tpu.memref_slice %arg21[%add3A_13, %dma_wait3A_180] : memref<10240x80xf32, #tpu.memory_space<vmem_shared>> -> memref<128x80xf32, #tpu.memory_space<vmem_shared>>
      %dma_wait3A_182 = arith.constant 0 : i32
      %dma_wait3A_183 = tpu.memref_slice %arg21[%add3A_13, %dma_wait3A_182] : memref<10240x80xf32, #tpu.memory_space<vmem_shared>> -> memref<128x80xf32, #tpu.memory_space<vmem_shared>>
      tpu.wait_dma2 semaphore(%run_scoped3A : memref<!tpu.dma_semaphore, #tpu.memory_space<semaphore_mem>>) src(%arg18 : memref<128x80xf32, #tpu.memory_space<vmem>>) dst(%dma_wait3A_183 : memref<128x80xf32, #tpu.memory_space<vmem_shared>>)
      tpu.yield
    }) : () -> ()
    %add3A_14 = arith.constant 512 : i32
    %add3A_15 = arith.addi %mul3A_6, %add3A_14 : i32
    "tpu.region"() ({
      %run_scoped3A = tpu.sem_alloc : memref<!tpu.dma_semaphore, #tpu.memory_space<semaphore_mem>>
      %dma_start3A_176 = arith.constant 0 : i32
      %dma_start3A_177 = tpu.memref_slice %arg21[%add3A_15, %dma_start3A_176] : memref<10240x80xf32, #tpu.memory_space<vmem_shared>> -> memref<128x80xf32, #tpu.memory_space<vmem_shared>>
      %dma_start3A_178 = arith.constant 0 : i32
      %dma_start3A_179 = tpu.memref_slice %arg21[%add3A_15, %dma_start3A_178] : memref<10240x80xf32, #tpu.memory_space<vmem_shared>> -> memref<128x80xf32, #tpu.memory_space<vmem_shared>>
      tpu.enqueue_dma source(%arg18 : memref<128x80xf32, #tpu.memory_space<vmem>>) target(%dma_start3A_179 : memref<128x80xf32, #tpu.memory_space<vmem_shared>>) target_semaphore(%run_scoped3A : memref<!tpu.dma_semaphore, #tpu.memory_space<semaphore_mem>>)
      %dma_wait3A_180 = arith.constant 0 : i32
      %dma_wait3A_181 = tpu.memref_slice %arg21[%add3A_15, %dma_wait3A_180] : memref<10240x80xf32, #tpu.memory_space<vmem_shared>> -> memref<128x80xf32, #tpu.memory_space<vmem_shared>>
      %dma_wait3A_182 = arith.constant 0 : i32
      %dma_wait3A_183 = tpu.memref_slice %arg21[%add3A_15, %dma_wait3A_182] : memref<10240x80xf32, #tpu.memory_space<vmem_shared>> -> memref<128x80xf32, #tpu.memory_space<vmem_shared>>
      tpu.wait_dma2 semaphore(%run_scoped3A : memref<!tpu.dma_semaphore, #tpu.memory_space<semaphore_mem>>) src(%arg18 : memref<128x80xf32, #tpu.memory_space<vmem>>) dst(%dma_wait3A_183 : memref<128x80xf32, #tpu.memory_space<vmem_shared>>)
      tpu.yield
    }) : () -> ()
    %barrier3A = arith.constant 0 : index
    tpu.barrier barrier_id(%barrier3A)
    %mul3A_16 = arith.constant 10256 : i32
    %mul3A_17 = arith.muli %arg0, %mul3A_16 : i32
    %dma_start3A = arith.constant 0 : i32
    %dma_start3A_18 = arith.constant 0 : i32
    %dma_start3A_19 = tpu.memref_slice %arg4[%arg1, %dma_start3A, %dma_start3A_18] : memref<16x182x128xi32, #tpu.memory_space<hbm>> -> memref<1x1x128xi32, #tpu.memory_space<hbm>>
    %dma_start3A_20 = tpu.memref_squeeze %dma_start3A_19 : memref<1x1x128xi32, #tpu.memory_space<hbm>> -> memref<128xi32, #tpu.memory_space<hbm>>
    %dma_start3A_21 = arith.constant 0 : i32
    %dma_start3A_22 = tpu.memref_slice %arg4[%arg1, %dma_start3A, %dma_start3A_21] : memref<16x182x128xi32, #tpu.memory_space<hbm>> -> memref<1x1x128xi32, #tpu.memory_space<hbm>>
    %dma_start3A_23 = tpu.memref_squeeze %dma_start3A_22 : memref<1x1x128xi32, #tpu.memory_space<hbm>> -> memref<128xi32, #tpu.memory_space<hbm>>
    tpu.enqueue_dma source(%dma_start3A_23 : memref<128xi32, #tpu.memory_space<hbm>>) target(%arg10 : memref<128xi32, #tpu.memory_space<vmem>>) target_semaphore(%arg24 : memref<!tpu.dma_semaphore, #tpu.memory_space<semaphore_mem>>)
    %dma_start3A_24 = arith.constant 0 : i32
    %dma_start3A_25 = arith.constant 0 : i32
    %dma_start3A_26 = tpu.memref_slice %arg5[%arg1, %dma_start3A_24, %dma_start3A_25] : memref<16x182x128xi32, #tpu.memory_space<hbm>> -> memref<1x1x128xi32, #tpu.memory_space<hbm>>
    %dma_start3A_27 = tpu.memref_squeeze %dma_start3A_26 : memref<1x1x128xi32, #tpu.memory_space<hbm>> -> memref<128xi32, #tpu.memory_space<hbm>>
    %dma_start3A_28 = arith.constant 0 : i32
    %dma_start3A_29 = tpu.memref_slice %arg5[%arg1, %dma_start3A_24, %dma_start3A_28] : memref<16x182x128xi32, #tpu.memory_space<hbm>> -> memref<1x1x128xi32, #tpu.memory_space<hbm>>
    %dma_start3A_30 = tpu.memref_squeeze %dma_start3A_29 : memref<1x1x128xi32, #tpu.memory_space<hbm>> -> memref<128xi32, #tpu.memory_space<hbm>>
    tpu.enqueue_dma source(%dma_start3A_30 : memref<128xi32, #tpu.memory_space<hbm>>) target(%arg8 : memref<128xi32, #tpu.memory_space<vmem>>) target_semaphore(%arg24 : memref<!tpu.dma_semaphore, #tpu.memory_space<semaphore_mem>>)
    %dma_start3A_31 = arith.constant 1 : i32
    %dma_start3A_32 = arith.constant 0 : i32
    %dma_start3A_33 = tpu.memref_slice %arg4[%arg1, %dma_start3A_31, %dma_start3A_32] : memref<16x182x128xi32, #tpu.memory_space<hbm>> -> memref<1x1x128xi32, #tpu.memory_space<hbm>>
    %dma_start3A_34 = tpu.memref_squeeze %dma_start3A_33 : memref<1x1x128xi32, #tpu.memory_space<hbm>> -> memref<128xi32, #tpu.memory_space<hbm>>
    %dma_start3A_35 = arith.constant 0 : i32
    %dma_start3A_36 = tpu.memref_slice %arg4[%arg1, %dma_start3A_31, %dma_start3A_35] : memref<16x182x128xi32, #tpu.memory_space<hbm>> -> memref<1x1x128xi32, #tpu.memory_space<hbm>>
    %dma_start3A_37 = tpu.memref_squeeze %dma_start3A_36 : memref<1x1x128xi32, #tpu.memory_space<hbm>> -> memref<128xi32, #tpu.memory_space<hbm>>
    tpu.enqueue_dma source(%dma_start3A_37 : memref<128xi32, #tpu.memory_space<hbm>>) target(%arg11 : memref<128xi32, #tpu.memory_space<vmem>>) target_semaphore(%arg25 : memref<!tpu.dma_semaphore, #tpu.memory_space<semaphore_mem>>)
    %dma_start3A_38 = arith.constant 1 : i32
    %dma_start3A_39 = arith.constant 0 : i32
    %dma_start3A_40 = tpu.memref_slice %arg5[%arg1, %dma_start3A_38, %dma_start3A_39] : memref<16x182x128xi32, #tpu.memory_space<hbm>> -> memref<1x1x128xi32, #tpu.memory_space<hbm>>
    %dma_start3A_41 = tpu.memref_squeeze %dma_start3A_40 : memref<1x1x128xi32, #tpu.memory_space<hbm>> -> memref<128xi32, #tpu.memory_space<hbm>>
    %dma_start3A_42 = arith.constant 0 : i32
    %dma_start3A_43 = tpu.memref_slice %arg5[%arg1, %dma_start3A_38, %dma_start3A_42] : memref<16x182x128xi32, #tpu.memory_space<hbm>> -> memref<1x1x128xi32, #tpu.memory_space<hbm>>
    %dma_start3A_44 = tpu.memref_squeeze %dma_start3A_43 : memref<1x1x128xi32, #tpu.memory_space<hbm>> -> memref<128xi32, #tpu.memory_space<hbm>>
    tpu.enqueue_dma source(%dma_start3A_44 : memref<128xi32, #tpu.memory_space<hbm>>) target(%arg9 : memref<128xi32, #tpu.memory_space<vmem>>) target_semaphore(%arg25 : memref<!tpu.dma_semaphore, #tpu.memory_space<semaphore_mem>>)
    %dma_wait3A = arith.constant 0 : i32
    %dma_wait3A_45 = arith.constant 0 : i32
    %dma_wait3A_46 = tpu.memref_slice %arg4[%arg1, %dma_wait3A, %dma_wait3A_45] : memref<16x182x128xi32, #tpu.memory_space<hbm>> -> memref<1x1x128xi32, #tpu.memory_space<hbm>>
    %dma_wait3A_47 = tpu.memref_squeeze %dma_wait3A_46 : memref<1x1x128xi32, #tpu.memory_space<hbm>> -> memref<128xi32, #tpu.memory_space<hbm>>
    %dma_wait3A_48 = arith.constant 0 : i32
    %dma_wait3A_49 = tpu.memref_slice %arg4[%arg1, %dma_wait3A, %dma_wait3A_48] : memref<16x182x128xi32, #tpu.memory_space<hbm>> -> memref<1x1x128xi32, #tpu.memory_space<hbm>>
    %dma_wait3A_50 = tpu.memref_squeeze %dma_wait3A_49 : memref<1x1x128xi32, #tpu.memory_space<hbm>> -> memref<128xi32, #tpu.memory_space<hbm>>
    tpu.wait_dma2 semaphore(%arg24 : memref<!tpu.dma_semaphore, #tpu.memory_space<semaphore_mem>>) src(%dma_wait3A_50 : memref<128xi32, #tpu.memory_space<hbm>>) dst(%arg10 : memref<128xi32, #tpu.memory_space<vmem>>)
    %dma_wait3A_51 = arith.constant 0 : i32
    %dma_wait3A_52 = arith.constant 0 : i32
    %dma_wait3A_53 = tpu.memref_slice %arg5[%arg1, %dma_wait3A_51, %dma_wait3A_52] : memref<16x182x128xi32, #tpu.memory_space<hbm>> -> memref<1x1x128xi32, #tpu.memory_space<hbm>>
    %dma_wait3A_54 = tpu.memref_squeeze %dma_wait3A_53 : memref<1x1x128xi32, #tpu.memory_space<hbm>> -> memref<128xi32, #tpu.memory_space<hbm>>
    %dma_wait3A_55 = arith.constant 0 : i32
    %dma_wait3A_56 = tpu.memref_slice %arg5[%arg1, %dma_wait3A_51, %dma_wait3A_55] : memref<16x182x128xi32, #tpu.memory_space<hbm>> -> memref<1x1x128xi32, #tpu.memory_space<hbm>>
    %dma_wait3A_57 = tpu.memref_squeeze %dma_wait3A_56 : memref<1x1x128xi32, #tpu.memory_space<hbm>> -> memref<128xi32, #tpu.memory_space<hbm>>
    tpu.wait_dma2 semaphore(%arg24 : memref<!tpu.dma_semaphore, #tpu.memory_space<semaphore_mem>>) src(%dma_wait3A_57 : memref<128xi32, #tpu.memory_space<hbm>>) dst(%arg8 : memref<128xi32, #tpu.memory_space<vmem>>)
    %get3A = arith.constant 0 : index
    %get3A_58 = tpu.vector_load %arg10[%get3A] {strides = array<i32>} : memref<128xi32, #tpu.memory_space<vmem>>, vector<16xi32>,
    %add3A_59 = vector.broadcast %mul3A_17 : i32 to vector<16xi32>
    %add3A_60 = arith.addi %get3A_58, %add3A_59 : vector<16xi32>
    %swap3A = arith.constant 0 : index
    %swap3A_61 = tpu.vector_load %arg10[%swap3A] {strides = array<i32>} : memref<128xi32, #tpu.memory_space<vmem>>, vector<16xi32>,
    tpu.vector_store %arg10[%swap3A], %add3A_60 {strides = array<i32>} : memref<128xi32, #tpu.memory_space<vmem>>, vector<16xi32>,
    %get3A_62 = arith.constant 0 : index
    %get3A_63 = tpu.vector_load %arg8[%get3A_62] {strides = array<i32>} : memref<128xi32, #tpu.memory_space<vmem>>, vector<16xi32>,
    %add3A_64 = vector.broadcast %mul3A_17 : i32 to vector<16xi32>
    %add3A_65 = arith.addi %get3A_63, %add3A_64 : vector<16xi32>
    %swap3A_66 = arith.constant 0 : index
    %swap3A_67 = tpu.vector_load %arg12[%swap3A_66] {strides = array<i32>} : memref<128xi32, #tpu.memory_space<vmem>>, vector<16xi32>,
    tpu.vector_store %arg12[%swap3A_66], %add3A_65 {strides = array<i32>} : memref<128xi32, #tpu.memory_space<vmem>>, vector<16xi32>,
    %get3A_68 = arith.constant 16 : index
    %get3A_69 = tpu.vector_load %arg10[%get3A_68] {strides = array<i32>} : memref<128xi32, #tpu.memory_space<vmem>>, vector<16xi32>,
    %add3A_70 = vector.broadcast %mul3A_17 : i32 to vector<16xi32>
    %add3A_71 = arith.addi %get3A_69, %add3A_70 : vector<16xi32>
    %swap3A_72 = arith.constant 16 : index
    %swap3A_73 = tpu.vector_load %arg10[%swap3A_72] {strides = array<i32>} : memref<128xi32, #tpu.memory_space<vmem>>, vector<16xi32>,
    tpu.vector_store %arg10[%swap3A_72], %add3A_71 {strides = array<i32>} : memref<128xi32, #tpu.memory_space<vmem>>, vector<16xi32>,
    %get3A_74 = arith.constant 16 : index
    %get3A_75 = tpu.vector_load %arg8[%get3A_74] {strides = array<i32>} : memref<128xi32, #tpu.memory_space<vmem>>, vector<16xi32>,
    %add3A_76 = vector.broadcast %mul3A_17 : i32 to vector<16xi32>
    %add3A_77 = arith.addi %get3A_75, %add3A_76 : vector<16xi32>
    %swap3A_78 = arith.constant 16 : index
    %swap3A_79 = tpu.vector_load %arg12[%swap3A_78] {strides = array<i32>} : memref<128xi32, #tpu.memory_space<vmem>>, vector<16xi32>,
    tpu.vector_store %arg12[%swap3A_78], %add3A_77 {strides = array<i32>} : memref<128xi32, #tpu.memory_space<vmem>>, vector<16xi32>,
    %get3A_80 = arith.constant 32 : index
    %get3A_81 = tpu.vector_load %arg10[%get3A_80] {strides = array<i32>} : memref<128xi32, #tpu.memory_space<vmem>>, vector<16xi32>,
    %add3A_82 = vector.broadcast %mul3A_17 : i32 to vector<16xi32>
    %add3A_83 = arith.addi %get3A_81, %add3A_82 : vector<16xi32>
    %swap3A_84 = arith.constant 32 : index
    %swap3A_85 = tpu.vector_load %arg10[%swap3A_84] {strides = array<i32>} : memref<128xi32, #tpu.memory_space<vmem>>, vector<16xi32>,
    tpu.vector_store %arg10[%swap3A_84], %add3A_83 {strides = array<i32>} : memref<128xi32, #tpu.memory_space<vmem>>, vector<16xi32>,
    %get3A_86 = arith.constant 32 : index
    %get3A_87 = tpu.vector_load %arg8[%get3A_86] {strides = array<i32>} : memref<128xi32, #tpu.memory_space<vmem>>, vector<16xi32>,
    %add3A_88 = vector.broadcast %mul3A_17 : i32 to vector<16xi32>
    %add3A_89 = arith.addi %get3A_87, %add3A_88 : vector<16xi32>
    %swap3A_90 = arith.constant 32 : index
    %swap3A_91 = tpu.vector_load %arg12[%swap3A_90] {strides = array<i32>} : memref<128xi32, #tpu.memory_space<vmem>>, vector<16xi32>,
    tpu.vector_store %arg12[%swap3A_90], %add3A_89 {strides = array<i32>} : memref<128xi32, #tpu.memory_space<vmem>>, vector<16xi32>,
    %get3A_92 = arith.constant 48 : index
    %get3A_93 = tpu.vector_load %arg10[%get3A_92] {strides = array<i32>} : memref<128xi32, #tpu.memory_space<vmem>>, vector<16xi32>,
    %add3A_94 = vector.broadcast %mul3A_17 : i32 to vector<16xi32>
    %add3A_95 = arith.addi %get3A_93, %add3A_94 : vector<16xi32>
    %swap3A_96 = arith.constant 48 : index
    %swap3A_97 = tpu.vector_load %arg10[%swap3A_96] {strides = array<i32>} : memref<128xi32, #tpu.memory_space<vmem>>, vector<16xi32>,
    tpu.vector_store %arg10[%swap3A_96], %add3A_95 {strides = array<i32>} : memref<128xi32, #tpu.memory_space<vmem>>, vector<16xi32>,
    %get3A_98 = arith.constant 48 : index
    %get3A_99 = tpu.vector_load %arg8[%get3A_98] {strides = array<i32>} : memref<128xi32, #tpu.memory_space<vmem>>, vector<16xi32>,
    %add3A_100 = vector.broadcast %mul3A_17 : i32 to vector<16xi32>
    %add3A_101 = arith.addi %get3A_99, %add3A_100 : vector<16xi32>
    %swap3A_102 = arith.constant 48 : index
    %swap3A_103 = tpu.vector_load %arg12[%swap3A_102] {strides = array<i32>} : memref<128xi32, #tpu.memory_space<vmem>>, vector<16xi32>,
    tpu.vector_store %arg12[%swap3A_102], %add3A_101 {strides = array<i32>} : memref<128xi32, #tpu.memory_space<vmem>>, vector<16xi32>,
    %get3A_104 = arith.constant 64 : index
    %get3A_105 = tpu.vector_load %arg10[%get3A_104] {strides = array<i32>} : memref<128xi32, #tpu.memory_space<vmem>>, vector<16xi32>,
    %add3A_106 = vector.broadcast %mul3A_17 : i32 to vector<16xi32>
    %add3A_107 = arith.addi %get3A_105, %add3A_106 : vector<16xi32>
    %swap3A_108 = arith.constant 64 : index
    %swap3A_109 = tpu.vector_load %arg10[%swap3A_108] {strides = array<i32>} : memref<128xi32, #tpu.memory_space<vmem>>, vector<16xi32>,
    tpu.vector_store %arg10[%swap3A_108], %add3A_107 {strides = array<i32>} : memref<128xi32, #tpu.memory_space<vmem>>, vector<16xi32>,
    %get3A_110 = arith.constant 64 : index
    %get3A_111 = tpu.vector_load %arg8[%get3A_110] {strides = array<i32>} : memref<128xi32, #tpu.memory_space<vmem>>, vector<16xi32>,
    %add3A_112 = vector.broadcast %mul3A_17 : i32 to vector<16xi32>
    %add3A_113 = arith.addi %get3A_111, %add3A_112 : vector<16xi32>
    %swap3A_114 = arith.constant 64 : index
    %swap3A_115 = tpu.vector_load %arg12[%swap3A_114] {strides = array<i32>} : memref<128xi32, #tpu.memory_space<vmem>>, vector<16xi32>,
    tpu.vector_store %arg12[%swap3A_114], %add3A_113 {strides = array<i32>} : memref<128xi32, #tpu.memory_space<vmem>>, vector<16xi32>,
    %get3A_116 = arith.constant 80 : index
    %get3A_117 = tpu.vector_load %arg10[%get3A_116] {strides = array<i32>} : memref<128xi32, #tpu.memory_space<vmem>>, vector<16xi32>,
    %add3A_118 = vector.broadcast %mul3A_17 : i32 to vector<16xi32>
    %add3A_119 = arith.addi %get3A_117, %add3A_118 : vector<16xi32>
    %swap3A_120 = arith.constant 80 : index
    %swap3A_121 = tpu.vector_load %arg10[%swap3A_120] {strides = array<i32>} : memref<128xi32, #tpu.memory_space<vmem>>, vector<16xi32>,
    tpu.vector_store %arg10[%swap3A_120], %add3A_119 {strides = array<i32>} : memref<128xi32, #tpu.memory_space<vmem>>, vector<16xi32>,
    %get3A_122 = arith.constant 80 : index
    %get3A_123 = tpu.vector_load %arg8[%get3A_122] {strides = array<i32>} : memref<128xi32, #tpu.memory_space<vmem>>, vector<16xi32>,
    %add3A_124 = vector.broadcast %mul3A_17 : i32 to vector<16xi32>
    %add3A_125 = arith.addi %get3A_123, %add3A_124 : vector<16xi32>
    %swap3A_126 = arith.constant 80 : index
    %swap3A_127 = tpu.vector_load %arg12[%swap3A_126] {strides = array<i32>} : memref<128xi32, #tpu.memory_space<vmem>>, vector<16xi32>,
    tpu.vector_store %arg12[%swap3A_126], %add3A_125 {strides = array<i32>} : memref<128xi32, #tpu.memory_space<vmem>>, vector<16xi32>,
    %get3A_128 = arith.constant 96 : index
    %get3A_129 = tpu.vector_load %arg10[%get3A_128] {strides = array<i32>} : memref<128xi32, #tpu.memory_space<vmem>>, vector<16xi32>,
    %add3A_130 = vector.broadcast %mul3A_17 : i32 to vector<16xi32>
    %add3A_131 = arith.addi %get3A_129, %add3A_130 : vector<16xi32>
    %swap3A_132 = arith.constant 96 : index
    %swap3A_133 = tpu.vector_load %arg10[%swap3A_132] {strides = array<i32>} : memref<128xi32, #tpu.memory_space<vmem>>, vector<16xi32>,
    tpu.vector_store %arg10[%swap3A_132], %add3A_131 {strides = array<i32>} : memref<128xi32, #tpu.memory_space<vmem>>, vector<16xi32>,
    %get3A_134 = arith.constant 96 : index
    %get3A_135 = tpu.vector_load %arg8[%get3A_134] {strides = array<i32>} : memref<128xi32, #tpu.memory_space<vmem>>, vector<16xi32>,
    %add3A_136 = vector.broadcast %mul3A_17 : i32 to vector<16xi32>
    %add3A_137 = arith.addi %get3A_135, %add3A_136 : vector<16xi32>
    %swap3A_138 = arith.constant 96 : index
    %swap3A_139 = tpu.vector_load %arg12[%swap3A_138] {strides = array<i32>} : memref<128xi32, #tpu.memory_space<vmem>>, vector<16xi32>,
    tpu.vector_store %arg12[%swap3A_138], %add3A_137 {strides = array<i32>} : memref<128xi32, #tpu.memory_space<vmem>>, vector<16xi32>,
    %get3A_140 = arith.constant 112 : index
    %get3A_141 = tpu.vector_load %arg10[%get3A_140] {strides = array<i32>} : memref<128xi32, #tpu.memory_space<vmem>>, vector<16xi32>,
    %add3A_142 = vector.broadcast %mul3A_17 : i32 to vector<16xi32>
    %add3A_143 = arith.addi %get3A_141, %add3A_142 : vector<16xi32>
    %swap3A_144 = arith.constant 112 : index
    %swap3A_145 = tpu.vector_load %arg10[%swap3A_144] {strides = array<i32>} : memref<128xi32, #tpu.memory_space<vmem>>, vector<16xi32>,
    tpu.vector_store %arg10[%swap3A_144], %add3A_143 {strides = array<i32>} : memref<128xi32, #tpu.memory_space<vmem>>, vector<16xi32>,
    %get3A_146 = arith.constant 112 : index
    %get3A_147 = tpu.vector_load %arg8[%get3A_146] {strides = array<i32>} : memref<128xi32, #tpu.memory_space<vmem>>, vector<16xi32>,
    %add3A_148 = vector.broadcast %mul3A_17 : i32 to vector<16xi32>
    %add3A_149 = arith.addi %get3A_147, %add3A_148 : vector<16xi32>
    %swap3A_150 = arith.constant 112 : index
    %swap3A_151 = tpu.vector_load %arg12[%swap3A_150] {strides = array<i32>} : memref<128xi32, #tpu.memory_space<vmem>>, vector<16xi32>,
    tpu.vector_store %arg12[%swap3A_150], %add3A_149 {strides = array<i32>} : memref<128xi32, #tpu.memory_space<vmem>>, vector<16xi32>,
    %dma_start3A_152 = arith.constant 0 : i32
    %dma_start3A_153 = arith.constant 0 : i32
    %dma_start3A_154 = tpu.memref_slice %arg2[%dma_start3A_152, %dma_start3A_153] : memref<20512x64xbf16, #tpu.memory_space<hbm>> -> memref<20512x64xbf16, #tpu.memory_space<hbm>>
    tpu.enqueue_indirect_dma source(%dma_start3A_154 : memref<20512x64xbf16, #tpu.memory_space<hbm>>) target(%arg14 : memref<128x64xbf16, #tpu.memory_space<vmem>>) offsets(%arg12 : memref<128xi32, #tpu.memory_space<vmem>>) semaphore(%arg22 : memref<!tpu.dma_semaphore, #tpu.memory_space<semaphore_mem>>)
    %dma_start3A_155 = arith.constant 0 : i32
    %dma_start3A_156 = arith.constant 0 : i32
    %dma_start3A_157 = tpu.memref_slice %arg3[%dma_start3A_155, %dma_start3A_156] : memref<20512x128xbf16, #tpu.memory_space<hbm>> -> memref<20512x128xbf16, #tpu.memory_space<hbm>>
    tpu.enqueue_indirect_dma source(%dma_start3A_157 : memref<20512x128xbf16, #tpu.memory_space<hbm>>) target(%arg16 : memref<128x128xbf16, #tpu.memory_space<vmem>>) offsets(%arg10 : memref<128xi32, #tpu.memory_space<vmem>>) semaphore(%arg22 : memref<!tpu.dma_semaphore, #tpu.memory_space<semaphore_mem>>)
    %scan3A_158 = arith.constant 0 : i32
    %scan3A_159 = arith.constant 0 : i32
    %scan3A_160 = arith.constant 182 : i32
    %scan3A_161 = arith.addi %scan3A_159, %scan3A_160 : i32
    %scan3A_162 = arith.constant 1 : i32
    %scan3A_163 = scf.for %scan3A_176 = %scan3A_159 to %scan3A_161 step %scan3A_162 iter_args(%scan3A_177 = %scan3A_158) -> (i32)  : i32 {
      %rem3A = arith.constant 2 : i32
      %rem3A_178 = arith.remsi %scan3A_176, %rem3A : i32
      %iota3A = tpu.iota {dimensions = array<i32: 0>} : vector<16xi32>
      %get3A_179 = arith.constant 0 : index
      %get3A_180 = tpu.vector_load %arg20[%get3A_179] {strides = array<i32>} : memref<16xf32, #tpu.memory_space<vmem>>, vector<16xf32>,
      %eq3A = arith.constant 0 : i32
      %eq3A_181 = arith.cmpi eq, %rem3A_178, %eq3A : i32
      %convert_element_type3A = arith.extui %eq3A_181 : i1 to i32
      %cond3A = arith.constant 0 : i32
      %cond3A_182 = arith.cmpi ne, %convert_element_type3A, %cond3A : i32
      scf.if %cond3A_182 {
        %dma_wait3A_189 = arith.constant 0 : i32
        %dma_wait3A_190 = arith.constant 0 : i32
        %dma_wait3A_191 = tpu.memref_slice %arg2[%dma_wait3A_189, %dma_wait3A_190] : memref<20512x64xbf16, #tpu.memory_space<hbm>> -> memref<20512x64xbf16, #tpu.memory_space<hbm>>
        tpu.wait_indirect_dma semaphore(%arg22 : memref<!tpu.dma_semaphore, #tpu.memory_space<semaphore_mem>>) src(%dma_wait3A_191 : memref<20512x64xbf16, #tpu.memory_space<hbm>>) dst(%arg14 : memref<128x64xbf16, #tpu.memory_space<vmem>>)
        %dma_wait3A_192 = arith.constant 0 : i32
        %dma_wait3A_193 = arith.constant 0 : i32
        %dma_wait3A_194 = tpu.memref_slice %arg3[%dma_wait3A_192, %dma_wait3A_193] : memref<20512x128xbf16, #tpu.memory_space<hbm>> -> memref<20512x128xbf16, #tpu.memory_space<hbm>>
        tpu.wait_indirect_dma semaphore(%arg22 : memref<!tpu.dma_semaphore, #tpu.memory_space<semaphore_mem>>) src(%dma_wait3A_194 : memref<20512x128xbf16, #tpu.memory_space<hbm>>) dst(%arg16 : memref<128x128xbf16, #tpu.memory_space<vmem>>)
        %scan3A_195 = arith.constant 0 : i32
        %scan3A_196 = arith.constant 0 : i32
        %scan3A_197 = arith.constant 128 : i32
        %scan3A_198 = arith.addi %scan3A_196, %scan3A_197 : i32
        %scan3A_199 = arith.constant 4 : i32
        %scan3A_200 = scf.for %scan3A_215 = %scan3A_196 to %scan3A_198 step %scan3A_199 iter_args(%scan3A_216 = %scan3A_195) -> (i32)  : i32 {
          %broadcast_in_dim3A = arith.constant 0.000000e+00 : f32
          %broadcast_in_dim3A_217 = vector.broadcast %broadcast_in_dim3A : f32 to vector<16xf32>
          %get3A_218 = arith.index_cast %scan3A_215 : i32 to index
          %get3A_219 = arith.constant 0 : index
          %get3A_220 = tpu.vector_load %arg14[%get3A_218, %get3A_219] {strides = array<i32>} : memref<128x64xbf16, #tpu.memory_space<vmem>>, vector<32xbf16>,
          %unpack3A = tpu.unpack_subelements %get3A_220, 0 {pack_format = #tpu.pack_format<interleaved>} : vector<32xbf16> -> vector<16xf32>
          %unpack3A_221 = tpu.unpack_subelements %get3A_220, 1 {pack_format = #tpu.pack_format<interleaved>} : vector<32xbf16> -> vector<16xf32>
          %get3A_222 = arith.index_cast %scan3A_215 : i32 to index
          %get3A_223 = arith.constant 0 : index
          %get3A_224 = tpu.vector_load %arg16[%get3A_222, %get3A_223] {strides = array<i32>} : memref<128x128xbf16, #tpu.memory_space<vmem>>, vector<32xbf16>,
          %unpack3A_225 = tpu.unpack_subelements %get3A_224, 0 {pack_format = #tpu.pack_format<interleaved>} : vector<32xbf16> -> vector<16xf32>
          %unpack3A_226 = tpu.unpack_subelements %get3A_224, 1 {pack_format = #tpu.pack_format<interleaved>} : vector<32xbf16> -> vector<16xf32>
          %get3A_227 = arith.index_cast %scan3A_215 : i32 to index
          %get3A_228 = arith.constant 64 : index
          %get3A_229 = tpu.vector_load %arg16[%get3A_227, %get3A_228] {strides = array<i32>} : memref<128x128xbf16, #tpu.memory_space<vmem>>, vector<32xbf16>,
          %unpack3A_230 = tpu.unpack_subelements %get3A_229, 0 {pack_format = #tpu.pack_format<interleaved>} : vector<32xbf16> -> vector<16xf32>
          %unpack3A_231 = tpu.unpack_subelements %get3A_229, 1 {pack_format = #tpu.pack_format<interleaved>} : vector<32xbf16> -> vector<16xf32>
          %mul3A_232 = arith.mulf %unpack3A, %unpack3A_225 : vector<16xf32>
          %xor3A = arith.constant 8 : i32
          %xor3A_233 = vector.broadcast %xor3A : i32 to vector<16xi32>
          %xor3A_234 = arith.xori %iota3A, %xor3A_233 : vector<16xi32>
          %broadcast_in_dim3A_235 = vector.shape_cast %xor3A_234 : vector<16xi32> to vector<16x1xi32>
          %gather3A = vector.shape_cast %broadcast_in_dim3A_235 : vector<16x1xi32> to vector<16xi32>
          %gather3A_236 = tpu.dynamic_gather %mul3A_232[%gather3A] in [0] : vector<16xf32>, vector<16xi32> -> vector<16xf32>
          %add3A_237 = arith.addf %mul3A_232, %gather3A_236 : vector<16xf32>
          %xor3A_238 = arith.constant 4 : i32
          %xor3A_239 = vector.broadcast %xor3A_238 : i32 to vector<16xi32>
          %xor3A_240 = arith.xori %iota3A, %xor3A_239 : vector<16xi32>
          %broadcast_in_dim3A_241 = vector.shape_cast %xor3A_240 : vector<16xi32> to vector<16x1xi32>
          %gather3A_242 = vector.shape_cast %broadcast_in_dim3A_241 : vector<16x1xi32> to vector<16xi32>
          %gather3A_243 = tpu.dynamic_gather %add3A_237[%gather3A_242] in [0] : vector<16xf32>, vector<16xi32> -> vector<16xf32>
          %add3A_244 = arith.addf %add3A_237, %gather3A_243 : vector<16xf32>
          %xor3A_245 = arith.constant 2 : i32
          %xor3A_246 = vector.broadcast %xor3A_245 : i32 to vector<16xi32>
          %xor3A_247 = arith.xori %iota3A, %xor3A_246 : vector<16xi32>
          %broadcast_in_dim3A_248 = vector.shape_cast %xor3A_247 : vector<16xi32> to vector<16x1xi32>
          %gather3A_249 = vector.shape_cast %broadcast_in_dim3A_248 : vector<16x1xi32> to vector<16xi32>
          %gather3A_250 = tpu.dynamic_gather %add3A_244[%gather3A_249] in [0] : vector<16xf32>, vector<16xi32> -> vector<16xf32>
          %add3A_251 = arith.addf %add3A_244, %gather3A_250 : vector<16xf32>
          %xor3A_252 = arith.constant 1 : i32
          %xor3A_253 = vector.broadcast %xor3A_252 : i32 to vector<16xi32>
          %xor3A_254 = arith.xori %iota3A, %xor3A_253 : vector<16xi32>
          %broadcast_in_dim3A_255 = vector.shape_cast %xor3A_254 : vector<16xi32> to vector<16x1xi32>
          %gather3A_256 = vector.shape_cast %broadcast_in_dim3A_255 : vector<16x1xi32> to vector<16xi32>
          %gather3A_257 = tpu.dynamic_gather %add3A_251[%gather3A_256] in [0] : vector<16xf32>, vector<16xi32> -> vector<16xf32>
          %add3A_258 = arith.addf %add3A_251, %gather3A_257 : vector<16xf32>
          %slice3A = vector.extract_strided_slice %get3A_180 {offsets = [0], sizes = [1], strides = [1]} : vector<16xf32> to vector<1xf32>
          %squeeze3A = vector.extract %slice3A[0] : f32 from vector<1xf32>
          %sub3A = vector.broadcast %squeeze3A : f32 to vector<16xf32>
          %sub3A_259 = arith.subf %add3A_258, %sub3A : vector<16xf32>
          %exp3A = math.exp %sub3A_259 : vector<16xf32>
          %mul3A_260 = arith.mulf %unpack3A_230, %exp3A : vector<16xf32>
          %swap3A_261 = arith.index_cast %scan3A_215 : i32 to index
          %swap3A_262 = arith.constant 0 : index
          %swap3A_263 = tpu.vector_load %arg18[%swap3A_261, %swap3A_262] {strides = array<i32>} : memref<128x80xf32, #tpu.memory_space<vmem>>, vector<16xf32>,
          tpu.vector_store %arg18[%swap3A_261, %swap3A_262], %mul3A_260 {strides = array<i32>} : memref<128x80xf32, #tpu.memory_space<vmem>>, vector<16xf32>,
          %eq3A_264 = arith.constant 0 : i32
          %eq3A_265 = vector.broadcast %eq3A_264 : i32 to vector<16xi32>
          %eq3A_266 = arith.cmpi eq, %iota3A, %eq3A_265 : vector<16xi32>
          %select_n3A = arith.select %eq3A_266, %exp3A, %broadcast_in_dim3A_217 : vector<16xi1>, vector<16xf32>
          %mul3A_267 = arith.mulf %unpack3A_221, %unpack3A_226 : vector<16xf32>
          %xor3A_268 = arith.constant 8 : i32
          %xor3A_269 = vector.broadcast %xor3A_268 : i32 to vector<16xi32>
          %xor3A_270 = arith.xori %iota3A, %xor3A_269 : vector<16xi32>
          %broadcast_in_dim3A_271 = vector.shape_cast %xor3A_270 : vector<16xi32> to vector<16x1xi32>
          %gather3A_272 = vector.shape_cast %broadcast_in_dim3A_271 : vector<16x1xi32> to vector<16xi32>
          %gather3A_273 = tpu.dynamic_gather %mul3A_267[%gather3A_272] in [0] : vector<16xf32>, vector<16xi32> -> vector<16xf32>
          %add3A_274 = arith.addf %mul3A_267, %gather3A_273 : vector<16xf32>
          %xor3A_275 = arith.constant 4 : i32
          %xor3A_276 = vector.broadcast %xor3A_275 : i32 to vector<16xi32>
          %xor3A_277 = arith.xori %iota3A, %xor3A_276 : vector<16xi32>
          %broadcast_in_dim3A_278 = vector.shape_cast %xor3A_277 : vector<16xi32> to vector<16x1xi32>
          %gather3A_279 = vector.shape_cast %broadcast_in_dim3A_278 : vector<16x1xi32> to vector<16xi32>
          %gather3A_280 = tpu.dynamic_gather %add3A_274[%gather3A_279] in [0] : vector<16xf32>, vector<16xi32> -> vector<16xf32>
          %add3A_281 = arith.addf %add3A_274, %gather3A_280 : vector<16xf32>
          %xor3A_282 = arith.constant 2 : i32
          %xor3A_283 = vector.broadcast %xor3A_282 : i32 to vector<16xi32>
          %xor3A_284 = arith.xori %iota3A, %xor3A_283 : vector<16xi32>
          %broadcast_in_dim3A_285 = vector.shape_cast %xor3A_284 : vector<16xi32> to vector<16x1xi32>
          %gather3A_286 = vector.shape_cast %broadcast_in_dim3A_285 : vector<16x1xi32> to vector<16xi32>
          %gather3A_287 = tpu.dynamic_gather %add3A_281[%gather3A_286] in [0] : vector<16xf32>, vector<16xi32> -> vector<16xf32>
          %add3A_288 = arith.addf %add3A_281, %gather3A_287 : vector<16xf32>
          %xor3A_289 = arith.constant 1 : i32
          %xor3A_290 = vector.broadcast %xor3A_289 : i32 to vector<16xi32>
          %xor3A_291 = arith.xori %iota3A, %xor3A_290 : vector<16xi32>
          %broadcast_in_dim3A_292 = vector.shape_cast %xor3A_291 : vector<16xi32> to vector<16x1xi32>
          %gather3A_293 = vector.shape_cast %broadcast_in_dim3A_292 : vector<16x1xi32> to vector<16xi32>
          %gather3A_294 = tpu.dynamic_gather %add3A_288[%gather3A_293] in [0] : vector<16xf32>, vector<16xi32> -> vector<16xf32>
          %add3A_295 = arith.addf %add3A_288, %gather3A_294 : vector<16xf32>
          %slice3A_296 = vector.extract_strided_slice %get3A_180 {offsets = [1], sizes = [1], strides = [1]} : vector<16xf32> to vector<1xf32>
          %squeeze3A_297 = vector.extract %slice3A_296[0] : f32 from vector<1xf32>
          %sub3A_298 = vector.broadcast %squeeze3A_297 : f32 to vector<16xf32>
          %sub3A_299 = arith.subf %add3A_295, %sub3A_298 : vector<16xf32>
          %exp3A_300 = math.exp %sub3A_299 : vector<16xf32>
          %mul3A_301 = arith.mulf %unpack3A_231, %exp3A_300 : vector<16xf32>
          %swap3A_302 = arith.index_cast %scan3A_215 : i32 to index
          %swap3A_303 = arith.constant 16 : index
          %swap3A_304 = tpu.vector_load %arg18[%swap3A_302, %swap3A_303] {strides = array<i32>} : memref<128x80xf32, #tpu.memory_space<vmem>>, vector<16xf32>,
          tpu.vector_store %arg18[%swap3A_302, %swap3A_303], %mul3A_301 {strides = array<i32>} : memref<128x80xf32, #tpu.memory_space<vmem>>, vector<16xf32>,
          %eq3A_305 = arith.constant 1 : i32
          %eq3A_306 = vector.broadcast %eq3A_305 : i32 to vector<16xi32>
          %eq3A_307 = arith.cmpi eq, %iota3A, %eq3A_306 : vector<16xi32>
          %select_n3A_308 = arith.select %eq3A_307, %exp3A_300, %select_n3A : vector<16xi1>, vector<16xf32>
          %get3A_309 = arith.index_cast %scan3A_215 : i32 to index
          %get3A_310 = arith.constant 32 : index
          %get3A_311 = tpu.vector_load %arg14[%get3A_309, %get3A_310] {strides = array<i32>} : memref<128x64xbf16, #tpu.memory_space<vmem>>, vector<32xbf16>,
          %unpack3A_312 = tpu.unpack_subelements %get3A_311, 0 {pack_format = #tpu.pack_format<interleaved>} : vector<32xbf16> -> vector<16xf32>
          %unpack3A_313 = tpu.unpack_subelements %get3A_311, 1 {pack_format = #tpu.pack_format<interleaved>} : vector<32xbf16> -> vector<16xf32>
          %get3A_314 = arith.index_cast %scan3A_215 : i32 to index
          %get3A_315 = arith.constant 32 : index
          %get3A_316 = tpu.vector_load %arg16[%get3A_314, %get3A_315] {strides = array<i32>} : memref<128x128xbf16, #tpu.memory_space<vmem>>, vector<32xbf16>,
          %unpack3A_317 = tpu.unpack_subelements %get3A_316, 0 {pack_format = #tpu.pack_format<interleaved>} : vector<32xbf16> -> vector<16xf32>
          %unpack3A_318 = tpu.unpack_subelements %get3A_316, 1 {pack_format = #tpu.pack_format<interleaved>} : vector<32xbf16> -> vector<16xf32>
          %get3A_319 = arith.index_cast %scan3A_215 : i32 to index
          %get3A_320 = arith.constant 96 : index
          %get3A_321 = tpu.vector_load %arg16[%get3A_319, %get3A_320] {strides = array<i32>} : memref<128x128xbf16, #tpu.memory_space<vmem>>, vector<32xbf16>,
          %unpack3A_322 = tpu.unpack_subelements %get3A_321, 0 {pack_format = #tpu.pack_format<interleaved>} : vector<32xbf16> -> vector<16xf32>
          %unpack3A_323 = tpu.unpack_subelements %get3A_321, 1 {pack_format = #tpu.pack_format<interleaved>} : vector<32xbf16> -> vector<16xf32>
          %mul3A_324 = arith.mulf %unpack3A_312, %unpack3A_317 : vector<16xf32>
          %xor3A_325 = arith.constant 8 : i32
          %xor3A_326 = vector.broadcast %xor3A_325 : i32 to vector<16xi32>
          %xor3A_327 = arith.xori %iota3A, %xor3A_326 : vector<16xi32>
          %broadcast_in_dim3A_328 = vector.shape_cast %xor3A_327 : vector<16xi32> to vector<16x1xi32>
          %gather3A_329 = vector.shape_cast %broadcast_in_dim3A_328 : vector<16x1xi32> to vector<16xi32>
          %gather3A_330 = tpu.dynamic_gather %mul3A_324[%gather3A_329] in [0] : vector<16xf32>, vector<16xi32> -> vector<16xf32>
          %add3A_331 = arith.addf %mul3A_324, %gather3A_330 : vector<16xf32>
          %xor3A_332 = arith.constant 4 : i32
          %xor3A_333 = vector.broadcast %xor3A_332 : i32 to vector<16xi32>
          %xor3A_334 = arith.xori %iota3A, %xor3A_333 : vector<16xi32>
          %broadcast_in_dim3A_335 = vector.shape_cast %xor3A_334 : vector<16xi32> to vector<16x1xi32>
          %gather3A_336 = vector.shape_cast %broadcast_in_dim3A_335 : vector<16x1xi32> to vector<16xi32>
          %gather3A_337 = tpu.dynamic_gather %add3A_331[%gather3A_336] in [0] : vector<16xf32>, vector<16xi32> -> vector<16xf32>
          %add3A_338 = arith.addf %add3A_331, %gather3A_337 : vector<16xf32>
          %xor3A_339 = arith.constant 2 : i32
          %xor3A_340 = vector.broadcast %xor3A_339 : i32 to vector<16xi32>
          %xor3A_341 = arith.xori %iota3A, %xor3A_340 : vector<16xi32>
          %broadcast_in_dim3A_342 = vector.shape_cast %xor3A_341 : vector<16xi32> to vector<16x1xi32>
          %gather3A_343 = vector.shape_cast %broadcast_in_dim3A_342 : vector<16x1xi32> to vector<16xi32>
          %gather3A_344 = tpu.dynamic_gather %add3A_338[%gather3A_343] in [0] : vector<16xf32>, vector<16xi32> -> vector<16xf32>
          %add3A_345 = arith.addf %add3A_338, %gather3A_344 : vector<16xf32>
          %xor3A_346 = arith.constant 1 : i32
          %xor3A_347 = vector.broadcast %xor3A_346 : i32 to vector<16xi32>
          %xor3A_348 = arith.xori %iota3A, %xor3A_347 : vector<16xi32>
          %broadcast_in_dim3A_349 = vector.shape_cast %xor3A_348 : vector<16xi32> to vector<16x1xi32>
          %gather3A_350 = vector.shape_cast %broadcast_in_dim3A_349 : vector<16x1xi32> to vector<16xi32>
          %gather3A_351 = tpu.dynamic_gather %add3A_345[%gather3A_350] in [0] : vector<16xf32>, vector<16xi32> -> vector<16xf32>
          %add3A_352 = arith.addf %add3A_345, %gather3A_351 : vector<16xf32>
          %slice3A_353 = vector.extract_strided_slice %get3A_180 {offsets = [2], sizes = [1], strides = [1]} : vector<16xf32> to vector<1xf32>
          %squeeze3A_354 = vector.extract %slice3A_353[0] : f32 from vector<1xf32>
          %sub3A_355 = vector.broadcast %squeeze3A_354 : f32 to vector<16xf32>
          %sub3A_356 = arith.subf %add3A_352, %sub3A_355 : vector<16xf32>
          %exp3A_357 = math.exp %sub3A_356 : vector<16xf32>
          %mul3A_358 = arith.mulf %unpack3A_322, %exp3A_357 : vector<16xf32>
          %swap3A_359 = arith.index_cast %scan3A_215 : i32 to index
          %swap3A_360 = arith.constant 32 : index
          %swap3A_361 = tpu.vector_load %arg18[%swap3A_359, %swap3A_360] {strides = array<i32>} : memref<128x80xf32, #tpu.memory_space<vmem>>, vector<16xf32>,
          tpu.vector_store %arg18[%swap3A_359, %swap3A_360], %mul3A_358 {strides = array<i32>} : memref<128x80xf32, #tpu.memory_space<vmem>>, vector<16xf32>,
          %eq3A_362 = arith.constant 2 : i32
          %eq3A_363 = vector.broadcast %eq3A_362 : i32 to vector<16xi32>
          %eq3A_364 = arith.cmpi eq, %iota3A, %eq3A_363 : vector<16xi32>
          %select_n3A_365 = arith.select %eq3A_364, %exp3A_357, %select_n3A_308 : vector<16xi1>, vector<16xf32>
          %mul3A_366 = arith.mulf %unpack3A_313, %unpack3A_318 : vector<16xf32>
          %xor3A_367 = arith.constant 8 : i32
          %xor3A_368 = vector.broadcast %xor3A_367 : i32 to vector<16xi32>
          %xor3A_369 = arith.xori %iota3A, %xor3A_368 : vector<16xi32>
          %broadcast_in_dim3A_370 = vector.shape_cast %xor3A_369 : vector<16xi32> to vector<16x1xi32>
          %gather3A_371 = vector.shape_cast %broadcast_in_dim3A_370 : vector<16x1xi32> to vector<16xi32>
          %gather3A_372 = tpu.dynamic_gather %mul3A_366[%gather3A_371] in [0] : vector<16xf32>, vector<16xi32> -> vector<16xf32>
          %add3A_373 = arith.addf %mul3A_366, %gather3A_372 : vector<16xf32>
          %xor3A_374 = arith.constant 4 : i32
          %xor3A_375 = vector.broadcast %xor3A_374 : i32 to vector<16xi32>
          %xor3A_376 = arith.xori %iota3A, %xor3A_375 : vector<16xi32>
          %broadcast_in_dim3A_377 = vector.shape_cast %xor3A_376 : vector<16xi32> to vector<16x1xi32>
          %gather3A_378 = vector.shape_cast %broadcast_in_dim3A_377 : vector<16x1xi32> to vector<16xi32>
          %gather3A_379 = tpu.dynamic_gather %add3A_373[%gather3A_378] in [0] : vector<16xf32>, vector<16xi32> -> vector<16xf32>
          %add3A_380 = arith.addf %add3A_373, %gather3A_379 : vector<16xf32>
          %xor3A_381 = arith.constant 2 : i32
          %xor3A_382 = vector.broadcast %xor3A_381 : i32 to vector<16xi32>
          %xor3A_383 = arith.xori %iota3A, %xor3A_382 : vector<16xi32>
          %broadcast_in_dim3A_384 = vector.shape_cast %xor3A_383 : vector<16xi32> to vector<16x1xi32>
          %gather3A_385 = vector.shape_cast %broadcast_in_dim3A_384 : vector<16x1xi32> to vector<16xi32>
          %gather3A_386 = tpu.dynamic_gather %add3A_380[%gather3A_385] in [0] : vector<16xf32>, vector<16xi32> -> vector<16xf32>
          %add3A_387 = arith.addf %add3A_380, %gather3A_386 : vector<16xf32>
          %xor3A_388 = arith.constant 1 : i32
          %xor3A_389 = vector.broadcast %xor3A_388 : i32 to vector<16xi32>
          %xor3A_390 = arith.xori %iota3A, %xor3A_389 : vector<16xi32>
          %broadcast_in_dim3A_391 = vector.shape_cast %xor3A_390 : vector<16xi32> to vector<16x1xi32>
          %gather3A_392 = vector.shape_cast %broadcast_in_dim3A_391 : vector<16x1xi32> to vector<16xi32>
          %gather3A_393 = tpu.dynamic_gather %add3A_387[%gather3A_392] in [0] : vector<16xf32>, vector<16xi32> -> vector<16xf32>
          %add3A_394 = arith.addf %add3A_387, %gather3A_393 : vector<16xf32>
          %slice3A_395 = vector.extract_strided_slice %get3A_180 {offsets = [3], sizes = [1], strides = [1]} : vector<16xf32> to vector<1xf32>
          %squeeze3A_396 = vector.extract %slice3A_395[0] : f32 from vector<1xf32>
          %sub3A_397 = vector.broadcast %squeeze3A_396 : f32 to vector<16xf32>
          %sub3A_398 = arith.subf %add3A_394, %sub3A_397 : vector<16xf32>
          %exp3A_399 = math.exp %sub3A_398 : vector<16xf32>
          %mul3A_400 = arith.mulf %unpack3A_323, %exp3A_399 : vector<16xf32>
          %swap3A_401 = arith.index_cast %scan3A_215 : i32 to index
          %swap3A_402 = arith.constant 48 : index
          %swap3A_403 = tpu.vector_load %arg18[%swap3A_401, %swap3A_402] {strides = array<i32>} : memref<128x80xf32, #tpu.memory_space<vmem>>, vector<16xf32>,
          tpu.vector_store %arg18[%swap3A_401, %swap3A_402], %mul3A_400 {strides = array<i32>} : memref<128x80xf32, #tpu.memory_space<vmem>>, vector<16xf32>,
          %eq3A_404 = arith.constant 3 : i32
          %eq3A_405 = vector.broadcast %eq3A_404 : i32 to vector<16xi32>
          %eq3A_406 = arith.cmpi eq, %iota3A, %eq3A_405 : vector<16xi32>
          %select_n3A_407 = arith.select %eq3A_406, %exp3A_399, %select_n3A_365 : vector<16xi1>, vector<16xf32>
          %swap3A_408 = arith.index_cast %scan3A_215 : i32 to index
          %swap3A_409 = arith.constant 64 : index
          %swap3A_410 = tpu.vector_load %arg18[%swap3A_408, %swap3A_409] {strides = array<i32>} : memref<128x80xf32, #tpu.memory_space<vmem>>, vector<16xf32>,
          tpu.vector_store %arg18[%swap3A_408, %swap3A_409], %select_n3A_407 {strides = array<i32>} : memref<128x80xf32, #tpu.memory_space<vmem>>, vector<16xf32>,
          %scan3A_411 = arith.constant 0 : i32
          %scan3A_412 = arith.constant 1 : i32
          %scan3A_413 = arith.addi %scan3A_215, %scan3A_412 : i32
          %broadcast_in_dim3A_414 = arith.constant 0.000000e+00 : f32
          %broadcast_in_dim3A_415 = vector.broadcast %broadcast_in_dim3A_414 : f32 to vector<16xf32>
          %get3A_416 = arith.index_cast %scan3A_413 : i32 to index
          %get3A_417 = arith.constant 0 : index
          %get3A_418 = tpu.vector_load %arg14[%get3A_416, %get3A_417] {strides = array<i32>} : memref<128x64xbf16, #tpu.memory_space<vmem>>, vector<32xbf16>,
          %unpack3A_419 = tpu.unpack_subelements %get3A_418, 0 {pack_format = #tpu.pack_format<interleaved>} : vector<32xbf16> -> vector<16xf32>
          %unpack3A_420 = tpu.unpack_subelements %get3A_418, 1 {pack_format = #tpu.pack_format<interleaved>} : vector<32xbf16> -> vector<16xf32>
          %get3A_421 = arith.index_cast %scan3A_413 : i32 to index
          %get3A_422 = arith.constant 0 : index
          %get3A_423 = tpu.vector_load %arg16[%get3A_421, %get3A_422] {strides = array<i32>} : memref<128x128xbf16, #tpu.memory_space<vmem>>, vector<32xbf16>,
          %unpack3A_424 = tpu.unpack_subelements %get3A_423, 0 {pack_format = #tpu.pack_format<interleaved>} : vector<32xbf16> -> vector<16xf32>
          %unpack3A_425 = tpu.unpack_subelements %get3A_423, 1 {pack_format = #tpu.pack_format<interleaved>} : vector<32xbf16> -> vector<16xf32>
          %get3A_426 = arith.index_cast %scan3A_413 : i32 to index
          %get3A_427 = arith.constant 64 : index
          %get3A_428 = tpu.vector_load %arg16[%get3A_426, %get3A_427] {strides = array<i32>} : memref<128x128xbf16, #tpu.memory_space<vmem>>, vector<32xbf16>,
          %unpack3A_429 = tpu.unpack_subelements %get3A_428, 0 {pack_format = #tpu.pack_format<interleaved>} : vector<32xbf16> -> vector<16xf32>
          %unpack3A_430 = tpu.unpack_subelements %get3A_428, 1 {pack_format = #tpu.pack_format<interleaved>} : vector<32xbf16> -> vector<16xf32>
          %mul3A_431 = arith.mulf %unpack3A_419, %unpack3A_424 : vector<16xf32>
          %xor3A_432 = arith.constant 8 : i32
          %xor3A_433 = vector.broadcast %xor3A_432 : i32 to vector<16xi32>
          %xor3A_434 = arith.xori %iota3A, %xor3A_433 : vector<16xi32>
          %broadcast_in_dim3A_435 = vector.shape_cast %xor3A_434 : vector<16xi32> to vector<16x1xi32>
          %gather3A_436 = vector.shape_cast %broadcast_in_dim3A_435 : vector<16x1xi32> to vector<16xi32>
          %gather3A_437 = tpu.dynamic_gather %mul3A_431[%gather3A_436] in [0] : vector<16xf32>, vector<16xi32> -> vector<16xf32>
          %add3A_438 = arith.addf %mul3A_431, %gather3A_437 : vector<16xf32>
          %xor3A_439 = arith.constant 4 : i32
          %xor3A_440 = vector.broadcast %xor3A_439 : i32 to vector<16xi32>
          %xor3A_441 = arith.xori %iota3A, %xor3A_440 : vector<16xi32>
          %broadcast_in_dim3A_442 = vector.shape_cast %xor3A_441 : vector<16xi32> to vector<16x1xi32>
          %gather3A_443 = vector.shape_cast %broadcast_in_dim3A_442 : vector<16x1xi32> to vector<16xi32>
          %gather3A_444 = tpu.dynamic_gather %add3A_438[%gather3A_443] in [0] : vector<16xf32>, vector<16xi32> -> vector<16xf32>
          %add3A_445 = arith.addf %add3A_438, %gather3A_444 : vector<16xf32>
          %xor3A_446 = arith.constant 2 : i32
          %xor3A_447 = vector.broadcast %xor3A_446 : i32 to vector<16xi32>
          %xor3A_448 = arith.xori %iota3A, %xor3A_447 : vector<16xi32>
          %broadcast_in_dim3A_449 = vector.shape_cast %xor3A_448 : vector<16xi32> to vector<16x1xi32>
          %gather3A_450 = vector.shape_cast %broadcast_in_dim3A_449 : vector<16x1xi32> to vector<16xi32>
          %gather3A_451 = tpu.dynamic_gather %add3A_445[%gather3A_450] in [0] : vector<16xf32>, vector<16xi32> -> vector<16xf32>
          %add3A_452 = arith.addf %add3A_445, %gather3A_451 : vector<16xf32>
          %xor3A_453 = arith.constant 1 : i32
          %xor3A_454 = vector.broadcast %xor3A_453 : i32 to vector<16xi32>
          %xor3A_455 = arith.xori %iota3A, %xor3A_454 : vector<16xi32>
          %broadcast_in_dim3A_456 = vector.shape_cast %xor3A_455 : vector<16xi32> to vector<16x1xi32>
          %gather3A_457 = vector.shape_cast %broadcast_in_dim3A_456 : vector<16x1xi32> to vector<16xi32>
          %gather3A_458 = tpu.dynamic_gather %add3A_452[%gather3A_457] in [0] : vector<16xf32>, vector<16xi32> -> vector<16xf32>
          %add3A_459 = arith.addf %add3A_452, %gather3A_458 : vector<16xf32>
          %slice3A_460 = vector.extract_strided_slice %get3A_180 {offsets = [0], sizes = [1], strides = [1]} : vector<16xf32> to vector<1xf32>
          %squeeze3A_461 = vector.extract %slice3A_460[0] : f32 from vector<1xf32>
          %sub3A_462 = vector.broadcast %squeeze3A_461 : f32 to vector<16xf32>
          %sub3A_463 = arith.subf %add3A_459, %sub3A_462 : vector<16xf32>
          %exp3A_464 = math.exp %sub3A_463 : vector<16xf32>
          %mul3A_465 = arith.mulf %unpack3A_429, %exp3A_464 : vector<16xf32>
          %swap3A_466 = arith.index_cast %scan3A_413 : i32 to index
          %swap3A_467 = arith.constant 0 : index
          %swap3A_468 = tpu.vector_load %arg18[%swap3A_466, %swap3A_467] {strides = array<i32>} : memref<128x80xf32, #tpu.memory_space<vmem>>, vector<16xf32>,
          tpu.vector_store %arg18[%swap3A_466, %swap3A_467], %mul3A_465 {strides = array<i32>} : memref<128x80xf32, #tpu.memory_space<vmem>>, vector<16xf32>,
          %eq3A_469 = arith.constant 0 : i32
          %eq3A_470 = vector.broadcast %eq3A_469 : i32 to vector<16xi32>
          %eq3A_471 = arith.cmpi eq, %iota3A, %eq3A_470 : vector<16xi32>
          %select_n3A_472 = arith.select %eq3A_471, %exp3A_464, %broadcast_in_dim3A_415 : vector<16xi1>, vector<16xf32>
          %mul3A_473 = arith.mulf %unpack3A_420, %unpack3A_425 : vector<16xf32>
          %xor3A_474 = arith.constant 8 : i32
          %xor3A_475 = vector.broadcast %xor3A_474 : i32 to vector<16xi32>
          %xor3A_476 = arith.xori %iota3A, %xor3A_475 : vector<16xi32>
          %broadcast_in_dim3A_477 = vector.shape_cast %xor3A_476 : vector<16xi32> to vector<16x1xi32>
          %gather3A_478 = vector.shape_cast %broadcast_in_dim3A_477 : vector<16x1xi32> to vector<16xi32>
          %gather3A_479 = tpu.dynamic_gather %mul3A_473[%gather3A_478] in [0] : vector<16xf32>, vector<16xi32> -> vector<16xf32>
          %add3A_480 = arith.addf %mul3A_473, %gather3A_479 : vector<16xf32>
          %xor3A_481 = arith.constant 4 : i32
          %xor3A_482 = vector.broadcast %xor3A_481 : i32 to vector<16xi32>
          %xor3A_483 = arith.xori %iota3A, %xor3A_482 : vector<16xi32>
          %broadcast_in_dim3A_484 = vector.shape_cast %xor3A_483 : vector<16xi32> to vector<16x1xi32>
          %gather3A_485 = vector.shape_cast %broadcast_in_dim3A_484 : vector<16x1xi32> to vector<16xi32>
          %gather3A_486 = tpu.dynamic_gather %add3A_480[%gather3A_485] in [0] : vector<16xf32>, vector<16xi32> -> vector<16xf32>
          %add3A_487 = arith.addf %add3A_480, %gather3A_486 : vector<16xf32>
          %xor3A_488 = arith.constant 2 : i32
          %xor3A_489 = vector.broadcast %xor3A_488 : i32 to vector<16xi32>
          %xor3A_490 = arith.xori %iota3A, %xor3A_489 : vector<16xi32>
          %broadcast_in_dim3A_491 = vector.shape_cast %xor3A_490 : vector<16xi32> to vector<16x1xi32>
          %gather3A_492 = vector.shape_cast %broadcast_in_dim3A_491 : vector<16x1xi32> to vector<16xi32>
          %gather3A_493 = tpu.dynamic_gather %add3A_487[%gather3A_492] in [0] : vector<16xf32>, vector<16xi32> -> vector<16xf32>
          %add3A_494 = arith.addf %add3A_487, %gather3A_493 : vector<16xf32>
          %xor3A_495 = arith.constant 1 : i32
          %xor3A_496 = vector.broadcast %xor3A_495 : i32 to vector<16xi32>
          %xor3A_497 = arith.xori %iota3A, %xor3A_496 : vector<16xi32>
          %broadcast_in_dim3A_498 = vector.shape_cast %xor3A_497 : vector<16xi32> to vector<16x1xi32>
          %gather3A_499 = vector.shape_cast %broadcast_in_dim3A_498 : vector<16x1xi32> to vector<16xi32>
          %gather3A_500 = tpu.dynamic_gather %add3A_494[%gather3A_499] in [0] : vector<16xf32>, vector<16xi32> -> vector<16xf32>
          %add3A_501 = arith.addf %add3A_494, %gather3A_500 : vector<16xf32>
          %slice3A_502 = vector.extract_strided_slice %get3A_180 {offsets = [1], sizes = [1], strides = [1]} : vector<16xf32> to vector<1xf32>
          %squeeze3A_503 = vector.extract %slice3A_502[0] : f32 from vector<1xf32>
          %sub3A_504 = vector.broadcast %squeeze3A_503 : f32 to vector<16xf32>
          %sub3A_505 = arith.subf %add3A_501, %sub3A_504 : vector<16xf32>
          %exp3A_506 = math.exp %sub3A_505 : vector<16xf32>
          %mul3A_507 = arith.mulf %unpack3A_430, %exp3A_506 : vector<16xf32>
          %swap3A_508 = arith.index_cast %scan3A_413 : i32 to index
          %swap3A_509 = arith.constant 16 : index
          %swap3A_510 = tpu.vector_load %arg18[%swap3A_508, %swap3A_509] {strides = array<i32>} : memref<128x80xf32, #tpu.memory_space<vmem>>, vector<16xf32>,
          tpu.vector_store %arg18[%swap3A_508, %swap3A_509], %mul3A_507 {strides = array<i32>} : memref<128x80xf32, #tpu.memory_space<vmem>>, vector<16xf32>,
          %eq3A_511 = arith.constant 1 : i32
          %eq3A_512 = vector.broadcast %eq3A_511 : i32 to vector<16xi32>
          %eq3A_513 = arith.cmpi eq, %iota3A, %eq3A_512 : vector<16xi32>
          %select_n3A_514 = arith.select %eq3A_513, %exp3A_506, %select_n3A_472 : vector<16xi1>, vector<16xf32>
          %get3A_515 = arith.index_cast %scan3A_413 : i32 to index
          %get3A_516 = arith.constant 32 : index
          %get3A_517 = tpu.vector_load %arg14[%get3A_515, %get3A_516] {strides = array<i32>} : memref<128x64xbf16, #tpu.memory_space<vmem>>, vector<32xbf16>,
          %unpack3A_518 = tpu.unpack_subelements %get3A_517, 0 {pack_format = #tpu.pack_format<interleaved>} : vector<32xbf16> -> vector<16xf32>
          %unpack3A_519 = tpu.unpack_subelements %get3A_517, 1 {pack_format = #tpu.pack_format<interleaved>} : vector<32xbf16> -> vector<16xf32>
          %get3A_520 = arith.index_cast %scan3A_413 : i32 to index
          %get3A_521 = arith.constant 32 : index
          %get3A_522 = tpu.vector_load %arg16[%get3A_520, %get3A_521] {strides = array<i32>} : memref<128x128xbf16, #tpu.memory_space<vmem>>, vector<32xbf16>,
          %unpack3A_523 = tpu.unpack_subelements %get3A_522, 0 {pack_format = #tpu.pack_format<interleaved>} : vector<32xbf16> -> vector<16xf32>
          %unpack3A_524 = tpu.unpack_subelements %get3A_522, 1 {pack_format = #tpu.pack_format<interleaved>} : vector<32xbf16> -> vector<16xf32>
          %get3A_525 = arith.index_cast %scan3A_413 : i32 to index
          %get3A_526 = arith.constant 96 : index
          %get3A_527 = tpu.vector_load %arg16[%get3A_525, %get3A_526] {strides = array<i32>} : memref<128x128xbf16, #tpu.memory_space<vmem>>, vector<32xbf16>,
          %unpack3A_528 = tpu.unpack_subelements %get3A_527, 0 {pack_format = #tpu.pack_format<interleaved>} : vector<32xbf16> -> vector<16xf32>
          %unpack3A_529 = tpu.unpack_subelements %get3A_527, 1 {pack_format = #tpu.pack_format<interleaved>} : vector<32xbf16> -> vector<16xf32>
          %mul3A_530 = arith.mulf %unpack3A_518, %unpack3A_523 : vector<16xf32>
          %xor3A_531 = arith.constant 8 : i32
          %xor3A_532 = vector.broadcast %xor3A_531 : i32 to vector<16xi32>
          %xor3A_533 = arith.xori %iota3A, %xor3A_532 : vector<16xi32>
          %broadcast_in_dim3A_534 = vector.shape_cast %xor3A_533 : vector<16xi32> to vector<16x1xi32>
          %gather3A_535 = vector.shape_cast %broadcast_in_dim3A_534 : vector<16x1xi32> to vector<16xi32>
          %gather3A_536 = tpu.dynamic_gather %mul3A_530[%gather3A_535] in [0] : vector<16xf32>, vector<16xi32> -> vector<16xf32>
          %add3A_537 = arith.addf %mul3A_530, %gather3A_536 : vector<16xf32>
          %xor3A_538 = arith.constant 4 : i32
          %xor3A_539 = vector.broadcast %xor3A_538 : i32 to vector<16xi32>
          %xor3A_540 = arith.xori %iota3A, %xor3A_539 : vector<16xi32>
          %broadcast_in_dim3A_541 = vector.shape_cast %xor3A_540 : vector<16xi32> to vector<16x1xi32>
          %gather3A_542 = vector.shape_cast %broadcast_in_dim3A_541 : vector<16x1xi32> to vector<16xi32>
          %gather3A_543 = tpu.dynamic_gather %add3A_537[%gather3A_542] in [0] : vector<16xf32>, vector<16xi32> -> vector<16xf32>
          %add3A_544 = arith.addf %add3A_537, %gather3A_543 : vector<16xf32>
          %xor3A_545 = arith.constant 2 : i32
          %xor3A_546 = vector.broadcast %xor3A_545 : i32 to vector<16xi32>
          %xor3A_547 = arith.xori %iota3A, %xor3A_546 : vector<16xi32>
          %broadcast_in_dim3A_548 = vector.shape_cast %xor3A_547 : vector<16xi32> to vector<16x1xi32>
          %gather3A_549 = vector.shape_cast %broadcast_in_dim3A_548 : vector<16x1xi32> to vector<16xi32>
          %gather3A_550 = tpu.dynamic_gather %add3A_544[%gather3A_549] in [0] : vector<16xf32>, vector<16xi32> -> vector<16xf32>
          %add3A_551 = arith.addf %add3A_544, %gather3A_550 : vector<16xf32>
          %xor3A_552 = arith.constant 1 : i32
          %xor3A_553 = vector.broadcast %xor3A_552 : i32 to vector<16xi32>
          %xor3A_554 = arith.xori %iota3A, %xor3A_553 : vector<16xi32>
          %broadcast_in_dim3A_555 = vector.shape_cast %xor3A_554 : vector<16xi32> to vector<16x1xi32>
          %gather3A_556 = vector.shape_cast %broadcast_in_dim3A_555 : vector<16x1xi32> to vector<16xi32>
          %gather3A_557 = tpu.dynamic_gather %add3A_551[%gather3A_556] in [0] : vector<16xf32>, vector<16xi32> -> vector<16xf32>
          %add3A_558 = arith.addf %add3A_551, %gather3A_557 : vector<16xf32>
          %slice3A_559 = vector.extract_strided_slice %get3A_180 {offsets = [2], sizes = [1], strides = [1]} : vector<16xf32> to vector<1xf32>
          %squeeze3A_560 = vector.extract %slice3A_559[0] : f32 from vector<1xf32>
          %sub3A_561 = vector.broadcast %squeeze3A_560 : f32 to vector<16xf32>
          %sub3A_562 = arith.subf %add3A_558, %sub3A_561 : vector<16xf32>
          %exp3A_563 = math.exp %sub3A_562 : vector<16xf32>
          %mul3A_564 = arith.mulf %unpack3A_528, %exp3A_563 : vector<16xf32>
          %swap3A_565 = arith.index_cast %scan3A_413 : i32 to index
          %swap3A_566 = arith.constant 32 : index
          %swap3A_567 = tpu.vector_load %arg18[%swap3A_565, %swap3A_566] {strides = array<i32>} : memref<128x80xf32, #tpu.memory_space<vmem>>, vector<16xf32>,
          tpu.vector_store %arg18[%swap3A_565, %swap3A_566], %mul3A_564 {strides = array<i32>} : memref<128x80xf32, #tpu.memory_space<vmem>>, vector<16xf32>,
          %eq3A_568 = arith.constant 2 : i32
          %eq3A_569 = vector.broadcast %eq3A_568 : i32 to vector<16xi32>
          %eq3A_570 = arith.cmpi eq, %iota3A, %eq3A_569 : vector<16xi32>
          %select_n3A_571 = arith.select %eq3A_570, %exp3A_563, %select_n3A_514 : vector<16xi1>, vector<16xf32>
          %mul3A_572 = arith.mulf %unpack3A_519, %unpack3A_524 : vector<16xf32>
          %xor3A_573 = arith.constant 8 : i32
          %xor3A_574 = vector.broadcast %xor3A_573 : i32 to vector<16xi32>
          %xor3A_575 = arith.xori %iota3A, %xor3A_574 : vector<16xi32>
          %broadcast_in_dim3A_576 = vector.shape_cast %xor3A_575 : vector<16xi32> to vector<16x1xi32>
          %gather3A_577 = vector.shape_cast %broadcast_in_dim3A_576 : vector<16x1xi32> to vector<16xi32>
          %gather3A_578 = tpu.dynamic_gather %mul3A_572[%gather3A_577] in [0] : vector<16xf32>, vector<16xi32> -> vector<16xf32>
          %add3A_579 = arith.addf %mul3A_572, %gather3A_578 : vector<16xf32>
          %xor3A_580 = arith.constant 4 : i32
          %xor3A_581 = vector.broadcast %xor3A_580 : i32 to vector<16xi32>
          %xor3A_582 = arith.xori %iota3A, %xor3A_581 : vector<16xi32>
          %broadcast_in_dim3A_583 = vector.shape_cast %xor3A_582 : vector<16xi32> to vector<16x1xi32>
          %gather3A_584 = vector.shape_cast %broadcast_in_dim3A_583 : vector<16x1xi32> to vector<16xi32>
          %gather3A_585 = tpu.dynamic_gather %add3A_579[%gather3A_584] in [0] : vector<16xf32>, vector<16xi32> -> vector<16xf32>
          %add3A_586 = arith.addf %add3A_579, %gather3A_585 : vector<16xf32>
          %xor3A_587 = arith.constant 2 : i32
          %xor3A_588 = vector.broadcast %xor3A_587 : i32 to vector<16xi32>
          %xor3A_589 = arith.xori %iota3A, %xor3A_588 : vector<16xi32>
          %broadcast_in_dim3A_590 = vector.shape_cast %xor3A_589 : vector<16xi32> to vector<16x1xi32>
          %gather3A_591 = vector.shape_cast %broadcast_in_dim3A_590 : vector<16x1xi32> to vector<16xi32>
          %gather3A_592 = tpu.dynamic_gather %add3A_586[%gather3A_591] in [0] : vector<16xf32>, vector<16xi32> -> vector<16xf32>
          %add3A_593 = arith.addf %add3A_586, %gather3A_592 : vector<16xf32>
          %xor3A_594 = arith.constant 1 : i32
          %xor3A_595 = vector.broadcast %xor3A_594 : i32 to vector<16xi32>
          %xor3A_596 = arith.xori %iota3A, %xor3A_595 : vector<16xi32>
          %broadcast_in_dim3A_597 = vector.shape_cast %xor3A_596 : vector<16xi32> to vector<16x1xi32>
          %gather3A_598 = vector.shape_cast %broadcast_in_dim3A_597 : vector<16x1xi32> to vector<16xi32>
          %gather3A_599 = tpu.dynamic_gather %add3A_593[%gather3A_598] in [0] : vector<16xf32>, vector<16xi32> -> vector<16xf32>
          %add3A_600 = arith.addf %add3A_593, %gather3A_599 : vector<16xf32>
          %slice3A_601 = vector.extract_strided_slice %get3A_180 {offsets = [3], sizes = [1], strides = [1]} : vector<16xf32> to vector<1xf32>
          %squeeze3A_602 = vector.extract %slice3A_601[0] : f32 from vector<1xf32>
          %sub3A_603 = vector.broadcast %squeeze3A_602 : f32 to vector<16xf32>
          %sub3A_604 = arith.subf %add3A_600, %sub3A_603 : vector<16xf32>
          %exp3A_605 = math.exp %sub3A_604 : vector<16xf32>
          %mul3A_606 = arith.mulf %unpack3A_529, %exp3A_605 : vector<16xf32>
          %swap3A_607 = arith.index_cast %scan3A_413 : i32 to index
          %swap3A_608 = arith.constant 48 : index
          %swap3A_609 = tpu.vector_load %arg18[%swap3A_607, %swap3A_608] {strides = array<i32>} : memref<128x80xf32, #tpu.memory_space<vmem>>, vector<16xf32>,
          tpu.vector_store %arg18[%swap3A_607, %swap3A_608], %mul3A_606 {strides = array<i32>} : memref<128x80xf32, #tpu.memory_space<vmem>>, vector<16xf32>,
          %eq3A_610 = arith.constant 3 : i32
          %eq3A_611 = vector.broadcast %eq3A_610 : i32 to vector<16xi32>
          %eq3A_612 = arith.cmpi eq, %iota3A, %eq3A_611 : vector<16xi32>
          %select_n3A_613 = arith.select %eq3A_612, %exp3A_605, %select_n3A_571 : vector<16xi1>, vector<16xf32>
          %swap3A_614 = arith.index_cast %scan3A_413 : i32 to index
          %swap3A_615 = arith.constant 64 : index
          %swap3A_616 = tpu.vector_load %arg18[%swap3A_614, %swap3A_615] {strides = array<i32>} : memref<128x80xf32, #tpu.memory_space<vmem>>, vector<16xf32>,
          tpu.vector_store %arg18[%swap3A_614, %swap3A_615], %select_n3A_613 {strides = array<i32>} : memref<128x80xf32, #tpu.memory_space<vmem>>, vector<16xf32>,
          %scan3A_617 = arith.constant 0 : i32
          %scan3A_618 = arith.constant 2 : i32
          %scan3A_619 = arith.addi %scan3A_215, %scan3A_618 : i32
          %broadcast_in_dim3A_620 = arith.constant 0.000000e+00 : f32
          %broadcast_in_dim3A_621 = vector.broadcast %broadcast_in_dim3A_620 : f32 to vector<16xf32>
          %get3A_622 = arith.index_cast %scan3A_619 : i32 to index
          %get3A_623 = arith.constant 0 : index
          %get3A_624 = tpu.vector_load %arg14[%get3A_622, %get3A_623] {strides = array<i32>} : memref<128x64xbf16, #tpu.memory_space<vmem>>, vector<32xbf16>,
          %unpack3A_625 = tpu.unpack_subelements %get3A_624, 0 {pack_format = #tpu.pack_format<interleaved>} : vector<32xbf16> -> vector<16xf32>
          %unpack3A_626 = tpu.unpack_subelements %get3A_624, 1 {pack_format = #tpu.pack_format<interleaved>} : vector<32xbf16> -> vector<16xf32>
          %get3A_627 = arith.index_cast %scan3A_619 : i32 to index
          %get3A_628 = arith.constant 0 : index
          %get3A_629 = tpu.vector_load %arg16[%get3A_627, %get3A_628] {strides = array<i32>} : memref<128x128xbf16, #tpu.memory_space<vmem>>, vector<32xbf16>,
          %unpack3A_630 = tpu.unpack_subelements %get3A_629, 0 {pack_format = #tpu.pack_format<interleaved>} : vector<32xbf16> -> vector<16xf32>
          %unpack3A_631 = tpu.unpack_subelements %get3A_629, 1 {pack_format = #tpu.pack_format<interleaved>} : vector<32xbf16> -> vector<16xf32>
          %get3A_632 = arith.index_cast %scan3A_619 : i32 to index
          %get3A_633 = arith.constant 64 : index
          %get3A_634 = tpu.vector_load %arg16[%get3A_632, %get3A_633] {strides = array<i32>} : memref<128x128xbf16, #tpu.memory_space<vmem>>, vector<32xbf16>,
          %unpack3A_635 = tpu.unpack_subelements %get3A_634, 0 {pack_format = #tpu.pack_format<interleaved>} : vector<32xbf16> -> vector<16xf32>
          %unpack3A_636 = tpu.unpack_subelements %get3A_634, 1 {pack_format = #tpu.pack_format<interleaved>} : vector<32xbf16> -> vector<16xf32>
          %mul3A_637 = arith.mulf %unpack3A_625, %unpack3A_630 : vector<16xf32>
          %xor3A_638 = arith.constant 8 : i32
          %xor3A_639 = vector.broadcast %xor3A_638 : i32 to vector<16xi32>
          %xor3A_640 = arith.xori %iota3A, %xor3A_639 : vector<16xi32>
          %broadcast_in_dim3A_641 = vector.shape_cast %xor3A_640 : vector<16xi32> to vector<16x1xi32>
          %gather3A_642 = vector.shape_cast %broadcast_in_dim3A_641 : vector<16x1xi32> to vector<16xi32>
          %gather3A_643 = tpu.dynamic_gather %mul3A_637[%gather3A_642] in [0] : vector<16xf32>, vector<16xi32> -> vector<16xf32>
          %add3A_644 = arith.addf %mul3A_637, %gather3A_643 : vector<16xf32>
          %xor3A_645 = arith.constant 4 : i32
          %xor3A_646 = vector.broadcast %xor3A_645 : i32 to vector<16xi32>
          %xor3A_647 = arith.xori %iota3A, %xor3A_646 : vector<16xi32>
          %broadcast_in_dim3A_648 = vector.shape_cast %xor3A_647 : vector<16xi32> to vector<16x1xi32>
          %gather3A_649 = vector.shape_cast %broadcast_in_dim3A_648 : vector<16x1xi32> to vector<16xi32>
          %gather3A_650 = tpu.dynamic_gather %add3A_644[%gather3A_649] in [0] : vector<16xf32>, vector<16xi32> -> vector<16xf32>
          %add3A_651 = arith.addf %add3A_644, %gather3A_650 : vector<16xf32>
          %xor3A_652 = arith.constant 2 : i32
          %xor3A_653 = vector.broadcast %xor3A_652 : i32 to vector<16xi32>
          %xor3A_654 = arith.xori %iota3A, %xor3A_653 : vector<16xi32>
          %broadcast_in_dim3A_655 = vector.shape_cast %xor3A_654 : vector<16xi32> to vector<16x1xi32>
          %gather3A_656 = vector.shape_cast %broadcast_in_dim3A_655 : vector<16x1xi32> to vector<16xi32>
          %gather3A_657 = tpu.dynamic_gather %add3A_651[%gather3A_656] in [0] : vector<16xf32>, vector<16xi32> -> vector<16xf32>
          %add3A_658 = arith.addf %add3A_651, %gather3A_657 : vector<16xf32>
          %xor3A_659 = arith.constant 1 : i32
          %xor3A_660 = vector.broadcast %xor3A_659 : i32 to vector<16xi32>
          %xor3A_661 = arith.xori %iota3A, %xor3A_660 : vector<16xi32>
          %broadcast_in_dim3A_662 = vector.shape_cast %xor3A_661 : vector<16xi32> to vector<16x1xi32>
          %gather3A_663 = vector.shape_cast %broadcast_in_dim3A_662 : vector<16x1xi32> to vector<16xi32>
          %gather3A_664 = tpu.dynamic_gather %add3A_658[%gather3A_663] in [0] : vector<16xf32>, vector<16xi32> -> vector<16xf32>
          %add3A_665 = arith.addf %add3A_658, %gather3A_664 : vector<16xf32>
          %slice3A_666 = vector.extract_strided_slice %get3A_180 {offsets = [0], sizes = [1], strides = [1]} : vector<16xf32> to vector<1xf32>
          %squeeze3A_667 = vector.extract %slice3A_666[0] : f32 from vector<1xf32>
          %sub3A_668 = vector.broadcast %squeeze3A_667 : f32 to vector<16xf32>
          %sub3A_669 = arith.subf %add3A_665, %sub3A_668 : vector<16xf32>
          %exp3A_670 = math.exp %sub3A_669 : vector<16xf32>
          %mul3A_671 = arith.mulf %unpack3A_635, %exp3A_670 : vector<16xf32>
          %swap3A_672 = arith.index_cast %scan3A_619 : i32 to index
          %swap3A_673 = arith.constant 0 : index
          %swap3A_674 = tpu.vector_load %arg18[%swap3A_672, %swap3A_673] {strides = array<i32>} : memref<128x80xf32, #tpu.memory_space<vmem>>, vector<16xf32>,
          tpu.vector_store %arg18[%swap3A_672, %swap3A_673], %mul3A_671 {strides = array<i32>} : memref<128x80xf32, #tpu.memory_space<vmem>>, vector<16xf32>,
          %eq3A_675 = arith.constant 0 : i32
          %eq3A_676 = vector.broadcast %eq3A_675 : i32 to vector<16xi32>
          %eq3A_677 = arith.cmpi eq, %iota3A, %eq3A_676 : vector<16xi32>
          %select_n3A_678 = arith.select %eq3A_677, %exp3A_670, %broadcast_in_dim3A_621 : vector<16xi1>, vector<16xf32>
          %mul3A_679 = arith.mulf %unpack3A_626, %unpack3A_631 : vector<16xf32>
          %xor3A_680 = arith.constant 8 : i32
          %xor3A_681 = vector.broadcast %xor3A_680 : i32 to vector<16xi32>
          %xor3A_682 = arith.xori %iota3A, %xor3A_681 : vector<16xi32>
          %broadcast_in_dim3A_683 = vector.shape_cast %xor3A_682 : vector<16xi32> to vector<16x1xi32>
          %gather3A_684 = vector.shape_cast %broadcast_in_dim3A_683 : vector<16x1xi32> to vector<16xi32>
          %gather3A_685 = tpu.dynamic_gather %mul3A_679[%gather3A_684] in [0] : vector<16xf32>, vector<16xi32> -> vector<16xf32>
          %add3A_686 = arith.addf %mul3A_679, %gather3A_685 : vector<16xf32>
          %xor3A_687 = arith.constant 4 : i32
          %xor3A_688 = vector.broadcast %xor3A_687 : i32 to vector<16xi32>
          %xor3A_689 = arith.xori %iota3A, %xor3A_688 : vector<16xi32>
          %broadcast_in_dim3A_690 = vector.shape_cast %xor3A_689 : vector<16xi32> to vector<16x1xi32>
          %gather3A_691 = vector.shape_cast %broadcast_in_dim3A_690 : vector<16x1xi32> to vector<16xi32>
          %gather3A_692 = tpu.dynamic_gather %add3A_686[%gather3A_691] in [0] : vector<16xf32>, vector<16xi32> -> vector<16xf32>
          %add3A_693 = arith.addf %add3A_686, %gather3A_692 : vector<16xf32>
          %xor3A_694 = arith.constant 2 : i32
          %xor3A_695 = vector.broadcast %xor3A_694 : i32 to vector<16xi32>
          %xor3A_696 = arith.xori %iota3A, %xor3A_695 : vector<16xi32>
          %broadcast_in_dim3A_697 = vector.shape_cast %xor3A_696 : vector<16xi32> to vector<16x1xi32>
          %gather3A_698 = vector.shape_cast %broadcast_in_dim3A_697 : vector<16x1xi32> to vector<16xi32>
          %gather3A_699 = tpu.dynamic_gather %add3A_693[%gather3A_698] in [0] : vector<16xf32>, vector<16xi32> -> vector<16xf32>
          %add3A_700 = arith.addf %add3A_693, %gather3A_699 : vector<16xf32>
          %xor3A_701 = arith.constant 1 : i32
          %xor3A_702 = vector.broadcast %xor3A_701 : i32 to vector<16xi32>
          %xor3A_703 = arith.xori %iota3A, %xor3A_702 : vector<16xi32>
          %broadcast_in_dim3A_704 = vector.shape_cast %xor3A_703 : vector<16xi32> to vector<16x1xi32>
          %gather3A_705 = vector.shape_cast %broadcast_in_dim3A_704 : vector<16x1xi32> to vector<16xi32>
          %gather3A_706 = tpu.dynamic_gather %add3A_700[%gather3A_705] in [0] : vector<16xf32>, vector<16xi32> -> vector<16xf32>
          %add3A_707 = arith.addf %add3A_700, %gather3A_706 : vector<16xf32>
          %slice3A_708 = vector.extract_strided_slice %get3A_180 {offsets = [1], sizes = [1], strides = [1]} : vector<16xf32> to vector<1xf32>
          %squeeze3A_709 = vector.extract %slice3A_708[0] : f32 from vector<1xf32>
          %sub3A_710 = vector.broadcast %squeeze3A_709 : f32 to vector<16xf32>
          %sub3A_711 = arith.subf %add3A_707, %sub3A_710 : vector<16xf32>
          %exp3A_712 = math.exp %sub3A_711 : vector<16xf32>
          %mul3A_713 = arith.mulf %unpack3A_636, %exp3A_712 : vector<16xf32>
          %swap3A_714 = arith.index_cast %scan3A_619 : i32 to index
          %swap3A_715 = arith.constant 16 : index
          %swap3A_716 = tpu.vector_load %arg18[%swap3A_714, %swap3A_715] {strides = array<i32>} : memref<128x80xf32, #tpu.memory_space<vmem>>, vector<16xf32>,
          tpu.vector_store %arg18[%swap3A_714, %swap3A_715], %mul3A_713 {strides = array<i32>} : memref<128x80xf32, #tpu.memory_space<vmem>>, vector<16xf32>,
          %eq3A_717 = arith.constant 1 : i32
          %eq3A_718 = vector.broadcast %eq3A_717 : i32 to vector<16xi32>
          %eq3A_719 = arith.cmpi eq, %iota3A, %eq3A_718 : vector<16xi32>
          %select_n3A_720 = arith.select %eq3A_719, %exp3A_712, %select_n3A_678 : vector<16xi1>, vector<16xf32>
          %get3A_721 = arith.index_cast %scan3A_619 : i32 to index
          %get3A_722 = arith.constant 32 : index
          %get3A_723 = tpu.vector_load %arg14[%get3A_721, %get3A_722] {strides = array<i32>} : memref<128x64xbf16, #tpu.memory_space<vmem>>, vector<32xbf16>,
          %unpack3A_724 = tpu.unpack_subelements %get3A_723, 0 {pack_format = #tpu.pack_format<interleaved>} : vector<32xbf16> -> vector<16xf32>
          %unpack3A_725 = tpu.unpack_subelements %get3A_723, 1 {pack_format = #tpu.pack_format<interleaved>} : vector<32xbf16> -> vector<16xf32>
          %get3A_726 = arith.index_cast %scan3A_619 : i32 to index
          %get3A_727 = arith.constant 32 : index
          %get3A_728 = tpu.vector_load %arg16[%get3A_726, %get3A_727] {strides = array<i32>} : memref<128x128xbf16, #tpu.memory_space<vmem>>, vector<32xbf16>,
          %unpack3A_729 = tpu.unpack_subelements %get3A_728, 0 {pack_format = #tpu.pack_format<interleaved>} : vector<32xbf16> -> vector<16xf32>
          %unpack3A_730 = tpu.unpack_subelements %get3A_728, 1 {pack_format = #tpu.pack_format<interleaved>} : vector<32xbf16> -> vector<16xf32>
          %get3A_731 = arith.index_cast %scan3A_619 : i32 to index
          %get3A_732 = arith.constant 96 : index
          %get3A_733 = tpu.vector_load %arg16[%get3A_731, %get3A_732] {strides = array<i32>} : memref<128x128xbf16, #tpu.memory_space<vmem>>, vector<32xbf16>,
          %unpack3A_734 = tpu.unpack_subelements %get3A_733, 0 {pack_format = #tpu.pack_format<interleaved>} : vector<32xbf16> -> vector<16xf32>
          %unpack3A_735 = tpu.unpack_subelements %get3A_733, 1 {pack_format = #tpu.pack_format<interleaved>} : vector<32xbf16> -> vector<16xf32>
          %mul3A_736 = arith.mulf %unpack3A_724, %unpack3A_729 : vector<16xf32>
          %xor3A_737 = arith.constant 8 : i32
          %xor3A_738 = vector.broadcast %xor3A_737 : i32 to vector<16xi32>
          %xor3A_739 = arith.xori %iota3A, %xor3A_738 : vector<16xi32>
          %broadcast_in_dim3A_740 = vector.shape_cast %xor3A_739 : vector<16xi32> to vector<16x1xi32>
          %gather3A_741 = vector.shape_cast %broadcast_in_dim3A_740 : vector<16x1xi32> to vector<16xi32>
          %gather3A_742 = tpu.dynamic_gather %mul3A_736[%gather3A_741] in [0] : vector<16xf32>, vector<16xi32> -> vector<16xf32>
          %add3A_743 = arith.addf %mul3A_736, %gather3A_742 : vector<16xf32>
          %xor3A_744 = arith.constant 4 : i32
          %xor3A_745 = vector.broadcast %xor3A_744 : i32 to vector<16xi32>
          %xor3A_746 = arith.xori %iota3A, %xor3A_745 : vector<16xi32>
          %broadcast_in_dim3A_747 = vector.shape_cast %xor3A_746 : vector<16xi32> to vector<16x1xi32>
          %gather3A_748 = vector.shape_cast %broadcast_in_dim3A_747 : vector<16x1xi32> to vector<16xi32>
          %gather3A_749 = tpu.dynamic_gather %add3A_743[%gather3A_748] in [0] : vector<16xf32>, vector<16xi32> -> vector<16xf32>
          %add3A_750 = arith.addf %add3A_743, %gather3A_749 : vector<16xf32>
          %xor3A_751 = arith.constant 2 : i32
          %xor3A_752 = vector.broadcast %xor3A_751 : i32 to vector<16xi32>
          %xor3A_753 = arith.xori %iota3A, %xor3A_752 : vector<16xi32>
          %broadcast_in_dim3A_754 = vector.shape_cast %xor3A_753 : vector<16xi32> to vector<16x1xi32>
          %gather3A_755 = vector.shape_cast %broadcast_in_dim3A_754 : vector<16x1xi32> to vector<16xi32>
          %gather3A_756 = tpu.dynamic_gather %add3A_750[%gather3A_755] in [0] : vector<16xf32>, vector<16xi32> -> vector<16xf32>
          %add3A_757 = arith.addf %add3A_750, %gather3A_756 : vector<16xf32>
          %xor3A_758 = arith.constant 1 : i32
          %xor3A_759 = vector.broadcast %xor3A_758 : i32 to vector<16xi32>
          %xor3A_760 = arith.xori %iota3A, %xor3A_759 : vector<16xi32>
          %broadcast_in_dim3A_761 = vector.shape_cast %xor3A_760 : vector<16xi32> to vector<16x1xi32>
          %gather3A_762 = vector.shape_cast %broadcast_in_dim3A_761 : vector<16x1xi32> to vector<16xi32>
          %gather3A_763 = tpu.dynamic_gather %add3A_757[%gather3A_762] in [0] : vector<16xf32>, vector<16xi32> -> vector<16xf32>
          %add3A_764 = arith.addf %add3A_757, %gather3A_763 : vector<16xf32>
          %slice3A_765 = vector.extract_strided_slice %get3A_180 {offsets = [2], sizes = [1], strides = [1]} : vector<16xf32> to vector<1xf32>
          %squeeze3A_766 = vector.extract %slice3A_765[0] : f32 from vector<1xf32>
          %sub3A_767 = vector.broadcast %squeeze3A_766 : f32 to vector<16xf32>
          %sub3A_768 = arith.subf %add3A_764, %sub3A_767 : vector<16xf32>
          %exp3A_769 = math.exp %sub3A_768 : vector<16xf32>
          %mul3A_770 = arith.mulf %unpack3A_734, %exp3A_769 : vector<16xf32>
          %swap3A_771 = arith.index_cast %scan3A_619 : i32 to index
          %swap3A_772 = arith.constant 32 : index
          %swap3A_773 = tpu.vector_load %arg18[%swap3A_771, %swap3A_772] {strides = array<i32>} : memref<128x80xf32, #tpu.memory_space<vmem>>, vector<16xf32>,
          tpu.vector_store %arg18[%swap3A_771, %swap3A_772], %mul3A_770 {strides = array<i32>} : memref<128x80xf32, #tpu.memory_space<vmem>>, vector<16xf32>,
          %eq3A_774 = arith.constant 2 : i32
          %eq3A_775 = vector.broadcast %eq3A_774 : i32 to vector<16xi32>
          %eq3A_776 = arith.cmpi eq, %iota3A, %eq3A_775 : vector<16xi32>
          %select_n3A_777 = arith.select %eq3A_776, %exp3A_769, %select_n3A_720 : vector<16xi1>, vector<16xf32>
          %mul3A_778 = arith.mulf %unpack3A_725, %unpack3A_730 : vector<16xf32>
          %xor3A_779 = arith.constant 8 : i32
          %xor3A_780 = vector.broadcast %xor3A_779 : i32 to vector<16xi32>
          %xor3A_781 = arith.xori %iota3A, %xor3A_780 : vector<16xi32>
          %broadcast_in_dim3A_782 = vector.shape_cast %xor3A_781 : vector<16xi32> to vector<16x1xi32>
          %gather3A_783 = vector.shape_cast %broadcast_in_dim3A_782 : vector<16x1xi32> to vector<16xi32>
          %gather3A_784 = tpu.dynamic_gather %mul3A_778[%gather3A_783] in [0] : vector<16xf32>, vector<16xi32> -> vector<16xf32>
          %add3A_785 = arith.addf %mul3A_778, %gather3A_784 : vector<16xf32>
          %xor3A_786 = arith.constant 4 : i32
          %xor3A_787 = vector.broadcast %xor3A_786 : i32 to vector<16xi32>
          %xor3A_788 = arith.xori %iota3A, %xor3A_787 : vector<16xi32>
          %broadcast_in_dim3A_789 = vector.shape_cast %xor3A_788 : vector<16xi32> to vector<16x1xi32>
          %gather3A_790 = vector.shape_cast %broadcast_in_dim3A_789 : vector<16x1xi32> to vector<16xi32>
          %gather3A_791 = tpu.dynamic_gather %add3A_785[%gather3A_790] in [0] : vector<16xf32>, vector<16xi32> -> vector<16xf32>
          %add3A_792 = arith.addf %add3A_785, %gather3A_791 : vector<16xf32>
          %xor3A_793 = arith.constant 2 : i32
          %xor3A_794 = vector.broadcast %xor3A_793 : i32 to vector<16xi32>
          %xor3A_795 = arith.xori %iota3A, %xor3A_794 : vector<16xi32>
          %broadcast_in_dim3A_796 = vector.shape_cast %xor3A_795 : vector<16xi32> to vector<16x1xi32>
          %gather3A_797 = vector.shape_cast %broadcast_in_dim3A_796 : vector<16x1xi32> to vector<16xi32>
          %gather3A_798 = tpu.dynamic_gather %add3A_792[%gather3A_797] in [0] : vector<16xf32>, vector<16xi32> -> vector<16xf32>
          %add3A_799 = arith.addf %add3A_792, %gather3A_798 : vector<16xf32>
          %xor3A_800 = arith.constant 1 : i32
          %xor3A_801 = vector.broadcast %xor3A_800 : i32 to vector<16xi32>
          %xor3A_802 = arith.xori %iota3A, %xor3A_801 : vector<16xi32>
          %broadcast_in_dim3A_803 = vector.shape_cast %xor3A_802 : vector<16xi32> to vector<16x1xi32>
          %gather3A_804 = vector.shape_cast %broadcast_in_dim3A_803 : vector<16x1xi32> to vector<16xi32>
          %gather3A_805 = tpu.dynamic_gather %add3A_799[%gather3A_804] in [0] : vector<16xf32>, vector<16xi32> -> vector<16xf32>
          %add3A_806 = arith.addf %add3A_799, %gather3A_805 : vector<16xf32>
          %slice3A_807 = vector.extract_strided_slice %get3A_180 {offsets = [3], sizes = [1], strides = [1]} : vector<16xf32> to vector<1xf32>
          %squeeze3A_808 = vector.extract %slice3A_807[0] : f32 from vector<1xf32>
          %sub3A_809 = vector.broadcast %squeeze3A_808 : f32 to vector<16xf32>
          %sub3A_810 = arith.subf %add3A_806, %sub3A_809 : vector<16xf32>
          %exp3A_811 = math.exp %sub3A_810 : vector<16xf32>
          %mul3A_812 = arith.mulf %unpack3A_735, %exp3A_811 : vector<16xf32>
          %swap3A_813 = arith.index_cast %scan3A_619 : i32 to index
          %swap3A_814 = arith.constant 48 : index
          %swap3A_815 = tpu.vector_load %arg18[%swap3A_813, %swap3A_814] {strides = array<i32>} : memref<128x80xf32, #tpu.memory_space<vmem>>, vector<16xf32>,
          tpu.vector_store %arg18[%swap3A_813, %swap3A_814], %mul3A_812 {strides = array<i32>} : memref<128x80xf32, #tpu.memory_space<vmem>>, vector<16xf32>,
          %eq3A_816 = arith.constant 3 : i32
          %eq3A_817 = vector.broadcast %eq3A_816 : i32 to vector<16xi32>
          %eq3A_818 = arith.cmpi eq, %iota3A, %eq3A_817 : vector<16xi32>
          %select_n3A_819 = arith.select %eq3A_818, %exp3A_811, %select_n3A_777 : vector<16xi1>, vector<16xf32>
          %swap3A_820 = arith.index_cast %scan3A_619 : i32 to index
          %swap3A_821 = arith.constant 64 : index
          %swap3A_822 = tpu.vector_load %arg18[%swap3A_820, %swap3A_821] {strides = array<i32>} : memref<128x80xf32, #tpu.memory_space<vmem>>, vector<16xf32>,
          tpu.vector_store %arg18[%swap3A_820, %swap3A_821], %select_n3A_819 {strides = array<i32>} : memref<128x80xf32, #tpu.memory_space<vmem>>, vector<16xf32>,
          %scan3A_823 = arith.constant 0 : i32
          %scan3A_824 = arith.constant 3 : i32
          %scan3A_825 = arith.addi %scan3A_215, %scan3A_824 : i32
          %broadcast_in_dim3A_826 = arith.constant 0.000000e+00 : f32
          %broadcast_in_dim3A_827 = vector.broadcast %broadcast_in_dim3A_826 : f32 to vector<16xf32>
          %get3A_828 = arith.index_cast %scan3A_825 : i32 to index
          %get3A_829 = arith.constant 0 : index
          %get3A_830 = tpu.vector_load %arg14[%get3A_828, %get3A_829] {strides = array<i32>} : memref<128x64xbf16, #tpu.memory_space<vmem>>, vector<32xbf16>,
          %unpack3A_831 = tpu.unpack_subelements %get3A_830, 0 {pack_format = #tpu.pack_format<interleaved>} : vector<32xbf16> -> vector<16xf32>
          %unpack3A_832 = tpu.unpack_subelements %get3A_830, 1 {pack_format = #tpu.pack_format<interleaved>} : vector<32xbf16> -> vector<16xf32>
          %get3A_833 = arith.index_cast %scan3A_825 : i32 to index
          %get3A_834 = arith.constant 0 : index
          %get3A_835 = tpu.vector_load %arg16[%get3A_833, %get3A_834] {strides = array<i32>} : memref<128x128xbf16, #tpu.memory_space<vmem>>, vector<32xbf16>,
          %unpack3A_836 = tpu.unpack_subelements %get3A_835, 0 {pack_format = #tpu.pack_format<interleaved>} : vector<32xbf16> -> vector<16xf32>
          %unpack3A_837 = tpu.unpack_subelements %get3A_835, 1 {pack_format = #tpu.pack_format<interleaved>} : vector<32xbf16> -> vector<16xf32>
          %get3A_838 = arith.index_cast %scan3A_825 : i32 to index
          %get3A_839 = arith.constant 64 : index
          %get3A_840 = tpu.vector_load %arg16[%get3A_838, %get3A_839] {strides = array<i32>} : memref<128x128xbf16, #tpu.memory_space<vmem>>, vector<32xbf16>,
          %unpack3A_841 = tpu.unpack_subelements %get3A_840, 0 {pack_format = #tpu.pack_format<interleaved>} : vector<32xbf16> -> vector<16xf32>
          %unpack3A_842 = tpu.unpack_subelements %get3A_840, 1 {pack_format = #tpu.pack_format<interleaved>} : vector<32xbf16> -> vector<16xf32>
          %mul3A_843 = arith.mulf %unpack3A_831, %unpack3A_836 : vector<16xf32>
          %xor3A_844 = arith.constant 8 : i32
          %xor3A_845 = vector.broadcast %xor3A_844 : i32 to vector<16xi32>
          %xor3A_846 = arith.xori %iota3A, %xor3A_845 : vector<16xi32>
          %broadcast_in_dim3A_847 = vector.shape_cast %xor3A_846 : vector<16xi32> to vector<16x1xi32>
          %gather3A_848 = vector.shape_cast %broadcast_in_dim3A_847 : vector<16x1xi32> to vector<16xi32>
          %gather3A_849 = tpu.dynamic_gather %mul3A_843[%gather3A_848] in [0] : vector<16xf32>, vector<16xi32> -> vector<16xf32>
          %add3A_850 = arith.addf %mul3A_843, %gather3A_849 : vector<16xf32>
          %xor3A_851 = arith.constant 4 : i32
          %xor3A_852 = vector.broadcast %xor3A_851 : i32 to vector<16xi32>
          %xor3A_853 = arith.xori %iota3A, %xor3A_852 : vector<16xi32>
          %broadcast_in_dim3A_854 = vector.shape_cast %xor3A_853 : vector<16xi32> to vector<16x1xi32>
          %gather3A_855 = vector.shape_cast %broadcast_in_dim3A_854 : vector<16x1xi32> to vector<16xi32>
          %gather3A_856 = tpu.dynamic_gather %add3A_850[%gather3A_855] in [0] : vector<16xf32>, vector<16xi32> -> vector<16xf32>
          %add3A_857 = arith.addf %add3A_850, %gather3A_856 : vector<16xf32>
          %xor3A_858 = arith.constant 2 : i32
          %xor3A_859 = vector.broadcast %xor3A_858 : i32 to vector<16xi32>
          %xor3A_860 = arith.xori %iota3A, %xor3A_859 : vector<16xi32>
          %broadcast_in_dim3A_861 = vector.shape_cast %xor3A_860 : vector<16xi32> to vector<16x1xi32>
          %gather3A_862 = vector.shape_cast %broadcast_in_dim3A_861 : vector<16x1xi32> to vector<16xi32>
          %gather3A_863 = tpu.dynamic_gather %add3A_857[%gather3A_862] in [0] : vector<16xf32>, vector<16xi32> -> vector<16xf32>
          %add3A_864 = arith.addf %add3A_857, %gather3A_863 : vector<16xf32>
          %xor3A_865 = arith.constant 1 : i32
          %xor3A_866 = vector.broadcast %xor3A_865 : i32 to vector<16xi32>
          %xor3A_867 = arith.xori %iota3A, %xor3A_866 : vector<16xi32>
          %broadcast_in_dim3A_868 = vector.shape_cast %xor3A_867 : vector<16xi32> to vector<16x1xi32>
          %gather3A_869 = vector.shape_cast %broadcast_in_dim3A_868 : vector<16x1xi32> to vector<16xi32>
          %gather3A_870 = tpu.dynamic_gather %add3A_864[%gather3A_869] in [0] : vector<16xf32>, vector<16xi32> -> vector<16xf32>
          %add3A_871 = arith.addf %add3A_864, %gather3A_870 : vector<16xf32>
          %slice3A_872 = vector.extract_strided_slice %get3A_180 {offsets = [0], sizes = [1], strides = [1]} : vector<16xf32> to vector<1xf32>
          %squeeze3A_873 = vector.extract %slice3A_872[0] : f32 from vector<1xf32>
          %sub3A_874 = vector.broadcast %squeeze3A_873 : f32 to vector<16xf32>
          %sub3A_875 = arith.subf %add3A_871, %sub3A_874 : vector<16xf32>
          %exp3A_876 = math.exp %sub3A_875 : vector<16xf32>
          %mul3A_877 = arith.mulf %unpack3A_841, %exp3A_876 : vector<16xf32>
          %swap3A_878 = arith.index_cast %scan3A_825 : i32 to index
          %swap3A_879 = arith.constant 0 : index
          %swap3A_880 = tpu.vector_load %arg18[%swap3A_878, %swap3A_879] {strides = array<i32>} : memref<128x80xf32, #tpu.memory_space<vmem>>, vector<16xf32>,
          tpu.vector_store %arg18[%swap3A_878, %swap3A_879], %mul3A_877 {strides = array<i32>} : memref<128x80xf32, #tpu.memory_space<vmem>>, vector<16xf32>,
          %eq3A_881 = arith.constant 0 : i32
          %eq3A_882 = vector.broadcast %eq3A_881 : i32 to vector<16xi32>
          %eq3A_883 = arith.cmpi eq, %iota3A, %eq3A_882 : vector<16xi32>
          %select_n3A_884 = arith.select %eq3A_883, %exp3A_876, %broadcast_in_dim3A_827 : vector<16xi1>, vector<16xf32>
          %mul3A_885 = arith.mulf %unpack3A_832, %unpack3A_837 : vector<16xf32>
          %xor3A_886 = arith.constant 8 : i32
          %xor3A_887 = vector.broadcast %xor3A_886 : i32 to vector<16xi32>
          %xor3A_888 = arith.xori %iota3A, %xor3A_887 : vector<16xi32>
          %broadcast_in_dim3A_889 = vector.shape_cast %xor3A_888 : vector<16xi32> to vector<16x1xi32>
          %gather3A_890 = vector.shape_cast %broadcast_in_dim3A_889 : vector<16x1xi32> to vector<16xi32>
          %gather3A_891 = tpu.dynamic_gather %mul3A_885[%gather3A_890] in [0] : vector<16xf32>, vector<16xi32> -> vector<16xf32>
          %add3A_892 = arith.addf %mul3A_885, %gather3A_891 : vector<16xf32>
          %xor3A_893 = arith.constant 4 : i32
          %xor3A_894 = vector.broadcast %xor3A_893 : i32 to vector<16xi32>
          %xor3A_895 = arith.xori %iota3A, %xor3A_894 : vector<16xi32>
          %broadcast_in_dim3A_896 = vector.shape_cast %xor3A_895 : vector<16xi32> to vector<16x1xi32>
          %gather3A_897 = vector.shape_cast %broadcast_in_dim3A_896 : vector<16x1xi32> to vector<16xi32>
          %gather3A_898 = tpu.dynamic_gather %add3A_892[%gather3A_897] in [0] : vector<16xf32>, vector<16xi32> -> vector<16xf32>
          %add3A_899 = arith.addf %add3A_892, %gather3A_898 : vector<16xf32>
          %xor3A_900 = arith.constant 2 : i32
          %xor3A_901 = vector.broadcast %xor3A_900 : i32 to vector<16xi32>
          %xor3A_902 = arith.xori %iota3A, %xor3A_901 : vector<16xi32>
          %broadcast_in_dim3A_903 = vector.shape_cast %xor3A_902 : vector<16xi32> to vector<16x1xi32>
          %gather3A_904 = vector.shape_cast %broadcast_in_dim3A_903 : vector<16x1xi32> to vector<16xi32>
          %gather3A_905 = tpu.dynamic_gather %add3A_899[%gather3A_904] in [0] : vector<16xf32>, vector<16xi32> -> vector<16xf32>
          %add3A_906 = arith.addf %add3A_899, %gather3A_905 : vector<16xf32>
          %xor3A_907 = arith.constant 1 : i32
          %xor3A_908 = vector.broadcast %xor3A_907 : i32 to vector<16xi32>
          %xor3A_909 = arith.xori %iota3A, %xor3A_908 : vector<16xi32>
          %broadcast_in_dim3A_910 = vector.shape_cast %xor3A_909 : vector<16xi32> to vector<16x1xi32>
          %gather3A_911 = vector.shape_cast %broadcast_in_dim3A_910 : vector<16x1xi32> to vector<16xi32>
          %gather3A_912 = tpu.dynamic_gather %add3A_906[%gather3A_911] in [0] : vector<16xf32>, vector<16xi32> -> vector<16xf32>
          %add3A_913 = arith.addf %add3A_906, %gather3A_912 : vector<16xf32>
          %slice3A_914 = vector.extract_strided_slice %get3A_180 {offsets = [1], sizes = [1], strides = [1]} : vector<16xf32> to vector<1xf32>
          %squeeze3A_915 = vector.extract %slice3A_914[0] : f32 from vector<1xf32>
          %sub3A_916 = vector.broadcast %squeeze3A_915 : f32 to vector<16xf32>
          %sub3A_917 = arith.subf %add3A_913, %sub3A_916 : vector<16xf32>
          %exp3A_918 = math.exp %sub3A_917 : vector<16xf32>
          %mul3A_919 = arith.mulf %unpack3A_842, %exp3A_918 : vector<16xf32>
          %swap3A_920 = arith.index_cast %scan3A_825 : i32 to index
          %swap3A_921 = arith.constant 16 : index
          %swap3A_922 = tpu.vector_load %arg18[%swap3A_920, %swap3A_921] {strides = array<i32>} : memref<128x80xf32, #tpu.memory_space<vmem>>, vector<16xf32>,
          tpu.vector_store %arg18[%swap3A_920, %swap3A_921], %mul3A_919 {strides = array<i32>} : memref<128x80xf32, #tpu.memory_space<vmem>>, vector<16xf32>,
          %eq3A_923 = arith.constant 1 : i32
          %eq3A_924 = vector.broadcast %eq3A_923 : i32 to vector<16xi32>
          %eq3A_925 = arith.cmpi eq, %iota3A, %eq3A_924 : vector<16xi32>
          %select_n3A_926 = arith.select %eq3A_925, %exp3A_918, %select_n3A_884 : vector<16xi1>, vector<16xf32>
          %get3A_927 = arith.index_cast %scan3A_825 : i32 to index
          %get3A_928 = arith.constant 32 : index
          %get3A_929 = tpu.vector_load %arg14[%get3A_927, %get3A_928] {strides = array<i32>} : memref<128x64xbf16, #tpu.memory_space<vmem>>, vector<32xbf16>,
          %unpack3A_930 = tpu.unpack_subelements %get3A_929, 0 {pack_format = #tpu.pack_format<interleaved>} : vector<32xbf16> -> vector<16xf32>
          %unpack3A_931 = tpu.unpack_subelements %get3A_929, 1 {pack_format = #tpu.pack_format<interleaved>} : vector<32xbf16> -> vector<16xf32>
          %get3A_932 = arith.index_cast %scan3A_825 : i32 to index
          %get3A_933 = arith.constant 32 : index
          %get3A_934 = tpu.vector_load %arg16[%get3A_932, %get3A_933] {strides = array<i32>} : memref<128x128xbf16, #tpu.memory_space<vmem>>, vector<32xbf16>,
          %unpack3A_935 = tpu.unpack_subelements %get3A_934, 0 {pack_format = #tpu.pack_format<interleaved>} : vector<32xbf16> -> vector<16xf32>
          %unpack3A_936 = tpu.unpack_subelements %get3A_934, 1 {pack_format = #tpu.pack_format<interleaved>} : vector<32xbf16> -> vector<16xf32>
          %get3A_937 = arith.index_cast %scan3A_825 : i32 to index
          %get3A_938 = arith.constant 96 : index
          %get3A_939 = tpu.vector_load %arg16[%get3A_937, %get3A_938] {strides = array<i32>} : memref<128x128xbf16, #tpu.memory_space<vmem>>, vector<32xbf16>,
          %unpack3A_940 = tpu.unpack_subelements %get3A_939, 0 {pack_format = #tpu.pack_format<interleaved>} : vector<32xbf16> -> vector<16xf32>
          %unpack3A_941 = tpu.unpack_subelements %get3A_939, 1 {pack_format = #tpu.pack_format<interleaved>} : vector<32xbf16> -> vector<16xf32>
          %mul3A_942 = arith.mulf %unpack3A_930, %unpack3A_935 : vector<16xf32>
          %xor3A_943 = arith.constant 8 : i32
          %xor3A_944 = vector.broadcast %xor3A_943 : i32 to vector<16xi32>
          %xor3A_945 = arith.xori %iota3A, %xor3A_944 : vector<16xi32>
          %broadcast_in_dim3A_946 = vector.shape_cast %xor3A_945 : vector<16xi32> to vector<16x1xi32>
          %gather3A_947 = vector.shape_cast %broadcast_in_dim3A_946 : vector<16x1xi32> to vector<16xi32>
          %gather3A_948 = tpu.dynamic_gather %mul3A_942[%gather3A_947] in [0] : vector<16xf32>, vector<16xi32> -> vector<16xf32>
          %add3A_949 = arith.addf %mul3A_942, %gather3A_948 : vector<16xf32>
          %xor3A_950 = arith.constant 4 : i32
          %xor3A_951 = vector.broadcast %xor3A_950 : i32 to vector<16xi32>
          %xor3A_952 = arith.xori %iota3A, %xor3A_951 : vector<16xi32>
          %broadcast_in_dim3A_953 = vector.shape_cast %xor3A_952 : vector<16xi32> to vector<16x1xi32>
          %gather3A_954 = vector.shape_cast %broadcast_in_dim3A_953 : vector<16x1xi32> to vector<16xi32>
          %gather3A_955 = tpu.dynamic_gather %add3A_949[%gather3A_954] in [0] : vector<16xf32>, vector<16xi32> -> vector<16xf32>
          %add3A_956 = arith.addf %add3A_949, %gather3A_955 : vector<16xf32>
          %xor3A_957 = arith.constant 2 : i32
          %xor3A_958 = vector.broadcast %xor3A_957 : i32 to vector<16xi32>
          %xor3A_959 = arith.xori %iota3A, %xor3A_958 : vector<16xi32>
          %broadcast_in_dim3A_960 = vector.shape_cast %xor3A_959 : vector<16xi32> to vector<16x1xi32>
          %gather3A_961 = vector.shape_cast %broadcast_in_dim3A_960 : vector<16x1xi32> to vector<16xi32>
          %gather3A_962 = tpu.dynamic_gather %add3A_956[%gather3A_961] in [0] : vector<16xf32>, vector<16xi32> -> vector<16xf32>
          %add3A_963 = arith.addf %add3A_956, %gather3A_962 : vector<16xf32>
          %xor3A_964 = arith.constant 1 : i32
          %xor3A_965 = vector.broadcast %xor3A_964 : i32 to vector<16xi32>
          %xor3A_966 = arith.xori %iota3A, %xor3A_965 : vector<16xi32>
          %broadcast_in_dim3A_967 = vector.shape_cast %xor3A_966 : vector<16xi32> to vector<16x1xi32>
          %gather3A_968 = vector.shape_cast %broadcast_in_dim3A_967 : vector<16x1xi32> to vector<16xi32>
          %gather3A_969 = tpu.dynamic_gather %add3A_963[%gather3A_968] in [0] : vector<16xf32>, vector<16xi32> -> vector<16xf32>
          %add3A_970 = arith.addf %add3A_963, %gather3A_969 : vector<16xf32>
          %slice3A_971 = vector.extract_strided_slice %get3A_180 {offsets = [2], sizes = [1], strides = [1]} : vector<16xf32> to vector<1xf32>
          %squeeze3A_972 = vector.extract %slice3A_971[0] : f32 from vector<1xf32>
          %sub3A_973 = vector.broadcast %squeeze3A_972 : f32 to vector<16xf32>
          %sub3A_974 = arith.subf %add3A_970, %sub3A_973 : vector<16xf32>
          %exp3A_975 = math.exp %sub3A_974 : vector<16xf32>
          %mul3A_976 = arith.mulf %unpack3A_940, %exp3A_975 : vector<16xf32>
          %swap3A_977 = arith.index_cast %scan3A_825 : i32 to index
          %swap3A_978 = arith.constant 32 : index
          %swap3A_979 = tpu.vector_load %arg18[%swap3A_977, %swap3A_978] {strides = array<i32>} : memref<128x80xf32, #tpu.memory_space<vmem>>, vector<16xf32>,
          tpu.vector_store %arg18[%swap3A_977, %swap3A_978], %mul3A_976 {strides = array<i32>} : memref<128x80xf32, #tpu.memory_space<vmem>>, vector<16xf32>,
          %eq3A_980 = arith.constant 2 : i32
          %eq3A_981 = vector.broadcast %eq3A_980 : i32 to vector<16xi32>
          %eq3A_982 = arith.cmpi eq, %iota3A, %eq3A_981 : vector<16xi32>
          %select_n3A_983 = arith.select %eq3A_982, %exp3A_975, %select_n3A_926 : vector<16xi1>, vector<16xf32>
          %mul3A_984 = arith.mulf %unpack3A_931, %unpack3A_936 : vector<16xf32>
          %xor3A_985 = arith.constant 8 : i32
          %xor3A_986 = vector.broadcast %xor3A_985 : i32 to vector<16xi32>
          %xor3A_987 = arith.xori %iota3A, %xor3A_986 : vector<16xi32>
          %broadcast_in_dim3A_988 = vector.shape_cast %xor3A_987 : vector<16xi32> to vector<16x1xi32>
          %gather3A_989 = vector.shape_cast %broadcast_in_dim3A_988 : vector<16x1xi32> to vector<16xi32>
          %gather3A_990 = tpu.dynamic_gather %mul3A_984[%gather3A_989] in [0] : vector<16xf32>, vector<16xi32> -> vector<16xf32>
          %add3A_991 = arith.addf %mul3A_984, %gather3A_990 : vector<16xf32>
          %xor3A_992 = arith.constant 4 : i32
          %xor3A_993 = vector.broadcast %xor3A_992 : i32 to vector<16xi32>
          %xor3A_994 = arith.xori %iota3A, %xor3A_993 : vector<16xi32>
          %broadcast_in_dim3A_995 = vector.shape_cast %xor3A_994 : vector<16xi32> to vector<16x1xi32>
          %gather3A_996 = vector.shape_cast %broadcast_in_dim3A_995 : vector<16x1xi32> to vector<16xi32>
          %gather3A_997 = tpu.dynamic_gather %add3A_991[%gather3A_996] in [0] : vector<16xf32>, vector<16xi32> -> vector<16xf32>
          %add3A_998 = arith.addf %add3A_991, %gather3A_997 : vector<16xf32>
          %xor3A_999 = arith.constant 2 : i32
          %xor3A_1000 = vector.broadcast %xor3A_999 : i32 to vector<16xi32>
          %xor3A_1001 = arith.xori %iota3A, %xor3A_1000 : vector<16xi32>
          %broadcast_in_dim3A_1002 = vector.shape_cast %xor3A_1001 : vector<16xi32> to vector<16x1xi32>
          %gather3A_1003 = vector.shape_cast %broadcast_in_dim3A_1002 : vector<16x1xi32> to vector<16xi32>
          %gather3A_1004 = tpu.dynamic_gather %add3A_998[%gather3A_1003] in [0] : vector<16xf32>, vector<16xi32> -> vector<16xf32>
          %add3A_1005 = arith.addf %add3A_998, %gather3A_1004 : vector<16xf32>
          %xor3A_1006 = arith.constant 1 : i32
          %xor3A_1007 = vector.broadcast %xor3A_1006 : i32 to vector<16xi32>
          %xor3A_1008 = arith.xori %iota3A, %xor3A_1007 : vector<16xi32>
          %broadcast_in_dim3A_1009 = vector.shape_cast %xor3A_1008 : vector<16xi32> to vector<16x1xi32>
          %gather3A_1010 = vector.shape_cast %broadcast_in_dim3A_1009 : vector<16x1xi32> to vector<16xi32>
          %gather3A_1011 = tpu.dynamic_gather %add3A_1005[%gather3A_1010] in [0] : vector<16xf32>, vector<16xi32> -> vector<16xf32>
          %add3A_1012 = arith.addf %add3A_1005, %gather3A_1011 : vector<16xf32>
          %slice3A_1013 = vector.extract_strided_slice %get3A_180 {offsets = [3], sizes = [1], strides = [1]} : vector<16xf32> to vector<1xf32>
          %squeeze3A_1014 = vector.extract %slice3A_1013[0] : f32 from vector<1xf32>
          %sub3A_1015 = vector.broadcast %squeeze3A_1014 : f32 to vector<16xf32>
          %sub3A_1016 = arith.subf %add3A_1012, %sub3A_1015 : vector<16xf32>
          %exp3A_1017 = math.exp %sub3A_1016 : vector<16xf32>
          %mul3A_1018 = arith.mulf %unpack3A_941, %exp3A_1017 : vector<16xf32>
          %swap3A_1019 = arith.index_cast %scan3A_825 : i32 to index
          %swap3A_1020 = arith.constant 48 : index
          %swap3A_1021 = tpu.vector_load %arg18[%swap3A_1019, %swap3A_1020] {strides = array<i32>} : memref<128x80xf32, #tpu.memory_space<vmem>>, vector<16xf32>,
          tpu.vector_store %arg18[%swap3A_1019, %swap3A_1020], %mul3A_1018 {strides = array<i32>} : memref<128x80xf32, #tpu.memory_space<vmem>>, vector<16xf32>,
          %eq3A_1022 = arith.constant 3 : i32
          %eq3A_1023 = vector.broadcast %eq3A_1022 : i32 to vector<16xi32>
          %eq3A_1024 = arith.cmpi eq, %iota3A, %eq3A_1023 : vector<16xi32>
          %select_n3A_1025 = arith.select %eq3A_1024, %exp3A_1017, %select_n3A_983 : vector<16xi1>, vector<16xf32>
          %swap3A_1026 = arith.index_cast %scan3A_825 : i32 to index
          %swap3A_1027 = arith.constant 64 : index
          %swap3A_1028 = tpu.vector_load %arg18[%swap3A_1026, %swap3A_1027] {strides = array<i32>} : memref<128x80xf32, #tpu.memory_space<vmem>>, vector<16xf32>,
          tpu.vector_store %arg18[%swap3A_1026, %swap3A_1027], %select_n3A_1025 {strides = array<i32>} : memref<128x80xf32, #tpu.memory_space<vmem>>, vector<16xf32>,
          %scan3A_1029 = arith.constant 0 : i32
          scf.yield %scan3A_1029 : i32
        }
        %scan3A_201 = arith.constant 128 : i32
        "tpu.region"() ({
          %run_scoped3A = tpu.sem_alloc : memref<!tpu.dma_semaphore, #tpu.memory_space<semaphore_mem>>
          %dma_start3A_215 = arith.constant 0 : i32
          %dma_start3A_216 = arith.constant 0 : i32
          %dma_start3A_217 = tpu.memref_slice %arg21[%dma_start3A_215, %dma_start3A_216] : memref<10240x80xf32, #tpu.memory_space<vmem_shared>> -> memref<10240x80xf32, #tpu.memory_space<vmem_shared>>
          tpu.enqueue_indirect_dma source(%arg18 : memref<128x80xf32, #tpu.memory_space<vmem>>) target(%dma_start3A_217 : memref<10240x80xf32, #tpu.memory_space<vmem_shared>>) offsets(%arg8 : memref<128xi32, #tpu.memory_space<vmem>>) semaphore(%run_scoped3A : memref<!tpu.dma_semaphore, #tpu.memory_space<semaphore_mem>>) {add = true}
          %dma_wait3A_218 = arith.constant 0 : i32
          %dma_wait3A_219 = arith.constant 0 : i32
          %dma_wait3A_220 = tpu.memref_slice %arg21[%dma_wait3A_218, %dma_wait3A_219] : memref<10240x80xf32, #tpu.memory_space<vmem_shared>> -> memref<10240x80xf32, #tpu.memory_space<vmem_shared>>
          tpu.wait_indirect_dma semaphore(%run_scoped3A : memref<!tpu.dma_semaphore, #tpu.memory_space<semaphore_mem>>) src(%arg18 : memref<128x80xf32, #tpu.memory_space<vmem>>) dst(%dma_wait3A_220 : memref<10240x80xf32, #tpu.memory_space<vmem_shared>>)
          tpu.yield
        }) : () -> ()
        %add3A_202 = arith.constant 1 : i32
        %add3A_203 = arith.addi %scan3A_176, %add3A_202 : i32
        %lt3A = arith.constant 182 : i32
        %lt3A_204 = arith.cmpi slt, %add3A_203, %lt3A : i32
        %convert_element_type3A_205 = arith.extui %lt3A_204 : i1 to i32
        %cond3A_206 = arith.constant 0 : i32
        %cond3A_207 = arith.cmpi ne, %convert_element_type3A_205, %cond3A_206 : i32
        scf.if %cond3A_207 {
          %dma_wait3A_215 = arith.constant 0 : i32
          %dma_wait3A_216 = arith.constant 0 : i32
          %dma_wait3A_217 = tpu.memref_slice %arg4[%arg1, %dma_wait3A_215, %dma_wait3A_216] : memref<16x182x128xi32, #tpu.memory_space<hbm>> -> memref<1x1x128xi32, #tpu.memory_space<hbm>>
          %dma_wait3A_218 = tpu.memref_squeeze %dma_wait3A_217 : memref<1x1x128xi32, #tpu.memory_space<hbm>> -> memref<128xi32, #tpu.memory_space<hbm>>
          %dma_wait3A_219 = arith.constant 0 : i32
          %dma_wait3A_220 = tpu.memref_slice %arg4[%arg1, %dma_wait3A_215, %dma_wait3A_219] : memref<16x182x128xi32, #tpu.memory_space<hbm>> -> memref<1x1x128xi32, #tpu.memory_space<hbm>>
          %dma_wait3A_221 = tpu.memref_squeeze %dma_wait3A_220 : memref<1x1x128xi32, #tpu.memory_space<hbm>> -> memref<128xi32, #tpu.memory_space<hbm>>
          tpu.wait_dma2 semaphore(%arg25 : memref<!tpu.dma_semaphore, #tpu.memory_space<semaphore_mem>>) src(%dma_wait3A_221 : memref<128xi32, #tpu.memory_space<hbm>>) dst(%arg11 : memref<128xi32, #tpu.memory_space<vmem>>)
          %dma_wait3A_222 = arith.constant 0 : i32
          %dma_wait3A_223 = arith.constant 0 : i32
          %dma_wait3A_224 = tpu.memref_slice %arg5[%arg1, %dma_wait3A_222, %dma_wait3A_223] : memref<16x182x128xi32, #tpu.memory_space<hbm>> -> memref<1x1x128xi32, #tpu.memory_space<hbm>>
          %dma_wait3A_225 = tpu.memref_squeeze %dma_wait3A_224 : memref<1x1x128xi32, #tpu.memory_space<hbm>> -> memref<128xi32, #tpu.memory_space<hbm>>
          %dma_wait3A_226 = arith.constant 0 : i32
          %dma_wait3A_227 = tpu.memref_slice %arg5[%arg1, %dma_wait3A_222, %dma_wait3A_226] : memref<16x182x128xi32, #tpu.memory_space<hbm>> -> memref<1x1x128xi32, #tpu.memory_space<hbm>>
          %dma_wait3A_228 = tpu.memref_squeeze %dma_wait3A_227 : memref<1x1x128xi32, #tpu.memory_space<hbm>> -> memref<128xi32, #tpu.memory_space<hbm>>
          tpu.wait_dma2 semaphore(%arg25 : memref<!tpu.dma_semaphore, #tpu.memory_space<semaphore_mem>>) src(%dma_wait3A_228 : memref<128xi32, #tpu.memory_space<hbm>>) dst(%arg9 : memref<128xi32, #tpu.memory_space<vmem>>)
          %get3A_229 = arith.constant 0 : index
          %get3A_230 = tpu.vector_load %arg11[%get3A_229] {strides = array<i32>} : memref<128xi32, #tpu.memory_space<vmem>>, vector<16xi32>,
          %add3A_231 = vector.broadcast %mul3A_17 : i32 to vector<16xi32>
          %add3A_232 = arith.addi %get3A_230, %add3A_231 : vector<16xi32>
          %swap3A_233 = arith.constant 0 : index
          %swap3A_234 = tpu.vector_load %arg11[%swap3A_233] {strides = array<i32>} : memref<128xi32, #tpu.memory_space<vmem>>, vector<16xi32>,
          tpu.vector_store %arg11[%swap3A_233], %add3A_232 {strides = array<i32>} : memref<128xi32, #tpu.memory_space<vmem>>, vector<16xi32>,
          %get3A_235 = arith.constant 0 : index
          %get3A_236 = tpu.vector_load %arg9[%get3A_235] {strides = array<i32>} : memref<128xi32, #tpu.memory_space<vmem>>, vector<16xi32>,
          %add3A_237 = vector.broadcast %mul3A_17 : i32 to vector<16xi32>
          %add3A_238 = arith.addi %get3A_236, %add3A_237 : vector<16xi32>
          %swap3A_239 = arith.constant 0 : index
          %swap3A_240 = tpu.vector_load %arg13[%swap3A_239] {strides = array<i32>} : memref<128xi32, #tpu.memory_space<vmem>>, vector<16xi32>,
          tpu.vector_store %arg13[%swap3A_239], %add3A_238 {strides = array<i32>} : memref<128xi32, #tpu.memory_space<vmem>>, vector<16xi32>,
          %get3A_241 = arith.constant 16 : index
          %get3A_242 = tpu.vector_load %arg11[%get3A_241] {strides = array<i32>} : memref<128xi32, #tpu.memory_space<vmem>>, vector<16xi32>,
          %add3A_243 = vector.broadcast %mul3A_17 : i32 to vector<16xi32>
          %add3A_244 = arith.addi %get3A_242, %add3A_243 : vector<16xi32>
          %swap3A_245 = arith.constant 16 : index
          %swap3A_246 = tpu.vector_load %arg11[%swap3A_245] {strides = array<i32>} : memref<128xi32, #tpu.memory_space<vmem>>, vector<16xi32>,
          tpu.vector_store %arg11[%swap3A_245], %add3A_244 {strides = array<i32>} : memref<128xi32, #tpu.memory_space<vmem>>, vector<16xi32>,
          %get3A_247 = arith.constant 16 : index
          %get3A_248 = tpu.vector_load %arg9[%get3A_247] {strides = array<i32>} : memref<128xi32, #tpu.memory_space<vmem>>, vector<16xi32>,
          %add3A_249 = vector.broadcast %mul3A_17 : i32 to vector<16xi32>
          %add3A_250 = arith.addi %get3A_248, %add3A_249 : vector<16xi32>
          %swap3A_251 = arith.constant 16 : index
          %swap3A_252 = tpu.vector_load %arg13[%swap3A_251] {strides = array<i32>} : memref<128xi32, #tpu.memory_space<vmem>>, vector<16xi32>,
          tpu.vector_store %arg13[%swap3A_251], %add3A_250 {strides = array<i32>} : memref<128xi32, #tpu.memory_space<vmem>>, vector<16xi32>,
          %get3A_253 = arith.constant 32 : index
          %get3A_254 = tpu.vector_load %arg11[%get3A_253] {strides = array<i32>} : memref<128xi32, #tpu.memory_space<vmem>>, vector<16xi32>,
          %add3A_255 = vector.broadcast %mul3A_17 : i32 to vector<16xi32>
          %add3A_256 = arith.addi %get3A_254, %add3A_255 : vector<16xi32>
          %swap3A_257 = arith.constant 32 : index
          %swap3A_258 = tpu.vector_load %arg11[%swap3A_257] {strides = array<i32>} : memref<128xi32, #tpu.memory_space<vmem>>, vector<16xi32>,
          tpu.vector_store %arg11[%swap3A_257], %add3A_256 {strides = array<i32>} : memref<128xi32, #tpu.memory_space<vmem>>, vector<16xi32>,
          %get3A_259 = arith.constant 32 : index
          %get3A_260 = tpu.vector_load %arg9[%get3A_259] {strides = array<i32>} : memref<128xi32, #tpu.memory_space<vmem>>, vector<16xi32>,
          %add3A_261 = vector.broadcast %mul3A_17 : i32 to vector<16xi32>
          %add3A_262 = arith.addi %get3A_260, %add3A_261 : vector<16xi32>
          %swap3A_263 = arith.constant 32 : index
          %swap3A_264 = tpu.vector_load %arg13[%swap3A_263] {strides = array<i32>} : memref<128xi32, #tpu.memory_space<vmem>>, vector<16xi32>,
          tpu.vector_store %arg13[%swap3A_263], %add3A_262 {strides = array<i32>} : memref<128xi32, #tpu.memory_space<vmem>>, vector<16xi32>,
          %get3A_265 = arith.constant 48 : index
          %get3A_266 = tpu.vector_load %arg11[%get3A_265] {strides = array<i32>} : memref<128xi32, #tpu.memory_space<vmem>>, vector<16xi32>,
          %add3A_267 = vector.broadcast %mul3A_17 : i32 to vector<16xi32>
          %add3A_268 = arith.addi %get3A_266, %add3A_267 : vector<16xi32>
          %swap3A_269 = arith.constant 48 : index
          %swap3A_270 = tpu.vector_load %arg11[%swap3A_269] {strides = array<i32>} : memref<128xi32, #tpu.memory_space<vmem>>, vector<16xi32>,
          tpu.vector_store %arg11[%swap3A_269], %add3A_268 {strides = array<i32>} : memref<128xi32, #tpu.memory_space<vmem>>, vector<16xi32>,
          %get3A_271 = arith.constant 48 : index
          %get3A_272 = tpu.vector_load %arg9[%get3A_271] {strides = array<i32>} : memref<128xi32, #tpu.memory_space<vmem>>, vector<16xi32>,
          %add3A_273 = vector.broadcast %mul3A_17 : i32 to vector<16xi32>
          %add3A_274 = arith.addi %get3A_272, %add3A_273 : vector<16xi32>
          %swap3A_275 = arith.constant 48 : index
          %swap3A_276 = tpu.vector_load %arg13[%swap3A_275] {strides = array<i32>} : memref<128xi32, #tpu.memory_space<vmem>>, vector<16xi32>,
          tpu.vector_store %arg13[%swap3A_275], %add3A_274 {strides = array<i32>} : memref<128xi32, #tpu.memory_space<vmem>>, vector<16xi32>,
          %get3A_277 = arith.constant 64 : index
          %get3A_278 = tpu.vector_load %arg11[%get3A_277] {strides = array<i32>} : memref<128xi32, #tpu.memory_space<vmem>>, vector<16xi32>,
          %add3A_279 = vector.broadcast %mul3A_17 : i32 to vector<16xi32>
          %add3A_280 = arith.addi %get3A_278, %add3A_279 : vector<16xi32>
          %swap3A_281 = arith.constant 64 : index
          %swap3A_282 = tpu.vector_load %arg11[%swap3A_281] {strides = array<i32>} : memref<128xi32, #tpu.memory_space<vmem>>, vector<16xi32>,
          tpu.vector_store %arg11[%swap3A_281], %add3A_280 {strides = array<i32>} : memref<128xi32, #tpu.memory_space<vmem>>, vector<16xi32>,
          %get3A_283 = arith.constant 64 : index
          %get3A_284 = tpu.vector_load %arg9[%get3A_283] {strides = array<i32>} : memref<128xi32, #tpu.memory_space<vmem>>, vector<16xi32>,
          %add3A_285 = vector.broadcast %mul3A_17 : i32 to vector<16xi32>
          %add3A_286 = arith.addi %get3A_284, %add3A_285 : vector<16xi32>
          %swap3A_287 = arith.constant 64 : index
          %swap3A_288 = tpu.vector_load %arg13[%swap3A_287] {strides = array<i32>} : memref<128xi32, #tpu.memory_space<vmem>>, vector<16xi32>,
          tpu.vector_store %arg13[%swap3A_287], %add3A_286 {strides = array<i32>} : memref<128xi32, #tpu.memory_space<vmem>>, vector<16xi32>,
          %get3A_289 = arith.constant 80 : index
          %get3A_290 = tpu.vector_load %arg11[%get3A_289] {strides = array<i32>} : memref<128xi32, #tpu.memory_space<vmem>>, vector<16xi32>,
          %add3A_291 = vector.broadcast %mul3A_17 : i32 to vector<16xi32>
          %add3A_292 = arith.addi %get3A_290, %add3A_291 : vector<16xi32>
          %swap3A_293 = arith.constant 80 : index
          %swap3A_294 = tpu.vector_load %arg11[%swap3A_293] {strides = array<i32>} : memref<128xi32, #tpu.memory_space<vmem>>, vector<16xi32>,
          tpu.vector_store %arg11[%swap3A_293], %add3A_292 {strides = array<i32>} : memref<128xi32, #tpu.memory_space<vmem>>, vector<16xi32>,
          %get3A_295 = arith.constant 80 : index
          %get3A_296 = tpu.vector_load %arg9[%get3A_295] {strides = array<i32>} : memref<128xi32, #tpu.memory_space<vmem>>, vector<16xi32>,
          %add3A_297 = vector.broadcast %mul3A_17 : i32 to vector<16xi32>
          %add3A_298 = arith.addi %get3A_296, %add3A_297 : vector<16xi32>
          %swap3A_299 = arith.constant 80 : index
          %swap3A_300 = tpu.vector_load %arg13[%swap3A_299] {strides = array<i32>} : memref<128xi32, #tpu.memory_space<vmem>>, vector<16xi32>,
          tpu.vector_store %arg13[%swap3A_299], %add3A_298 {strides = array<i32>} : memref<128xi32, #tpu.memory_space<vmem>>, vector<16xi32>,
          %get3A_301 = arith.constant 96 : index
          %get3A_302 = tpu.vector_load %arg11[%get3A_301] {strides = array<i32>} : memref<128xi32, #tpu.memory_space<vmem>>, vector<16xi32>,
          %add3A_303 = vector.broadcast %mul3A_17 : i32 to vector<16xi32>
          %add3A_304 = arith.addi %get3A_302, %add3A_303 : vector<16xi32>
          %swap3A_305 = arith.constant 96 : index
          %swap3A_306 = tpu.vector_load %arg11[%swap3A_305] {strides = array<i32>} : memref<128xi32, #tpu.memory_space<vmem>>, vector<16xi32>,
          tpu.vector_store %arg11[%swap3A_305], %add3A_304 {strides = array<i32>} : memref<128xi32, #tpu.memory_space<vmem>>, vector<16xi32>,
          %get3A_307 = arith.constant 96 : index
          %get3A_308 = tpu.vector_load %arg9[%get3A_307] {strides = array<i32>} : memref<128xi32, #tpu.memory_space<vmem>>, vector<16xi32>,
          %add3A_309 = vector.broadcast %mul3A_17 : i32 to vector<16xi32>
          %add3A_310 = arith.addi %get3A_308, %add3A_309 : vector<16xi32>
          %swap3A_311 = arith.constant 96 : index
          %swap3A_312 = tpu.vector_load %arg13[%swap3A_311] {strides = array<i32>} : memref<128xi32, #tpu.memory_space<vmem>>, vector<16xi32>,
          tpu.vector_store %arg13[%swap3A_311], %add3A_310 {strides = array<i32>} : memref<128xi32, #tpu.memory_space<vmem>>, vector<16xi32>,
          %get3A_313 = arith.constant 112 : index
          %get3A_314 = tpu.vector_load %arg11[%get3A_313] {strides = array<i32>} : memref<128xi32, #tpu.memory_space<vmem>>, vector<16xi32>,
          %add3A_315 = vector.broadcast %mul3A_17 : i32 to vector<16xi32>
          %add3A_316 = arith.addi %get3A_314, %add3A_315 : vector<16xi32>
          %swap3A_317 = arith.constant 112 : index
          %swap3A_318 = tpu.vector_load %arg11[%swap3A_317] {strides = array<i32>} : memref<128xi32, #tpu.memory_space<vmem>>, vector<16xi32>,
          tpu.vector_store %arg11[%swap3A_317], %add3A_316 {strides = array<i32>} : memref<128xi32, #tpu.memory_space<vmem>>, vector<16xi32>,
          %get3A_319 = arith.constant 112 : index
          %get3A_320 = tpu.vector_load %arg9[%get3A_319] {strides = array<i32>} : memref<128xi32, #tpu.memory_space<vmem>>, vector<16xi32>,
          %add3A_321 = vector.broadcast %mul3A_17 : i32 to vector<16xi32>
          %add3A_322 = arith.addi %get3A_320, %add3A_321 : vector<16xi32>
          %swap3A_323 = arith.constant 112 : index
          %swap3A_324 = tpu.vector_load %arg13[%swap3A_323] {strides = array<i32>} : memref<128xi32, #tpu.memory_space<vmem>>, vector<16xi32>,
          tpu.vector_store %arg13[%swap3A_323], %add3A_322 {strides = array<i32>} : memref<128xi32, #tpu.memory_space<vmem>>, vector<16xi32>,
          %dma_start3A_325 = arith.constant 0 : i32
          %dma_start3A_326 = arith.constant 0 : i32
          %dma_start3A_327 = tpu.memref_slice %arg2[%dma_start3A_325, %dma_start3A_326] : memref<20512x64xbf16, #tpu.memory_space<hbm>> -> memref<20512x64xbf16, #tpu.memory_space<hbm>>
          tpu.enqueue_indirect_dma source(%dma_start3A_327 : memref<20512x64xbf16, #tpu.memory_space<hbm>>) target(%arg15 : memref<128x64xbf16, #tpu.memory_space<vmem>>) offsets(%arg13 : memref<128xi32, #tpu.memory_space<vmem>>) semaphore(%arg23 : memref<!tpu.dma_semaphore, #tpu.memory_space<semaphore_mem>>)
          %dma_start3A_328 = arith.constant 0 : i32
          %dma_start3A_329 = arith.constant 0 : i32
          %dma_start3A_330 = tpu.memref_slice %arg3[%dma_start3A_328, %dma_start3A_329] : memref<20512x128xbf16, #tpu.memory_space<hbm>> -> memref<20512x128xbf16, #tpu.memory_space<hbm>>
          tpu.enqueue_indirect_dma source(%dma_start3A_330 : memref<20512x128xbf16, #tpu.memory_space<hbm>>) target(%arg17 : memref<128x128xbf16, #tpu.memory_space<vmem>>) offsets(%arg11 : memref<128xi32, #tpu.memory_space<vmem>>) semaphore(%arg23 : memref<!tpu.dma_semaphore, #tpu.memory_space<semaphore_mem>>)
        } else {
        }
        %add3A_208 = arith.constant 2 : i32
        %add3A_209 = arith.addi %scan3A_176, %add3A_208 : i32
        %lt3A_210 = arith.constant 182 : i32
        %lt3A_211 = arith.cmpi slt, %add3A_209, %lt3A_210 : i32
        %convert_element_type3A_212 = arith.extui %lt3A_211 : i1 to i32
        %cond3A_213 = arith.constant 0 : i32
        %cond3A_214 = arith.cmpi ne, %convert_element_type3A_212, %cond3A_213 : i32
        scf.if %cond3A_214 {
          %add3A_215 = arith.constant 2 : i32
          %add3A_216 = arith.addi %scan3A_176, %add3A_215 : i32
          %dma_start3A_217 = arith.constant 0 : i32
          %dma_start3A_218 = tpu.memref_slice %arg4[%arg1, %add3A_216, %dma_start3A_217] : memref<16x182x128xi32, #tpu.memory_space<hbm>> -> memref<1x1x128xi32, #tpu.memory_space<hbm>>
          %dma_start3A_219 = tpu.memref_squeeze %dma_start3A_218 : memref<1x1x128xi32, #tpu.memory_space<hbm>> -> memref<128xi32, #tpu.memory_space<hbm>>
          %dma_start3A_220 = arith.constant 0 : i32
          %dma_start3A_221 = tpu.memref_slice %arg4[%arg1, %add3A_216, %dma_start3A_220] : memref<16x182x128xi32, #tpu.memory_space<hbm>> -> memref<1x1x128xi32, #tpu.memory_space<hbm>>
          %dma_start3A_222 = tpu.memref_squeeze %dma_start3A_221 : memref<1x1x128xi32, #tpu.memory_space<hbm>> -> memref<128xi32, #tpu.memory_space<hbm>>
          tpu.enqueue_dma source(%dma_start3A_222 : memref<128xi32, #tpu.memory_space<hbm>>) target(%arg10 : memref<128xi32, #tpu.memory_space<vmem>>) target_semaphore(%arg24 : memref<!tpu.dma_semaphore, #tpu.memory_space<semaphore_mem>>)
          %dma_start3A_223 = arith.constant 0 : i32
          %dma_start3A_224 = tpu.memref_slice %arg5[%arg1, %add3A_216, %dma_start3A_223] : memref<16x182x128xi32, #tpu.memory_space<hbm>> -> memref<1x1x128xi32, #tpu.memory_space<hbm>>
          %dma_start3A_225 = tpu.memref_squeeze %dma_start3A_224 : memref<1x1x128xi32, #tpu.memory_space<hbm>> -> memref<128xi32, #tpu.memory_space<hbm>>
          %dma_start3A_226 = arith.constant 0 : i32
          %dma_start3A_227 = tpu.memref_slice %arg5[%arg1, %add3A_216, %dma_start3A_226] : memref<16x182x128xi32, #tpu.memory_space<hbm>> -> memref<1x1x128xi32, #tpu.memory_space<hbm>>
          %dma_start3A_228 = tpu.memref_squeeze %dma_start3A_227 : memref<1x1x128xi32, #tpu.memory_space<hbm>> -> memref<128xi32, #tpu.memory_space<hbm>>
          tpu.enqueue_dma source(%dma_start3A_228 : memref<128xi32, #tpu.memory_space<hbm>>) target(%arg8 : memref<128xi32, #tpu.memory_space<vmem>>) target_semaphore(%arg24 : memref<!tpu.dma_semaphore, #tpu.memory_space<semaphore_mem>>)
        } else {
        }
      } else {
      }
      %eq3A_183 = arith.constant 1 : i32
      %eq3A_184 = arith.cmpi eq, %rem3A_178, %eq3A_183 : i32
      %convert_element_type3A_185 = arith.extui %eq3A_184 : i1 to i32
      %cond3A_186 = arith.constant 0 : i32
      %cond3A_187 = arith.cmpi ne, %convert_element_type3A_185, %cond3A_186 : i32
      scf.if %cond3A_187 {
        %dma_wait3A_189 = arith.constant 0 : i32
        %dma_wait3A_190 = arith.constant 0 : i32
        %dma_wait3A_191 = tpu.memref_slice %arg2[%dma_wait3A_189, %dma_wait3A_190] : memref<20512x64xbf16, #tpu.memory_space<hbm>> -> memref<20512x64xbf16, #tpu.memory_space<hbm>>
        tpu.wait_indirect_dma semaphore(%arg23 : memref<!tpu.dma_semaphore, #tpu.memory_space<semaphore_mem>>) src(%dma_wait3A_191 : memref<20512x64xbf16, #tpu.memory_space<hbm>>) dst(%arg15 : memref<128x64xbf16, #tpu.memory_space<vmem>>)
        %dma_wait3A_192 = arith.constant 0 : i32
        %dma_wait3A_193 = arith.constant 0 : i32
        %dma_wait3A_194 = tpu.memref_slice %arg3[%dma_wait3A_192, %dma_wait3A_193] : memref<20512x128xbf16, #tpu.memory_space<hbm>> -> memref<20512x128xbf16, #tpu.memory_space<hbm>>
        tpu.wait_indirect_dma semaphore(%arg23 : memref<!tpu.dma_semaphore, #tpu.memory_space<semaphore_mem>>) src(%dma_wait3A_194 : memref<20512x128xbf16, #tpu.memory_space<hbm>>) dst(%arg17 : memref<128x128xbf16, #tpu.memory_space<vmem>>)
        %scan3A_195 = arith.constant 0 : i32
        %scan3A_196 = arith.constant 0 : i32
        %scan3A_197 = arith.constant 128 : i32
        %scan3A_198 = arith.addi %scan3A_196, %scan3A_197 : i32
        %scan3A_199 = arith.constant 4 : i32
        %scan3A_200 = scf.for %scan3A_215 = %scan3A_196 to %scan3A_198 step %scan3A_199 iter_args(%scan3A_216 = %scan3A_195) -> (i32)  : i32 {
          %broadcast_in_dim3A = arith.constant 0.000000e+00 : f32
          %broadcast_in_dim3A_217 = vector.broadcast %broadcast_in_dim3A : f32 to vector<16xf32>
          %get3A_218 = arith.index_cast %scan3A_215 : i32 to index
          %get3A_219 = arith.constant 0 : index
          %get3A_220 = tpu.vector_load %arg15[%get3A_218, %get3A_219] {strides = array<i32>} : memref<128x64xbf16, #tpu.memory_space<vmem>>, vector<32xbf16>,
          %unpack3A = tpu.unpack_subelements %get3A_220, 0 {pack_format = #tpu.pack_format<interleaved>} : vector<32xbf16> -> vector<16xf32>
          %unpack3A_221 = tpu.unpack_subelements %get3A_220, 1 {pack_format = #tpu.pack_format<interleaved>} : vector<32xbf16> -> vector<16xf32>
          %get3A_222 = arith.index_cast %scan3A_215 : i32 to index
          %get3A_223 = arith.constant 0 : index
          %get3A_224 = tpu.vector_load %arg17[%get3A_222, %get3A_223] {strides = array<i32>} : memref<128x128xbf16, #tpu.memory_space<vmem>>, vector<32xbf16>,
          %unpack3A_225 = tpu.unpack_subelements %get3A_224, 0 {pack_format = #tpu.pack_format<interleaved>} : vector<32xbf16> -> vector<16xf32>
          %unpack3A_226 = tpu.unpack_subelements %get3A_224, 1 {pack_format = #tpu.pack_format<interleaved>} : vector<32xbf16> -> vector<16xf32>
          %get3A_227 = arith.index_cast %scan3A_215 : i32 to index
          %get3A_228 = arith.constant 64 : index
          %get3A_229 = tpu.vector_load %arg17[%get3A_227, %get3A_228] {strides = array<i32>} : memref<128x128xbf16, #tpu.memory_space<vmem>>, vector<32xbf16>,
          %unpack3A_230 = tpu.unpack_subelements %get3A_229, 0 {pack_format = #tpu.pack_format<interleaved>} : vector<32xbf16> -> vector<16xf32>
          %unpack3A_231 = tpu.unpack_subelements %get3A_229, 1 {pack_format = #tpu.pack_format<interleaved>} : vector<32xbf16> -> vector<16xf32>
          %mul3A_232 = arith.mulf %unpack3A, %unpack3A_225 : vector<16xf32>
          %xor3A = arith.constant 8 : i32
          %xor3A_233 = vector.broadcast %xor3A : i32 to vector<16xi32>
          %xor3A_234 = arith.xori %iota3A, %xor3A_233 : vector<16xi32>
          %broadcast_in_dim3A_235 = vector.shape_cast %xor3A_234 : vector<16xi32> to vector<16x1xi32>
          %gather3A = vector.shape_cast %broadcast_in_dim3A_235 : vector<16x1xi32> to vector<16xi32>
          %gather3A_236 = tpu.dynamic_gather %mul3A_232[%gather3A] in [0] : vector<16xf32>, vector<16xi32> -> vector<16xf32>
          %add3A_237 = arith.addf %mul3A_232, %gather3A_236 : vector<16xf32>
          %xor3A_238 = arith.constant 4 : i32
          %xor3A_239 = vector.broadcast %xor3A_238 : i32 to vector<16xi32>
          %xor3A_240 = arith.xori %iota3A, %xor3A_239 : vector<16xi32>
          %broadcast_in_dim3A_241 = vector.shape_cast %xor3A_240 : vector<16xi32> to vector<16x1xi32>
          %gather3A_242 = vector.shape_cast %broadcast_in_dim3A_241 : vector<16x1xi32> to vector<16xi32>
          %gather3A_243 = tpu.dynamic_gather %add3A_237[%gather3A_242] in [0] : vector<16xf32>, vector<16xi32> -> vector<16xf32>
          %add3A_244 = arith.addf %add3A_237, %gather3A_243 : vector<16xf32>
          %xor3A_245 = arith.constant 2 : i32
          %xor3A_246 = vector.broadcast %xor3A_245 : i32 to vector<16xi32>
          %xor3A_247 = arith.xori %iota3A, %xor3A_246 : vector<16xi32>
          %broadcast_in_dim3A_248 = vector.shape_cast %xor3A_247 : vector<16xi32> to vector<16x1xi32>
          %gather3A_249 = vector.shape_cast %broadcast_in_dim3A_248 : vector<16x1xi32> to vector<16xi32>
          %gather3A_250 = tpu.dynamic_gather %add3A_244[%gather3A_249] in [0] : vector<16xf32>, vector<16xi32> -> vector<16xf32>
          %add3A_251 = arith.addf %add3A_244, %gather3A_250 : vector<16xf32>
          %xor3A_252 = arith.constant 1 : i32
          %xor3A_253 = vector.broadcast %xor3A_252 : i32 to vector<16xi32>
          %xor3A_254 = arith.xori %iota3A, %xor3A_253 : vector<16xi32>
          %broadcast_in_dim3A_255 = vector.shape_cast %xor3A_254 : vector<16xi32> to vector<16x1xi32>
          %gather3A_256 = vector.shape_cast %broadcast_in_dim3A_255 : vector<16x1xi32> to vector<16xi32>
          %gather3A_257 = tpu.dynamic_gather %add3A_251[%gather3A_256] in [0] : vector<16xf32>, vector<16xi32> -> vector<16xf32>
          %add3A_258 = arith.addf %add3A_251, %gather3A_257 : vector<16xf32>
          %slice3A = vector.extract_strided_slice %get3A_180 {offsets = [0], sizes = [1], strides = [1]} : vector<16xf32> to vector<1xf32>
          %squeeze3A = vector.extract %slice3A[0] : f32 from vector<1xf32>
          %sub3A = vector.broadcast %squeeze3A : f32 to vector<16xf32>
          %sub3A_259 = arith.subf %add3A_258, %sub3A : vector<16xf32>
          %exp3A = math.exp %sub3A_259 : vector<16xf32>
          %mul3A_260 = arith.mulf %unpack3A_230, %exp3A : vector<16xf32>
          %swap3A_261 = arith.index_cast %scan3A_215 : i32 to index
          %swap3A_262 = arith.constant 0 : index
          %swap3A_263 = tpu.vector_load %arg19[%swap3A_261, %swap3A_262] {strides = array<i32>} : memref<128x80xf32, #tpu.memory_space<vmem>>, vector<16xf32>,
          tpu.vector_store %arg19[%swap3A_261, %swap3A_262], %mul3A_260 {strides = array<i32>} : memref<128x80xf32, #tpu.memory_space<vmem>>, vector<16xf32>,
          %eq3A_264 = arith.constant 0 : i32
          %eq3A_265 = vector.broadcast %eq3A_264 : i32 to vector<16xi32>
          %eq3A_266 = arith.cmpi eq, %iota3A, %eq3A_265 : vector<16xi32>
          %select_n3A = arith.select %eq3A_266, %exp3A, %broadcast_in_dim3A_217 : vector<16xi1>, vector<16xf32>
          %mul3A_267 = arith.mulf %unpack3A_221, %unpack3A_226 : vector<16xf32>
          %xor3A_268 = arith.constant 8 : i32
          %xor3A_269 = vector.broadcast %xor3A_268 : i32 to vector<16xi32>
          %xor3A_270 = arith.xori %iota3A, %xor3A_269 : vector<16xi32>
          %broadcast_in_dim3A_271 = vector.shape_cast %xor3A_270 : vector<16xi32> to vector<16x1xi32>
          %gather3A_272 = vector.shape_cast %broadcast_in_dim3A_271 : vector<16x1xi32> to vector<16xi32>
          %gather3A_273 = tpu.dynamic_gather %mul3A_267[%gather3A_272] in [0] : vector<16xf32>, vector<16xi32> -> vector<16xf32>
          %add3A_274 = arith.addf %mul3A_267, %gather3A_273 : vector<16xf32>
          %xor3A_275 = arith.constant 4 : i32
          %xor3A_276 = vector.broadcast %xor3A_275 : i32 to vector<16xi32>
          %xor3A_277 = arith.xori %iota3A, %xor3A_276 : vector<16xi32>
          %broadcast_in_dim3A_278 = vector.shape_cast %xor3A_277 : vector<16xi32> to vector<16x1xi32>
          %gather3A_279 = vector.shape_cast %broadcast_in_dim3A_278 : vector<16x1xi32> to vector<16xi32>
          %gather3A_280 = tpu.dynamic_gather %add3A_274[%gather3A_279] in [0] : vector<16xf32>, vector<16xi32> -> vector<16xf32>
          %add3A_281 = arith.addf %add3A_274, %gather3A_280 : vector<16xf32>
          %xor3A_282 = arith.constant 2 : i32
          %xor3A_283 = vector.broadcast %xor3A_282 : i32 to vector<16xi32>
          %xor3A_284 = arith.xori %iota3A, %xor3A_283 : vector<16xi32>
          %broadcast_in_dim3A_285 = vector.shape_cast %xor3A_284 : vector<16xi32> to vector<16x1xi32>
          %gather3A_286 = vector.shape_cast %broadcast_in_dim3A_285 : vector<16x1xi32> to vector<16xi32>
          %gather3A_287 = tpu.dynamic_gather %add3A_281[%gather3A_286] in [0] : vector<16xf32>, vector<16xi32> -> vector<16xf32>
          %add3A_288 = arith.addf %add3A_281, %gather3A_287 : vector<16xf32>
          %xor3A_289 = arith.constant 1 : i32
          %xor3A_290 = vector.broadcast %xor3A_289 : i32 to vector<16xi32>
          %xor3A_291 = arith.xori %iota3A, %xor3A_290 : vector<16xi32>
          %broadcast_in_dim3A_292 = vector.shape_cast %xor3A_291 : vector<16xi32> to vector<16x1xi32>
          %gather3A_293 = vector.shape_cast %broadcast_in_dim3A_292 : vector<16x1xi32> to vector<16xi32>
          %gather3A_294 = tpu.dynamic_gather %add3A_288[%gather3A_293] in [0] : vector<16xf32>, vector<16xi32> -> vector<16xf32>
          %add3A_295 = arith.addf %add3A_288, %gather3A_294 : vector<16xf32>
          %slice3A_296 = vector.extract_strided_slice %get3A_180 {offsets = [1], sizes = [1], strides = [1]} : vector<16xf32> to vector<1xf32>
          %squeeze3A_297 = vector.extract %slice3A_296[0] : f32 from vector<1xf32>
          %sub3A_298 = vector.broadcast %squeeze3A_297 : f32 to vector<16xf32>
          %sub3A_299 = arith.subf %add3A_295, %sub3A_298 : vector<16xf32>
          %exp3A_300 = math.exp %sub3A_299 : vector<16xf32>
          %mul3A_301 = arith.mulf %unpack3A_231, %exp3A_300 : vector<16xf32>
          %swap3A_302 = arith.index_cast %scan3A_215 : i32 to index
          %swap3A_303 = arith.constant 16 : index
          %swap3A_304 = tpu.vector_load %arg19[%swap3A_302, %swap3A_303] {strides = array<i32>} : memref<128x80xf32, #tpu.memory_space<vmem>>, vector<16xf32>,
          tpu.vector_store %arg19[%swap3A_302, %swap3A_303], %mul3A_301 {strides = array<i32>} : memref<128x80xf32, #tpu.memory_space<vmem>>, vector<16xf32>,
          %eq3A_305 = arith.constant 1 : i32
          %eq3A_306 = vector.broadcast %eq3A_305 : i32 to vector<16xi32>
          %eq3A_307 = arith.cmpi eq, %iota3A, %eq3A_306 : vector<16xi32>
          %select_n3A_308 = arith.select %eq3A_307, %exp3A_300, %select_n3A : vector<16xi1>, vector<16xf32>
          %get3A_309 = arith.index_cast %scan3A_215 : i32 to index
          %get3A_310 = arith.constant 32 : index
          %get3A_311 = tpu.vector_load %arg15[%get3A_309, %get3A_310] {strides = array<i32>} : memref<128x64xbf16, #tpu.memory_space<vmem>>, vector<32xbf16>,
          %unpack3A_312 = tpu.unpack_subelements %get3A_311, 0 {pack_format = #tpu.pack_format<interleaved>} : vector<32xbf16> -> vector<16xf32>
          %unpack3A_313 = tpu.unpack_subelements %get3A_311, 1 {pack_format = #tpu.pack_format<interleaved>} : vector<32xbf16> -> vector<16xf32>
          %get3A_314 = arith.index_cast %scan3A_215 : i32 to index
          %get3A_315 = arith.constant 32 : index
          %get3A_316 = tpu.vector_load %arg17[%get3A_314, %get3A_315] {strides = array<i32>} : memref<128x128xbf16, #tpu.memory_space<vmem>>, vector<32xbf16>,
          %unpack3A_317 = tpu.unpack_subelements %get3A_316, 0 {pack_format = #tpu.pack_format<interleaved>} : vector<32xbf16> -> vector<16xf32>
          %unpack3A_318 = tpu.unpack_subelements %get3A_316, 1 {pack_format = #tpu.pack_format<interleaved>} : vector<32xbf16> -> vector<16xf32>
          %get3A_319 = arith.index_cast %scan3A_215 : i32 to index
          %get3A_320 = arith.constant 96 : index
          %get3A_321 = tpu.vector_load %arg17[%get3A_319, %get3A_320] {strides = array<i32>} : memref<128x128xbf16, #tpu.memory_space<vmem>>, vector<32xbf16>,
          %unpack3A_322 = tpu.unpack_subelements %get3A_321, 0 {pack_format = #tpu.pack_format<interleaved>} : vector<32xbf16> -> vector<16xf32>
          %unpack3A_323 = tpu.unpack_subelements %get3A_321, 1 {pack_format = #tpu.pack_format<interleaved>} : vector<32xbf16> -> vector<16xf32>
          %mul3A_324 = arith.mulf %unpack3A_312, %unpack3A_317 : vector<16xf32>
          %xor3A_325 = arith.constant 8 : i32
          %xor3A_326 = vector.broadcast %xor3A_325 : i32 to vector<16xi32>
          %xor3A_327 = arith.xori %iota3A, %xor3A_326 : vector<16xi32>
          %broadcast_in_dim3A_328 = vector.shape_cast %xor3A_327 : vector<16xi32> to vector<16x1xi32>
          %gather3A_329 = vector.shape_cast %broadcast_in_dim3A_328 : vector<16x1xi32> to vector<16xi32>
          %gather3A_330 = tpu.dynamic_gather %mul3A_324[%gather3A_329] in [0] : vector<16xf32>, vector<16xi32> -> vector<16xf32>
          %add3A_331 = arith.addf %mul3A_324, %gather3A_330 : vector<16xf32>
          %xor3A_332 = arith.constant 4 : i32
          %xor3A_333 = vector.broadcast %xor3A_332 : i32 to vector<16xi32>
          %xor3A_334 = arith.xori %iota3A, %xor3A_333 : vector<16xi32>
          %broadcast_in_dim3A_335 = vector.shape_cast %xor3A_334 : vector<16xi32> to vector<16x1xi32>
          %gather3A_336 = vector.shape_cast %broadcast_in_dim3A_335 : vector<16x1xi32> to vector<16xi32>
          %gather3A_337 = tpu.dynamic_gather %add3A_331[%gather3A_336] in [0] : vector<16xf32>, vector<16xi32> -> vector<16xf32>
          %add3A_338 = arith.addf %add3A_331, %gather3A_337 : vector<16xf32>
          %xor3A_339 = arith.constant 2 : i32
          %xor3A_340 = vector.broadcast %xor3A_339 : i32 to vector<16xi32>
          %xor3A_341 = arith.xori %iota3A, %xor3A_340 : vector<16xi32>
          %broadcast_in_dim3A_342 = vector.shape_cast %xor3A_341 : vector<16xi32> to vector<16x1xi32>
          %gather3A_343 = vector.shape_cast %broadcast_in_dim3A_342 : vector<16x1xi32> to vector<16xi32>
          %gather3A_344 = tpu.dynamic_gather %add3A_338[%gather3A_343] in [0] : vector<16xf32>, vector<16xi32> -> vector<16xf32>
          %add3A_345 = arith.addf %add3A_338, %gather3A_344 : vector<16xf32>
          %xor3A_346 = arith.constant 1 : i32
          %xor3A_347 = vector.broadcast %xor3A_346 : i32 to vector<16xi32>
          %xor3A_348 = arith.xori %iota3A, %xor3A_347 : vector<16xi32>
          %broadcast_in_dim3A_349 = vector.shape_cast %xor3A_348 : vector<16xi32> to vector<16x1xi32>
          %gather3A_350 = vector.shape_cast %broadcast_in_dim3A_349 : vector<16x1xi32> to vector<16xi32>
          %gather3A_351 = tpu.dynamic_gather %add3A_345[%gather3A_350] in [0] : vector<16xf32>, vector<16xi32> -> vector<16xf32>
          %add3A_352 = arith.addf %add3A_345, %gather3A_351 : vector<16xf32>
          %slice3A_353 = vector.extract_strided_slice %get3A_180 {offsets = [2], sizes = [1], strides = [1]} : vector<16xf32> to vector<1xf32>
          %squeeze3A_354 = vector.extract %slice3A_353[0] : f32 from vector<1xf32>
          %sub3A_355 = vector.broadcast %squeeze3A_354 : f32 to vector<16xf32>
          %sub3A_356 = arith.subf %add3A_352, %sub3A_355 : vector<16xf32>
          %exp3A_357 = math.exp %sub3A_356 : vector<16xf32>
          %mul3A_358 = arith.mulf %unpack3A_322, %exp3A_357 : vector<16xf32>
          %swap3A_359 = arith.index_cast %scan3A_215 : i32 to index
          %swap3A_360 = arith.constant 32 : index
          %swap3A_361 = tpu.vector_load %arg19[%swap3A_359, %swap3A_360] {strides = array<i32>} : memref<128x80xf32, #tpu.memory_space<vmem>>, vector<16xf32>,
          tpu.vector_store %arg19[%swap3A_359, %swap3A_360], %mul3A_358 {strides = array<i32>} : memref<128x80xf32, #tpu.memory_space<vmem>>, vector<16xf32>,
          %eq3A_362 = arith.constant 2 : i32
          %eq3A_363 = vector.broadcast %eq3A_362 : i32 to vector<16xi32>
          %eq3A_364 = arith.cmpi eq, %iota3A, %eq3A_363 : vector<16xi32>
          %select_n3A_365 = arith.select %eq3A_364, %exp3A_357, %select_n3A_308 : vector<16xi1>, vector<16xf32>
          %mul3A_366 = arith.mulf %unpack3A_313, %unpack3A_318 : vector<16xf32>
          %xor3A_367 = arith.constant 8 : i32
          %xor3A_368 = vector.broadcast %xor3A_367 : i32 to vector<16xi32>
          %xor3A_369 = arith.xori %iota3A, %xor3A_368 : vector<16xi32>
          %broadcast_in_dim3A_370 = vector.shape_cast %xor3A_369 : vector<16xi32> to vector<16x1xi32>
          %gather3A_371 = vector.shape_cast %broadcast_in_dim3A_370 : vector<16x1xi32> to vector<16xi32>
          %gather3A_372 = tpu.dynamic_gather %mul3A_366[%gather3A_371] in [0] : vector<16xf32>, vector<16xi32> -> vector<16xf32>
          %add3A_373 = arith.addf %mul3A_366, %gather3A_372 : vector<16xf32>
          %xor3A_374 = arith.constant 4 : i32
          %xor3A_375 = vector.broadcast %xor3A_374 : i32 to vector<16xi32>
          %xor3A_376 = arith.xori %iota3A, %xor3A_375 : vector<16xi32>
          %broadcast_in_dim3A_377 = vector.shape_cast %xor3A_376 : vector<16xi32> to vector<16x1xi32>
          %gather3A_378 = vector.shape_cast %broadcast_in_dim3A_377 : vector<16x1xi32> to vector<16xi32>
          %gather3A_379 = tpu.dynamic_gather %add3A_373[%gather3A_378] in [0] : vector<16xf32>, vector<16xi32> -> vector<16xf32>
          %add3A_380 = arith.addf %add3A_373, %gather3A_379 : vector<16xf32>
          %xor3A_381 = arith.constant 2 : i32
          %xor3A_382 = vector.broadcast %xor3A_381 : i32 to vector<16xi32>
          %xor3A_383 = arith.xori %iota3A, %xor3A_382 : vector<16xi32>
          %broadcast_in_dim3A_384 = vector.shape_cast %xor3A_383 : vector<16xi32> to vector<16x1xi32>
          %gather3A_385 = vector.shape_cast %broadcast_in_dim3A_384 : vector<16x1xi32> to vector<16xi32>
          %gather3A_386 = tpu.dynamic_gather %add3A_380[%gather3A_385] in [0] : vector<16xf32>, vector<16xi32> -> vector<16xf32>
          %add3A_387 = arith.addf %add3A_380, %gather3A_386 : vector<16xf32>
          %xor3A_388 = arith.constant 1 : i32
          %xor3A_389 = vector.broadcast %xor3A_388 : i32 to vector<16xi32>
          %xor3A_390 = arith.xori %iota3A, %xor3A_389 : vector<16xi32>
          %broadcast_in_dim3A_391 = vector.shape_cast %xor3A_390 : vector<16xi32> to vector<16x1xi32>
          %gather3A_392 = vector.shape_cast %broadcast_in_dim3A_391 : vector<16x1xi32> to vector<16xi32>
          %gather3A_393 = tpu.dynamic_gather %add3A_387[%gather3A_392] in [0] : vector<16xf32>, vector<16xi32> -> vector<16xf32>
          %add3A_394 = arith.addf %add3A_387, %gather3A_393 : vector<16xf32>
          %slice3A_395 = vector.extract_strided_slice %get3A_180 {offsets = [3], sizes = [1], strides = [1]} : vector<16xf32> to vector<1xf32>
          %squeeze3A_396 = vector.extract %slice3A_395[0] : f32 from vector<1xf32>
          %sub3A_397 = vector.broadcast %squeeze3A_396 : f32 to vector<16xf32>
          %sub3A_398 = arith.subf %add3A_394, %sub3A_397 : vector<16xf32>
          %exp3A_399 = math.exp %sub3A_398 : vector<16xf32>
          %mul3A_400 = arith.mulf %unpack3A_323, %exp3A_399 : vector<16xf32>
          %swap3A_401 = arith.index_cast %scan3A_215 : i32 to index
          %swap3A_402 = arith.constant 48 : index
          %swap3A_403 = tpu.vector_load %arg19[%swap3A_401, %swap3A_402] {strides = array<i32>} : memref<128x80xf32, #tpu.memory_space<vmem>>, vector<16xf32>,
          tpu.vector_store %arg19[%swap3A_401, %swap3A_402], %mul3A_400 {strides = array<i32>} : memref<128x80xf32, #tpu.memory_space<vmem>>, vector<16xf32>,
          %eq3A_404 = arith.constant 3 : i32
          %eq3A_405 = vector.broadcast %eq3A_404 : i32 to vector<16xi32>
          %eq3A_406 = arith.cmpi eq, %iota3A, %eq3A_405 : vector<16xi32>
          %select_n3A_407 = arith.select %eq3A_406, %exp3A_399, %select_n3A_365 : vector<16xi1>, vector<16xf32>
          %swap3A_408 = arith.index_cast %scan3A_215 : i32 to index
          %swap3A_409 = arith.constant 64 : index
          %swap3A_410 = tpu.vector_load %arg19[%swap3A_408, %swap3A_409] {strides = array<i32>} : memref<128x80xf32, #tpu.memory_space<vmem>>, vector<16xf32>,
          tpu.vector_store %arg19[%swap3A_408, %swap3A_409], %select_n3A_407 {strides = array<i32>} : memref<128x80xf32, #tpu.memory_space<vmem>>, vector<16xf32>,
          %scan3A_411 = arith.constant 0 : i32
          %scan3A_412 = arith.constant 1 : i32
          %scan3A_413 = arith.addi %scan3A_215, %scan3A_412 : i32
          %broadcast_in_dim3A_414 = arith.constant 0.000000e+00 : f32
          %broadcast_in_dim3A_415 = vector.broadcast %broadcast_in_dim3A_414 : f32 to vector<16xf32>
          %get3A_416 = arith.index_cast %scan3A_413 : i32 to index
          %get3A_417 = arith.constant 0 : index
          %get3A_418 = tpu.vector_load %arg15[%get3A_416, %get3A_417] {strides = array<i32>} : memref<128x64xbf16, #tpu.memory_space<vmem>>, vector<32xbf16>,
          %unpack3A_419 = tpu.unpack_subelements %get3A_418, 0 {pack_format = #tpu.pack_format<interleaved>} : vector<32xbf16> -> vector<16xf32>
          %unpack3A_420 = tpu.unpack_subelements %get3A_418, 1 {pack_format = #tpu.pack_format<interleaved>} : vector<32xbf16> -> vector<16xf32>
          %get3A_421 = arith.index_cast %scan3A_413 : i32 to index
          %get3A_422 = arith.constant 0 : index
          %get3A_423 = tpu.vector_load %arg17[%get3A_421, %get3A_422] {strides = array<i32>} : memref<128x128xbf16, #tpu.memory_space<vmem>>, vector<32xbf16>,
          %unpack3A_424 = tpu.unpack_subelements %get3A_423, 0 {pack_format = #tpu.pack_format<interleaved>} : vector<32xbf16> -> vector<16xf32>
          %unpack3A_425 = tpu.unpack_subelements %get3A_423, 1 {pack_format = #tpu.pack_format<interleaved>} : vector<32xbf16> -> vector<16xf32>
          %get3A_426 = arith.index_cast %scan3A_413 : i32 to index
          %get3A_427 = arith.constant 64 : index
          %get3A_428 = tpu.vector_load %arg17[%get3A_426, %get3A_427] {strides = array<i32>} : memref<128x128xbf16, #tpu.memory_space<vmem>>, vector<32xbf16>,
          %unpack3A_429 = tpu.unpack_subelements %get3A_428, 0 {pack_format = #tpu.pack_format<interleaved>} : vector<32xbf16> -> vector<16xf32>
          %unpack3A_430 = tpu.unpack_subelements %get3A_428, 1 {pack_format = #tpu.pack_format<interleaved>} : vector<32xbf16> -> vector<16xf32>
          %mul3A_431 = arith.mulf %unpack3A_419, %unpack3A_424 : vector<16xf32>
          %xor3A_432 = arith.constant 8 : i32
          %xor3A_433 = vector.broadcast %xor3A_432 : i32 to vector<16xi32>
          %xor3A_434 = arith.xori %iota3A, %xor3A_433 : vector<16xi32>
          %broadcast_in_dim3A_435 = vector.shape_cast %xor3A_434 : vector<16xi32> to vector<16x1xi32>
          %gather3A_436 = vector.shape_cast %broadcast_in_dim3A_435 : vector<16x1xi32> to vector<16xi32>
          %gather3A_437 = tpu.dynamic_gather %mul3A_431[%gather3A_436] in [0] : vector<16xf32>, vector<16xi32> -> vector<16xf32>
          %add3A_438 = arith.addf %mul3A_431, %gather3A_437 : vector<16xf32>
          %xor3A_439 = arith.constant 4 : i32
          %xor3A_440 = vector.broadcast %xor3A_439 : i32 to vector<16xi32>
          %xor3A_441 = arith.xori %iota3A, %xor3A_440 : vector<16xi32>
          %broadcast_in_dim3A_442 = vector.shape_cast %xor3A_441 : vector<16xi32> to vector<16x1xi32>
          %gather3A_443 = vector.shape_cast %broadcast_in_dim3A_442 : vector<16x1xi32> to vector<16xi32>
          %gather3A_444 = tpu.dynamic_gather %add3A_438[%gather3A_443] in [0] : vector<16xf32>, vector<16xi32> -> vector<16xf32>
          %add3A_445 = arith.addf %add3A_438, %gather3A_444 : vector<16xf32>
          %xor3A_446 = arith.constant 2 : i32
          %xor3A_447 = vector.broadcast %xor3A_446 : i32 to vector<16xi32>
          %xor3A_448 = arith.xori %iota3A, %xor3A_447 : vector<16xi32>
          %broadcast_in_dim3A_449 = vector.shape_cast %xor3A_448 : vector<16xi32> to vector<16x1xi32>
          %gather3A_450 = vector.shape_cast %broadcast_in_dim3A_449 : vector<16x1xi32> to vector<16xi32>
          %gather3A_451 = tpu.dynamic_gather %add3A_445[%gather3A_450] in [0] : vector<16xf32>, vector<16xi32> -> vector<16xf32>
          %add3A_452 = arith.addf %add3A_445, %gather3A_451 : vector<16xf32>
          %xor3A_453 = arith.constant 1 : i32
          %xor3A_454 = vector.broadcast %xor3A_453 : i32 to vector<16xi32>
          %xor3A_455 = arith.xori %iota3A, %xor3A_454 : vector<16xi32>
          %broadcast_in_dim3A_456 = vector.shape_cast %xor3A_455 : vector<16xi32> to vector<16x1xi32>
          %gather3A_457 = vector.shape_cast %broadcast_in_dim3A_456 : vector<16x1xi32> to vector<16xi32>
          %gather3A_458 = tpu.dynamic_gather %add3A_452[%gather3A_457] in [0] : vector<16xf32>, vector<16xi32> -> vector<16xf32>
          %add3A_459 = arith.addf %add3A_452, %gather3A_458 : vector<16xf32>
          %slice3A_460 = vector.extract_strided_slice %get3A_180 {offsets = [0], sizes = [1], strides = [1]} : vector<16xf32> to vector<1xf32>
          %squeeze3A_461 = vector.extract %slice3A_460[0] : f32 from vector<1xf32>
          %sub3A_462 = vector.broadcast %squeeze3A_461 : f32 to vector<16xf32>
          %sub3A_463 = arith.subf %add3A_459, %sub3A_462 : vector<16xf32>
          %exp3A_464 = math.exp %sub3A_463 : vector<16xf32>
          %mul3A_465 = arith.mulf %unpack3A_429, %exp3A_464 : vector<16xf32>
          %swap3A_466 = arith.index_cast %scan3A_413 : i32 to index
          %swap3A_467 = arith.constant 0 : index
          %swap3A_468 = tpu.vector_load %arg19[%swap3A_466, %swap3A_467] {strides = array<i32>} : memref<128x80xf32, #tpu.memory_space<vmem>>, vector<16xf32>,
          tpu.vector_store %arg19[%swap3A_466, %swap3A_467], %mul3A_465 {strides = array<i32>} : memref<128x80xf32, #tpu.memory_space<vmem>>, vector<16xf32>,
          %eq3A_469 = arith.constant 0 : i32
          %eq3A_470 = vector.broadcast %eq3A_469 : i32 to vector<16xi32>
          %eq3A_471 = arith.cmpi eq, %iota3A, %eq3A_470 : vector<16xi32>
          %select_n3A_472 = arith.select %eq3A_471, %exp3A_464, %broadcast_in_dim3A_415 : vector<16xi1>, vector<16xf32>
          %mul3A_473 = arith.mulf %unpack3A_420, %unpack3A_425 : vector<16xf32>
          %xor3A_474 = arith.constant 8 : i32
          %xor3A_475 = vector.broadcast %xor3A_474 : i32 to vector<16xi32>
          %xor3A_476 = arith.xori %iota3A, %xor3A_475 : vector<16xi32>
          %broadcast_in_dim3A_477 = vector.shape_cast %xor3A_476 : vector<16xi32> to vector<16x1xi32>
          %gather3A_478 = vector.shape_cast %broadcast_in_dim3A_477 : vector<16x1xi32> to vector<16xi32>
          %gather3A_479 = tpu.dynamic_gather %mul3A_473[%gather3A_478] in [0] : vector<16xf32>, vector<16xi32> -> vector<16xf32>
          %add3A_480 = arith.addf %mul3A_473, %gather3A_479 : vector<16xf32>
          %xor3A_481 = arith.constant 4 : i32
          %xor3A_482 = vector.broadcast %xor3A_481 : i32 to vector<16xi32>
          %xor3A_483 = arith.xori %iota3A, %xor3A_482 : vector<16xi32>
          %broadcast_in_dim3A_484 = vector.shape_cast %xor3A_483 : vector<16xi32> to vector<16x1xi32>
          %gather3A_485 = vector.shape_cast %broadcast_in_dim3A_484 : vector<16x1xi32> to vector<16xi32>
          %gather3A_486 = tpu.dynamic_gather %add3A_480[%gather3A_485] in [0] : vector<16xf32>, vector<16xi32> -> vector<16xf32>
          %add3A_487 = arith.addf %add3A_480, %gather3A_486 : vector<16xf32>
          %xor3A_488 = arith.constant 2 : i32
          %xor3A_489 = vector.broadcast %xor3A_488 : i32 to vector<16xi32>
          %xor3A_490 = arith.xori %iota3A, %xor3A_489 : vector<16xi32>
          %broadcast_in_dim3A_491 = vector.shape_cast %xor3A_490 : vector<16xi32> to vector<16x1xi32>
          %gather3A_492 = vector.shape_cast %broadcast_in_dim3A_491 : vector<16x1xi32> to vector<16xi32>
          %gather3A_493 = tpu.dynamic_gather %add3A_487[%gather3A_492] in [0] : vector<16xf32>, vector<16xi32> -> vector<16xf32>
          %add3A_494 = arith.addf %add3A_487, %gather3A_493 : vector<16xf32>
          %xor3A_495 = arith.constant 1 : i32
          %xor3A_496 = vector.broadcast %xor3A_495 : i32 to vector<16xi32>
          %xor3A_497 = arith.xori %iota3A, %xor3A_496 : vector<16xi32>
          %broadcast_in_dim3A_498 = vector.shape_cast %xor3A_497 : vector<16xi32> to vector<16x1xi32>
          %gather3A_499 = vector.shape_cast %broadcast_in_dim3A_498 : vector<16x1xi32> to vector<16xi32>
          %gather3A_500 = tpu.dynamic_gather %add3A_494[%gather3A_499] in [0] : vector<16xf32>, vector<16xi32> -> vector<16xf32>
          %add3A_501 = arith.addf %add3A_494, %gather3A_500 : vector<16xf32>
          %slice3A_502 = vector.extract_strided_slice %get3A_180 {offsets = [1], sizes = [1], strides = [1]} : vector<16xf32> to vector<1xf32>
          %squeeze3A_503 = vector.extract %slice3A_502[0] : f32 from vector<1xf32>
          %sub3A_504 = vector.broadcast %squeeze3A_503 : f32 to vector<16xf32>
          %sub3A_505 = arith.subf %add3A_501, %sub3A_504 : vector<16xf32>
          %exp3A_506 = math.exp %sub3A_505 : vector<16xf32>
          %mul3A_507 = arith.mulf %unpack3A_430, %exp3A_506 : vector<16xf32>
          %swap3A_508 = arith.index_cast %scan3A_413 : i32 to index
          %swap3A_509 = arith.constant 16 : index
          %swap3A_510 = tpu.vector_load %arg19[%swap3A_508, %swap3A_509] {strides = array<i32>} : memref<128x80xf32, #tpu.memory_space<vmem>>, vector<16xf32>,
          tpu.vector_store %arg19[%swap3A_508, %swap3A_509], %mul3A_507 {strides = array<i32>} : memref<128x80xf32, #tpu.memory_space<vmem>>, vector<16xf32>,
          %eq3A_511 = arith.constant 1 : i32
          %eq3A_512 = vector.broadcast %eq3A_511 : i32 to vector<16xi32>
          %eq3A_513 = arith.cmpi eq, %iota3A, %eq3A_512 : vector<16xi32>
          %select_n3A_514 = arith.select %eq3A_513, %exp3A_506, %select_n3A_472 : vector<16xi1>, vector<16xf32>
          %get3A_515 = arith.index_cast %scan3A_413 : i32 to index
          %get3A_516 = arith.constant 32 : index
          %get3A_517 = tpu.vector_load %arg15[%get3A_515, %get3A_516] {strides = array<i32>} : memref<128x64xbf16, #tpu.memory_space<vmem>>, vector<32xbf16>,
          %unpack3A_518 = tpu.unpack_subelements %get3A_517, 0 {pack_format = #tpu.pack_format<interleaved>} : vector<32xbf16> -> vector<16xf32>
          %unpack3A_519 = tpu.unpack_subelements %get3A_517, 1 {pack_format = #tpu.pack_format<interleaved>} : vector<32xbf16> -> vector<16xf32>
          %get3A_520 = arith.index_cast %scan3A_413 : i32 to index
          %get3A_521 = arith.constant 32 : index
          %get3A_522 = tpu.vector_load %arg17[%get3A_520, %get3A_521] {strides = array<i32>} : memref<128x128xbf16, #tpu.memory_space<vmem>>, vector<32xbf16>,
          %unpack3A_523 = tpu.unpack_subelements %get3A_522, 0 {pack_format = #tpu.pack_format<interleaved>} : vector<32xbf16> -> vector<16xf32>
          %unpack3A_524 = tpu.unpack_subelements %get3A_522, 1 {pack_format = #tpu.pack_format<interleaved>} : vector<32xbf16> -> vector<16xf32>
          %get3A_525 = arith.index_cast %scan3A_413 : i32 to index
          %get3A_526 = arith.constant 96 : index
          %get3A_527 = tpu.vector_load %arg17[%get3A_525, %get3A_526] {strides = array<i32>} : memref<128x128xbf16, #tpu.memory_space<vmem>>, vector<32xbf16>,
          %unpack3A_528 = tpu.unpack_subelements %get3A_527, 0 {pack_format = #tpu.pack_format<interleaved>} : vector<32xbf16> -> vector<16xf32>
          %unpack3A_529 = tpu.unpack_subelements %get3A_527, 1 {pack_format = #tpu.pack_format<interleaved>} : vector<32xbf16> -> vector<16xf32>
          %mul3A_530 = arith.mulf %unpack3A_518, %unpack3A_523 : vector<16xf32>
          %xor3A_531 = arith.constant 8 : i32
          %xor3A_532 = vector.broadcast %xor3A_531 : i32 to vector<16xi32>
          %xor3A_533 = arith.xori %iota3A, %xor3A_532 : vector<16xi32>
          %broadcast_in_dim3A_534 = vector.shape_cast %xor3A_533 : vector<16xi32> to vector<16x1xi32>
          %gather3A_535 = vector.shape_cast %broadcast_in_dim3A_534 : vector<16x1xi32> to vector<16xi32>
          %gather3A_536 = tpu.dynamic_gather %mul3A_530[%gather3A_535] in [0] : vector<16xf32>, vector<16xi32> -> vector<16xf32>
          %add3A_537 = arith.addf %mul3A_530, %gather3A_536 : vector<16xf32>
          %xor3A_538 = arith.constant 4 : i32
          %xor3A_539 = vector.broadcast %xor3A_538 : i32 to vector<16xi32>
          %xor3A_540 = arith.xori %iota3A, %xor3A_539 : vector<16xi32>
          %broadcast_in_dim3A_541 = vector.shape_cast %xor3A_540 : vector<16xi32> to vector<16x1xi32>
          %gather3A_542 = vector.shape_cast %broadcast_in_dim3A_541 : vector<16x1xi32> to vector<16xi32>
          %gather3A_543 = tpu.dynamic_gather %add3A_537[%gather3A_542] in [0] : vector<16xf32>, vector<16xi32> -> vector<16xf32>
          %add3A_544 = arith.addf %add3A_537, %gather3A_543 : vector<16xf32>
          %xor3A_545 = arith.constant 2 : i32
          %xor3A_546 = vector.broadcast %xor3A_545 : i32 to vector<16xi32>
          %xor3A_547 = arith.xori %iota3A, %xor3A_546 : vector<16xi32>
          %broadcast_in_dim3A_548 = vector.shape_cast %xor3A_547 : vector<16xi32> to vector<16x1xi32>
          %gather3A_549 = vector.shape_cast %broadcast_in_dim3A_548 : vector<16x1xi32> to vector<16xi32>
          %gather3A_550 = tpu.dynamic_gather %add3A_544[%gather3A_549] in [0] : vector<16xf32>, vector<16xi32> -> vector<16xf32>
          %add3A_551 = arith.addf %add3A_544, %gather3A_550 : vector<16xf32>
          %xor3A_552 = arith.constant 1 : i32
          %xor3A_553 = vector.broadcast %xor3A_552 : i32 to vector<16xi32>
          %xor3A_554 = arith.xori %iota3A, %xor3A_553 : vector<16xi32>
          %broadcast_in_dim3A_555 = vector.shape_cast %xor3A_554 : vector<16xi32> to vector<16x1xi32>
          %gather3A_556 = vector.shape_cast %broadcast_in_dim3A_555 : vector<16x1xi32> to vector<16xi32>
          %gather3A_557 = tpu.dynamic_gather %add3A_551[%gather3A_556] in [0] : vector<16xf32>, vector<16xi32> -> vector<16xf32>
          %add3A_558 = arith.addf %add3A_551, %gather3A_557 : vector<16xf32>
          %slice3A_559 = vector.extract_strided_slice %get3A_180 {offsets = [2], sizes = [1], strides = [1]} : vector<16xf32> to vector<1xf32>
          %squeeze3A_560 = vector.extract %slice3A_559[0] : f32 from vector<1xf32>
          %sub3A_561 = vector.broadcast %squeeze3A_560 : f32 to vector<16xf32>
          %sub3A_562 = arith.subf %add3A_558, %sub3A_561 : vector<16xf32>
          %exp3A_563 = math.exp %sub3A_562 : vector<16xf32>
          %mul3A_564 = arith.mulf %unpack3A_528, %exp3A_563 : vector<16xf32>
          %swap3A_565 = arith.index_cast %scan3A_413 : i32 to index
          %swap3A_566 = arith.constant 32 : index
          %swap3A_567 = tpu.vector_load %arg19[%swap3A_565, %swap3A_566] {strides = array<i32>} : memref<128x80xf32, #tpu.memory_space<vmem>>, vector<16xf32>,
          tpu.vector_store %arg19[%swap3A_565, %swap3A_566], %mul3A_564 {strides = array<i32>} : memref<128x80xf32, #tpu.memory_space<vmem>>, vector<16xf32>,
          %eq3A_568 = arith.constant 2 : i32
          %eq3A_569 = vector.broadcast %eq3A_568 : i32 to vector<16xi32>
          %eq3A_570 = arith.cmpi eq, %iota3A, %eq3A_569 : vector<16xi32>
          %select_n3A_571 = arith.select %eq3A_570, %exp3A_563, %select_n3A_514 : vector<16xi1>, vector<16xf32>
          %mul3A_572 = arith.mulf %unpack3A_519, %unpack3A_524 : vector<16xf32>
          %xor3A_573 = arith.constant 8 : i32
          %xor3A_574 = vector.broadcast %xor3A_573 : i32 to vector<16xi32>
          %xor3A_575 = arith.xori %iota3A, %xor3A_574 : vector<16xi32>
          %broadcast_in_dim3A_576 = vector.shape_cast %xor3A_575 : vector<16xi32> to vector<16x1xi32>
          %gather3A_577 = vector.shape_cast %broadcast_in_dim3A_576 : vector<16x1xi32> to vector<16xi32>
          %gather3A_578 = tpu.dynamic_gather %mul3A_572[%gather3A_577] in [0] : vector<16xf32>, vector<16xi32> -> vector<16xf32>
          %add3A_579 = arith.addf %mul3A_572, %gather3A_578 : vector<16xf32>
          %xor3A_580 = arith.constant 4 : i32
          %xor3A_581 = vector.broadcast %xor3A_580 : i32 to vector<16xi32>
          %xor3A_582 = arith.xori %iota3A, %xor3A_581 : vector<16xi32>
          %broadcast_in_dim3A_583 = vector.shape_cast %xor3A_582 : vector<16xi32> to vector<16x1xi32>
          %gather3A_584 = vector.shape_cast %broadcast_in_dim3A_583 : vector<16x1xi32> to vector<16xi32>
          %gather3A_585 = tpu.dynamic_gather %add3A_579[%gather3A_584] in [0] : vector<16xf32>, vector<16xi32> -> vector<16xf32>
          %add3A_586 = arith.addf %add3A_579, %gather3A_585 : vector<16xf32>
          %xor3A_587 = arith.constant 2 : i32
          %xor3A_588 = vector.broadcast %xor3A_587 : i32 to vector<16xi32>
          %xor3A_589 = arith.xori %iota3A, %xor3A_588 : vector<16xi32>
          %broadcast_in_dim3A_590 = vector.shape_cast %xor3A_589 : vector<16xi32> to vector<16x1xi32>
          %gather3A_591 = vector.shape_cast %broadcast_in_dim3A_590 : vector<16x1xi32> to vector<16xi32>
          %gather3A_592 = tpu.dynamic_gather %add3A_586[%gather3A_591] in [0] : vector<16xf32>, vector<16xi32> -> vector<16xf32>
          %add3A_593 = arith.addf %add3A_586, %gather3A_592 : vector<16xf32>
          %xor3A_594 = arith.constant 1 : i32
          %xor3A_595 = vector.broadcast %xor3A_594 : i32 to vector<16xi32>
          %xor3A_596 = arith.xori %iota3A, %xor3A_595 : vector<16xi32>
          %broadcast_in_dim3A_597 = vector.shape_cast %xor3A_596 : vector<16xi32> to vector<16x1xi32>
          %gather3A_598 = vector.shape_cast %broadcast_in_dim3A_597 : vector<16x1xi32> to vector<16xi32>
          %gather3A_599 = tpu.dynamic_gather %add3A_593[%gather3A_598] in [0] : vector<16xf32>, vector<16xi32> -> vector<16xf32>
          %add3A_600 = arith.addf %add3A_593, %gather3A_599 : vector<16xf32>
          %slice3A_601 = vector.extract_strided_slice %get3A_180 {offsets = [3], sizes = [1], strides = [1]} : vector<16xf32> to vector<1xf32>
          %squeeze3A_602 = vector.extract %slice3A_601[0] : f32 from vector<1xf32>
          %sub3A_603 = vector.broadcast %squeeze3A_602 : f32 to vector<16xf32>
          %sub3A_604 = arith.subf %add3A_600, %sub3A_603 : vector<16xf32>
          %exp3A_605 = math.exp %sub3A_604 : vector<16xf32>
          %mul3A_606 = arith.mulf %unpack3A_529, %exp3A_605 : vector<16xf32>
          %swap3A_607 = arith.index_cast %scan3A_413 : i32 to index
          %swap3A_608 = arith.constant 48 : index
          %swap3A_609 = tpu.vector_load %arg19[%swap3A_607, %swap3A_608] {strides = array<i32>} : memref<128x80xf32, #tpu.memory_space<vmem>>, vector<16xf32>,
          tpu.vector_store %arg19[%swap3A_607, %swap3A_608], %mul3A_606 {strides = array<i32>} : memref<128x80xf32, #tpu.memory_space<vmem>>, vector<16xf32>,
          %eq3A_610 = arith.constant 3 : i32
          %eq3A_611 = vector.broadcast %eq3A_610 : i32 to vector<16xi32>
          %eq3A_612 = arith.cmpi eq, %iota3A, %eq3A_611 : vector<16xi32>
          %select_n3A_613 = arith.select %eq3A_612, %exp3A_605, %select_n3A_571 : vector<16xi1>, vector<16xf32>
          %swap3A_614 = arith.index_cast %scan3A_413 : i32 to index
          %swap3A_615 = arith.constant 64 : index
          %swap3A_616 = tpu.vector_load %arg19[%swap3A_614, %swap3A_615] {strides = array<i32>} : memref<128x80xf32, #tpu.memory_space<vmem>>, vector<16xf32>,
          tpu.vector_store %arg19[%swap3A_614, %swap3A_615], %select_n3A_613 {strides = array<i32>} : memref<128x80xf32, #tpu.memory_space<vmem>>, vector<16xf32>,
          %scan3A_617 = arith.constant 0 : i32
          %scan3A_618 = arith.constant 2 : i32
          %scan3A_619 = arith.addi %scan3A_215, %scan3A_618 : i32
          %broadcast_in_dim3A_620 = arith.constant 0.000000e+00 : f32
          %broadcast_in_dim3A_621 = vector.broadcast %broadcast_in_dim3A_620 : f32 to vector<16xf32>
          %get3A_622 = arith.index_cast %scan3A_619 : i32 to index
          %get3A_623 = arith.constant 0 : index
          %get3A_624 = tpu.vector_load %arg15[%get3A_622, %get3A_623] {strides = array<i32>} : memref<128x64xbf16, #tpu.memory_space<vmem>>, vector<32xbf16>,
          %unpack3A_625 = tpu.unpack_subelements %get3A_624, 0 {pack_format = #tpu.pack_format<interleaved>} : vector<32xbf16> -> vector<16xf32>
          %unpack3A_626 = tpu.unpack_subelements %get3A_624, 1 {pack_format = #tpu.pack_format<interleaved>} : vector<32xbf16> -> vector<16xf32>
          %get3A_627 = arith.index_cast %scan3A_619 : i32 to index
          %get3A_628 = arith.constant 0 : index
          %get3A_629 = tpu.vector_load %arg17[%get3A_627, %get3A_628] {strides = array<i32>} : memref<128x128xbf16, #tpu.memory_space<vmem>>, vector<32xbf16>,
          %unpack3A_630 = tpu.unpack_subelements %get3A_629, 0 {pack_format = #tpu.pack_format<interleaved>} : vector<32xbf16> -> vector<16xf32>
          %unpack3A_631 = tpu.unpack_subelements %get3A_629, 1 {pack_format = #tpu.pack_format<interleaved>} : vector<32xbf16> -> vector<16xf32>
          %get3A_632 = arith.index_cast %scan3A_619 : i32 to index
          %get3A_633 = arith.constant 64 : index
          %get3A_634 = tpu.vector_load %arg17[%get3A_632, %get3A_633] {strides = array<i32>} : memref<128x128xbf16, #tpu.memory_space<vmem>>, vector<32xbf16>,
          %unpack3A_635 = tpu.unpack_subelements %get3A_634, 0 {pack_format = #tpu.pack_format<interleaved>} : vector<32xbf16> -> vector<16xf32>
          %unpack3A_636 = tpu.unpack_subelements %get3A_634, 1 {pack_format = #tpu.pack_format<interleaved>} : vector<32xbf16> -> vector<16xf32>
          %mul3A_637 = arith.mulf %unpack3A_625, %unpack3A_630 : vector<16xf32>
          %xor3A_638 = arith.constant 8 : i32
          %xor3A_639 = vector.broadcast %xor3A_638 : i32 to vector<16xi32>
          %xor3A_640 = arith.xori %iota3A, %xor3A_639 : vector<16xi32>
          %broadcast_in_dim3A_641 = vector.shape_cast %xor3A_640 : vector<16xi32> to vector<16x1xi32>
          %gather3A_642 = vector.shape_cast %broadcast_in_dim3A_641 : vector<16x1xi32> to vector<16xi32>
          %gather3A_643 = tpu.dynamic_gather %mul3A_637[%gather3A_642] in [0] : vector<16xf32>, vector<16xi32> -> vector<16xf32>
          %add3A_644 = arith.addf %mul3A_637, %gather3A_643 : vector<16xf32>
          %xor3A_645 = arith.constant 4 : i32
          %xor3A_646 = vector.broadcast %xor3A_645 : i32 to vector<16xi32>
          %xor3A_647 = arith.xori %iota3A, %xor3A_646 : vector<16xi32>
          %broadcast_in_dim3A_648 = vector.shape_cast %xor3A_647 : vector<16xi32> to vector<16x1xi32>
          %gather3A_649 = vector.shape_cast %broadcast_in_dim3A_648 : vector<16x1xi32> to vector<16xi32>
          %gather3A_650 = tpu.dynamic_gather %add3A_644[%gather3A_649] in [0] : vector<16xf32>, vector<16xi32> -> vector<16xf32>
          %add3A_651 = arith.addf %add3A_644, %gather3A_650 : vector<16xf32>
          %xor3A_652 = arith.constant 2 : i32
          %xor3A_653 = vector.broadcast %xor3A_652 : i32 to vector<16xi32>
          %xor3A_654 = arith.xori %iota3A, %xor3A_653 : vector<16xi32>
          %broadcast_in_dim3A_655 = vector.shape_cast %xor3A_654 : vector<16xi32> to vector<16x1xi32>
          %gather3A_656 = vector.shape_cast %broadcast_in_dim3A_655 : vector<16x1xi32> to vector<16xi32>
          %gather3A_657 = tpu.dynamic_gather %add3A_651[%gather3A_656] in [0] : vector<16xf32>, vector<16xi32> -> vector<16xf32>
          %add3A_658 = arith.addf %add3A_651, %gather3A_657 : vector<16xf32>
          %xor3A_659 = arith.constant 1 : i32
          %xor3A_660 = vector.broadcast %xor3A_659 : i32 to vector<16xi32>
          %xor3A_661 = arith.xori %iota3A, %xor3A_660 : vector<16xi32>
          %broadcast_in_dim3A_662 = vector.shape_cast %xor3A_661 : vector<16xi32> to vector<16x1xi32>
          %gather3A_663 = vector.shape_cast %broadcast_in_dim3A_662 : vector<16x1xi32> to vector<16xi32>
          %gather3A_664 = tpu.dynamic_gather %add3A_658[%gather3A_663] in [0] : vector<16xf32>, vector<16xi32> -> vector<16xf32>
          %add3A_665 = arith.addf %add3A_658, %gather3A_664 : vector<16xf32>
          %slice3A_666 = vector.extract_strided_slice %get3A_180 {offsets = [0], sizes = [1], strides = [1]} : vector<16xf32> to vector<1xf32>
          %squeeze3A_667 = vector.extract %slice3A_666[0] : f32 from vector<1xf32>
          %sub3A_668 = vector.broadcast %squeeze3A_667 : f32 to vector<16xf32>
          %sub3A_669 = arith.subf %add3A_665, %sub3A_668 : vector<16xf32>
          %exp3A_670 = math.exp %sub3A_669 : vector<16xf32>
          %mul3A_671 = arith.mulf %unpack3A_635, %exp3A_670 : vector<16xf32>
          %swap3A_672 = arith.index_cast %scan3A_619 : i32 to index
          %swap3A_673 = arith.constant 0 : index
          %swap3A_674 = tpu.vector_load %arg19[%swap3A_672, %swap3A_673] {strides = array<i32>} : memref<128x80xf32, #tpu.memory_space<vmem>>, vector<16xf32>,
          tpu.vector_store %arg19[%swap3A_672, %swap3A_673], %mul3A_671 {strides = array<i32>} : memref<128x80xf32, #tpu.memory_space<vmem>>, vector<16xf32>,
          %eq3A_675 = arith.constant 0 : i32
          %eq3A_676 = vector.broadcast %eq3A_675 : i32 to vector<16xi32>
          %eq3A_677 = arith.cmpi eq, %iota3A, %eq3A_676 : vector<16xi32>
          %select_n3A_678 = arith.select %eq3A_677, %exp3A_670, %broadcast_in_dim3A_621 : vector<16xi1>, vector<16xf32>
          %mul3A_679 = arith.mulf %unpack3A_626, %unpack3A_631 : vector<16xf32>
          %xor3A_680 = arith.constant 8 : i32
          %xor3A_681 = vector.broadcast %xor3A_680 : i32 to vector<16xi32>
          %xor3A_682 = arith.xori %iota3A, %xor3A_681 : vector<16xi32>
          %broadcast_in_dim3A_683 = vector.shape_cast %xor3A_682 : vector<16xi32> to vector<16x1xi32>
          %gather3A_684 = vector.shape_cast %broadcast_in_dim3A_683 : vector<16x1xi32> to vector<16xi32>
          %gather3A_685 = tpu.dynamic_gather %mul3A_679[%gather3A_684] in [0] : vector<16xf32>, vector<16xi32> -> vector<16xf32>
          %add3A_686 = arith.addf %mul3A_679, %gather3A_685 : vector<16xf32>
          %xor3A_687 = arith.constant 4 : i32
          %xor3A_688 = vector.broadcast %xor3A_687 : i32 to vector<16xi32>
          %xor3A_689 = arith.xori %iota3A, %xor3A_688 : vector<16xi32>
          %broadcast_in_dim3A_690 = vector.shape_cast %xor3A_689 : vector<16xi32> to vector<16x1xi32>
          %gather3A_691 = vector.shape_cast %broadcast_in_dim3A_690 : vector<16x1xi32> to vector<16xi32>
          %gather3A_692 = tpu.dynamic_gather %add3A_686[%gather3A_691] in [0] : vector<16xf32>, vector<16xi32> -> vector<16xf32>
          %add3A_693 = arith.addf %add3A_686, %gather3A_692 : vector<16xf32>
          %xor3A_694 = arith.constant 2 : i32
          %xor3A_695 = vector.broadcast %xor3A_694 : i32 to vector<16xi32>
          %xor3A_696 = arith.xori %iota3A, %xor3A_695 : vector<16xi32>
          %broadcast_in_dim3A_697 = vector.shape_cast %xor3A_696 : vector<16xi32> to vector<16x1xi32>
          %gather3A_698 = vector.shape_cast %broadcast_in_dim3A_697 : vector<16x1xi32> to vector<16xi32>
          %gather3A_699 = tpu.dynamic_gather %add3A_693[%gather3A_698] in [0] : vector<16xf32>, vector<16xi32> -> vector<16xf32>
          %add3A_700 = arith.addf %add3A_693, %gather3A_699 : vector<16xf32>
          %xor3A_701 = arith.constant 1 : i32
          %xor3A_702 = vector.broadcast %xor3A_701 : i32 to vector<16xi32>
          %xor3A_703 = arith.xori %iota3A, %xor3A_702 : vector<16xi32>
          %broadcast_in_dim3A_704 = vector.shape_cast %xor3A_703 : vector<16xi32> to vector<16x1xi32>
          %gather3A_705 = vector.shape_cast %broadcast_in_dim3A_704 : vector<16x1xi32> to vector<16xi32>
          %gather3A_706 = tpu.dynamic_gather %add3A_700[%gather3A_705] in [0] : vector<16xf32>, vector<16xi32> -> vector<16xf32>
          %add3A_707 = arith.addf %add3A_700, %gather3A_706 : vector<16xf32>
          %slice3A_708 = vector.extract_strided_slice %get3A_180 {offsets = [1], sizes = [1], strides = [1]} : vector<16xf32> to vector<1xf32>
          %squeeze3A_709 = vector.extract %slice3A_708[0] : f32 from vector<1xf32>
          %sub3A_710 = vector.broadcast %squeeze3A_709 : f32 to vector<16xf32>
          %sub3A_711 = arith.subf %add3A_707, %sub3A_710 : vector<16xf32>
          %exp3A_712 = math.exp %sub3A_711 : vector<16xf32>
          %mul3A_713 = arith.mulf %unpack3A_636, %exp3A_712 : vector<16xf32>
          %swap3A_714 = arith.index_cast %scan3A_619 : i32 to index
          %swap3A_715 = arith.constant 16 : index
          %swap3A_716 = tpu.vector_load %arg19[%swap3A_714, %swap3A_715] {strides = array<i32>} : memref<128x80xf32, #tpu.memory_space<vmem>>, vector<16xf32>,
          tpu.vector_store %arg19[%swap3A_714, %swap3A_715], %mul3A_713 {strides = array<i32>} : memref<128x80xf32, #tpu.memory_space<vmem>>, vector<16xf32>,
          %eq3A_717 = arith.constant 1 : i32
          %eq3A_718 = vector.broadcast %eq3A_717 : i32 to vector<16xi32>
          %eq3A_719 = arith.cmpi eq, %iota3A, %eq3A_718 : vector<16xi32>
          %select_n3A_720 = arith.select %eq3A_719, %exp3A_712, %select_n3A_678 : vector<16xi1>, vector<16xf32>
          %get3A_721 = arith.index_cast %scan3A_619 : i32 to index
          %get3A_722 = arith.constant 32 : index
          %get3A_723 = tpu.vector_load %arg15[%get3A_721, %get3A_722] {strides = array<i32>} : memref<128x64xbf16, #tpu.memory_space<vmem>>, vector<32xbf16>,
          %unpack3A_724 = tpu.unpack_subelements %get3A_723, 0 {pack_format = #tpu.pack_format<interleaved>} : vector<32xbf16> -> vector<16xf32>
          %unpack3A_725 = tpu.unpack_subelements %get3A_723, 1 {pack_format = #tpu.pack_format<interleaved>} : vector<32xbf16> -> vector<16xf32>
          %get3A_726 = arith.index_cast %scan3A_619 : i32 to index
          %get3A_727 = arith.constant 32 : index
          %get3A_728 = tpu.vector_load %arg17[%get3A_726, %get3A_727] {strides = array<i32>} : memref<128x128xbf16, #tpu.memory_space<vmem>>, vector<32xbf16>,
          %unpack3A_729 = tpu.unpack_subelements %get3A_728, 0 {pack_format = #tpu.pack_format<interleaved>} : vector<32xbf16> -> vector<16xf32>
          %unpack3A_730 = tpu.unpack_subelements %get3A_728, 1 {pack_format = #tpu.pack_format<interleaved>} : vector<32xbf16> -> vector<16xf32>
          %get3A_731 = arith.index_cast %scan3A_619 : i32 to index
          %get3A_732 = arith.constant 96 : index
          %get3A_733 = tpu.vector_load %arg17[%get3A_731, %get3A_732] {strides = array<i32>} : memref<128x128xbf16, #tpu.memory_space<vmem>>, vector<32xbf16>,
          %unpack3A_734 = tpu.unpack_subelements %get3A_733, 0 {pack_format = #tpu.pack_format<interleaved>} : vector<32xbf16> -> vector<16xf32>
          %unpack3A_735 = tpu.unpack_subelements %get3A_733, 1 {pack_format = #tpu.pack_format<interleaved>} : vector<32xbf16> -> vector<16xf32>
          %mul3A_736 = arith.mulf %unpack3A_724, %unpack3A_729 : vector<16xf32>
          %xor3A_737 = arith.constant 8 : i32
          %xor3A_738 = vector.broadcast %xor3A_737 : i32 to vector<16xi32>
          %xor3A_739 = arith.xori %iota3A, %xor3A_738 : vector<16xi32>
          %broadcast_in_dim3A_740 = vector.shape_cast %xor3A_739 : vector<16xi32> to vector<16x1xi32>
          %gather3A_741 = vector.shape_cast %broadcast_in_dim3A_740 : vector<16x1xi32> to vector<16xi32>
          %gather3A_742 = tpu.dynamic_gather %mul3A_736[%gather3A_741] in [0] : vector<16xf32>, vector<16xi32> -> vector<16xf32>
          %add3A_743 = arith.addf %mul3A_736, %gather3A_742 : vector<16xf32>
          %xor3A_744 = arith.constant 4 : i32
          %xor3A_745 = vector.broadcast %xor3A_744 : i32 to vector<16xi32>
          %xor3A_746 = arith.xori %iota3A, %xor3A_745 : vector<16xi32>
          %broadcast_in_dim3A_747 = vector.shape_cast %xor3A_746 : vector<16xi32> to vector<16x1xi32>
          %gather3A_748 = vector.shape_cast %broadcast_in_dim3A_747 : vector<16x1xi32> to vector<16xi32>
          %gather3A_749 = tpu.dynamic_gather %add3A_743[%gather3A_748] in [0] : vector<16xf32>, vector<16xi32> -> vector<16xf32>
          %add3A_750 = arith.addf %add3A_743, %gather3A_749 : vector<16xf32>
          %xor3A_751 = arith.constant 2 : i32
          %xor3A_752 = vector.broadcast %xor3A_751 : i32 to vector<16xi32>
          %xor3A_753 = arith.xori %iota3A, %xor3A_752 : vector<16xi32>
          %broadcast_in_dim3A_754 = vector.shape_cast %xor3A_753 : vector<16xi32> to vector<16x1xi32>
          %gather3A_755 = vector.shape_cast %broadcast_in_dim3A_754 : vector<16x1xi32> to vector<16xi32>
          %gather3A_756 = tpu.dynamic_gather %add3A_750[%gather3A_755] in [0] : vector<16xf32>, vector<16xi32> -> vector<16xf32>
          %add3A_757 = arith.addf %add3A_750, %gather3A_756 : vector<16xf32>
          %xor3A_758 = arith.constant 1 : i32
          %xor3A_759 = vector.broadcast %xor3A_758 : i32 to vector<16xi32>
          %xor3A_760 = arith.xori %iota3A, %xor3A_759 : vector<16xi32>
          %broadcast_in_dim3A_761 = vector.shape_cast %xor3A_760 : vector<16xi32> to vector<16x1xi32>
          %gather3A_762 = vector.shape_cast %broadcast_in_dim3A_761 : vector<16x1xi32> to vector<16xi32>
          %gather3A_763 = tpu.dynamic_gather %add3A_757[%gather3A_762] in [0] : vector<16xf32>, vector<16xi32> -> vector<16xf32>
          %add3A_764 = arith.addf %add3A_757, %gather3A_763 : vector<16xf32>
          %slice3A_765 = vector.extract_strided_slice %get3A_180 {offsets = [2], sizes = [1], strides = [1]} : vector<16xf32> to vector<1xf32>
          %squeeze3A_766 = vector.extract %slice3A_765[0] : f32 from vector<1xf32>
          %sub3A_767 = vector.broadcast %squeeze3A_766 : f32 to vector<16xf32>
          %sub3A_768 = arith.subf %add3A_764, %sub3A_767 : vector<16xf32>
          %exp3A_769 = math.exp %sub3A_768 : vector<16xf32>
          %mul3A_770 = arith.mulf %unpack3A_734, %exp3A_769 : vector<16xf32>
          %swap3A_771 = arith.index_cast %scan3A_619 : i32 to index
          %swap3A_772 = arith.constant 32 : index
          %swap3A_773 = tpu.vector_load %arg19[%swap3A_771, %swap3A_772] {strides = array<i32>} : memref<128x80xf32, #tpu.memory_space<vmem>>, vector<16xf32>,
          tpu.vector_store %arg19[%swap3A_771, %swap3A_772], %mul3A_770 {strides = array<i32>} : memref<128x80xf32, #tpu.memory_space<vmem>>, vector<16xf32>,
          %eq3A_774 = arith.constant 2 : i32
          %eq3A_775 = vector.broadcast %eq3A_774 : i32 to vector<16xi32>
          %eq3A_776 = arith.cmpi eq, %iota3A, %eq3A_775 : vector<16xi32>
          %select_n3A_777 = arith.select %eq3A_776, %exp3A_769, %select_n3A_720 : vector<16xi1>, vector<16xf32>
          %mul3A_778 = arith.mulf %unpack3A_725, %unpack3A_730 : vector<16xf32>
          %xor3A_779 = arith.constant 8 : i32
          %xor3A_780 = vector.broadcast %xor3A_779 : i32 to vector<16xi32>
          %xor3A_781 = arith.xori %iota3A, %xor3A_780 : vector<16xi32>
          %broadcast_in_dim3A_782 = vector.shape_cast %xor3A_781 : vector<16xi32> to vector<16x1xi32>
          %gather3A_783 = vector.shape_cast %broadcast_in_dim3A_782 : vector<16x1xi32> to vector<16xi32>
          %gather3A_784 = tpu.dynamic_gather %mul3A_778[%gather3A_783] in [0] : vector<16xf32>, vector<16xi32> -> vector<16xf32>
          %add3A_785 = arith.addf %mul3A_778, %gather3A_784 : vector<16xf32>
          %xor3A_786 = arith.constant 4 : i32
          %xor3A_787 = vector.broadcast %xor3A_786 : i32 to vector<16xi32>
          %xor3A_788 = arith.xori %iota3A, %xor3A_787 : vector<16xi32>
          %broadcast_in_dim3A_789 = vector.shape_cast %xor3A_788 : vector<16xi32> to vector<16x1xi32>
          %gather3A_790 = vector.shape_cast %broadcast_in_dim3A_789 : vector<16x1xi32> to vector<16xi32>
          %gather3A_791 = tpu.dynamic_gather %add3A_785[%gather3A_790] in [0] : vector<16xf32>, vector<16xi32> -> vector<16xf32>
          %add3A_792 = arith.addf %add3A_785, %gather3A_791 : vector<16xf32>
          %xor3A_793 = arith.constant 2 : i32
          %xor3A_794 = vector.broadcast %xor3A_793 : i32 to vector<16xi32>
          %xor3A_795 = arith.xori %iota3A, %xor3A_794 : vector<16xi32>
          %broadcast_in_dim3A_796 = vector.shape_cast %xor3A_795 : vector<16xi32> to vector<16x1xi32>
          %gather3A_797 = vector.shape_cast %broadcast_in_dim3A_796 : vector<16x1xi32> to vector<16xi32>
          %gather3A_798 = tpu.dynamic_gather %add3A_792[%gather3A_797] in [0] : vector<16xf32>, vector<16xi32> -> vector<16xf32>
          %add3A_799 = arith.addf %add3A_792, %gather3A_798 : vector<16xf32>
          %xor3A_800 = arith.constant 1 : i32
          %xor3A_801 = vector.broadcast %xor3A_800 : i32 to vector<16xi32>
          %xor3A_802 = arith.xori %iota3A, %xor3A_801 : vector<16xi32>
          %broadcast_in_dim3A_803 = vector.shape_cast %xor3A_802 : vector<16xi32> to vector<16x1xi32>
          %gather3A_804 = vector.shape_cast %broadcast_in_dim3A_803 : vector<16x1xi32> to vector<16xi32>
          %gather3A_805 = tpu.dynamic_gather %add3A_799[%gather3A_804] in [0] : vector<16xf32>, vector<16xi32> -> vector<16xf32>
          %add3A_806 = arith.addf %add3A_799, %gather3A_805 : vector<16xf32>
          %slice3A_807 = vector.extract_strided_slice %get3A_180 {offsets = [3], sizes = [1], strides = [1]} : vector<16xf32> to vector<1xf32>
          %squeeze3A_808 = vector.extract %slice3A_807[0] : f32 from vector<1xf32>
          %sub3A_809 = vector.broadcast %squeeze3A_808 : f32 to vector<16xf32>
          %sub3A_810 = arith.subf %add3A_806, %sub3A_809 : vector<16xf32>
          %exp3A_811 = math.exp %sub3A_810 : vector<16xf32>
          %mul3A_812 = arith.mulf %unpack3A_735, %exp3A_811 : vector<16xf32>
          %swap3A_813 = arith.index_cast %scan3A_619 : i32 to index
          %swap3A_814 = arith.constant 48 : index
          %swap3A_815 = tpu.vector_load %arg19[%swap3A_813, %swap3A_814] {strides = array<i32>} : memref<128x80xf32, #tpu.memory_space<vmem>>, vector<16xf32>,
          tpu.vector_store %arg19[%swap3A_813, %swap3A_814], %mul3A_812 {strides = array<i32>} : memref<128x80xf32, #tpu.memory_space<vmem>>, vector<16xf32>,
          %eq3A_816 = arith.constant 3 : i32
          %eq3A_817 = vector.broadcast %eq3A_816 : i32 to vector<16xi32>
          %eq3A_818 = arith.cmpi eq, %iota3A, %eq3A_817 : vector<16xi32>
          %select_n3A_819 = arith.select %eq3A_818, %exp3A_811, %select_n3A_777 : vector<16xi1>, vector<16xf32>
          %swap3A_820 = arith.index_cast %scan3A_619 : i32 to index
          %swap3A_821 = arith.constant 64 : index
          %swap3A_822 = tpu.vector_load %arg19[%swap3A_820, %swap3A_821] {strides = array<i32>} : memref<128x80xf32, #tpu.memory_space<vmem>>, vector<16xf32>,
          tpu.vector_store %arg19[%swap3A_820, %swap3A_821], %select_n3A_819 {strides = array<i32>} : memref<128x80xf32, #tpu.memory_space<vmem>>, vector<16xf32>,
          %scan3A_823 = arith.constant 0 : i32
          %scan3A_824 = arith.constant 3 : i32
          %scan3A_825 = arith.addi %scan3A_215, %scan3A_824 : i32
          %broadcast_in_dim3A_826 = arith.constant 0.000000e+00 : f32
          %broadcast_in_dim3A_827 = vector.broadcast %broadcast_in_dim3A_826 : f32 to vector<16xf32>
          %get3A_828 = arith.index_cast %scan3A_825 : i32 to index
          %get3A_829 = arith.constant 0 : index
          %get3A_830 = tpu.vector_load %arg15[%get3A_828, %get3A_829] {strides = array<i32>} : memref<128x64xbf16, #tpu.memory_space<vmem>>, vector<32xbf16>,
          %unpack3A_831 = tpu.unpack_subelements %get3A_830, 0 {pack_format = #tpu.pack_format<interleaved>} : vector<32xbf16> -> vector<16xf32>
          %unpack3A_832 = tpu.unpack_subelements %get3A_830, 1 {pack_format = #tpu.pack_format<interleaved>} : vector<32xbf16> -> vector<16xf32>
          %get3A_833 = arith.index_cast %scan3A_825 : i32 to index
          %get3A_834 = arith.constant 0 : index
          %get3A_835 = tpu.vector_load %arg17[%get3A_833, %get3A_834] {strides = array<i32>} : memref<128x128xbf16, #tpu.memory_space<vmem>>, vector<32xbf16>,
          %unpack3A_836 = tpu.unpack_subelements %get3A_835, 0 {pack_format = #tpu.pack_format<interleaved>} : vector<32xbf16> -> vector<16xf32>
          %unpack3A_837 = tpu.unpack_subelements %get3A_835, 1 {pack_format = #tpu.pack_format<interleaved>} : vector<32xbf16> -> vector<16xf32>
          %get3A_838 = arith.index_cast %scan3A_825 : i32 to index
          %get3A_839 = arith.constant 64 : index
          %get3A_840 = tpu.vector_load %arg17[%get3A_838, %get3A_839] {strides = array<i32>} : memref<128x128xbf16, #tpu.memory_space<vmem>>, vector<32xbf16>,
          %unpack3A_841 = tpu.unpack_subelements %get3A_840, 0 {pack_format = #tpu.pack_format<interleaved>} : vector<32xbf16> -> vector<16xf32>
          %unpack3A_842 = tpu.unpack_subelements %get3A_840, 1 {pack_format = #tpu.pack_format<interleaved>} : vector<32xbf16> -> vector<16xf32>
          %mul3A_843 = arith.mulf %unpack3A_831, %unpack3A_836 : vector<16xf32>
          %xor3A_844 = arith.constant 8 : i32
          %xor3A_845 = vector.broadcast %xor3A_844 : i32 to vector<16xi32>
          %xor3A_846 = arith.xori %iota3A, %xor3A_845 : vector<16xi32>
          %broadcast_in_dim3A_847 = vector.shape_cast %xor3A_846 : vector<16xi32> to vector<16x1xi32>
          %gather3A_848 = vector.shape_cast %broadcast_in_dim3A_847 : vector<16x1xi32> to vector<16xi32>
          %gather3A_849 = tpu.dynamic_gather %mul3A_843[%gather3A_848] in [0] : vector<16xf32>, vector<16xi32> -> vector<16xf32>
          %add3A_850 = arith.addf %mul3A_843, %gather3A_849 : vector<16xf32>
          %xor3A_851 = arith.constant 4 : i32
          %xor3A_852 = vector.broadcast %xor3A_851 : i32 to vector<16xi32>
          %xor3A_853 = arith.xori %iota3A, %xor3A_852 : vector<16xi32>
          %broadcast_in_dim3A_854 = vector.shape_cast %xor3A_853 : vector<16xi32> to vector<16x1xi32>
          %gather3A_855 = vector.shape_cast %broadcast_in_dim3A_854 : vector<16x1xi32> to vector<16xi32>
          %gather3A_856 = tpu.dynamic_gather %add3A_850[%gather3A_855] in [0] : vector<16xf32>, vector<16xi32> -> vector<16xf32>
          %add3A_857 = arith.addf %add3A_850, %gather3A_856 : vector<16xf32>
          %xor3A_858 = arith.constant 2 : i32
          %xor3A_859 = vector.broadcast %xor3A_858 : i32 to vector<16xi32>
          %xor3A_860 = arith.xori %iota3A, %xor3A_859 : vector<16xi32>
          %broadcast_in_dim3A_861 = vector.shape_cast %xor3A_860 : vector<16xi32> to vector<16x1xi32>
          %gather3A_862 = vector.shape_cast %broadcast_in_dim3A_861 : vector<16x1xi32> to vector<16xi32>
          %gather3A_863 = tpu.dynamic_gather %add3A_857[%gather3A_862] in [0] : vector<16xf32>, vector<16xi32> -> vector<16xf32>
          %add3A_864 = arith.addf %add3A_857, %gather3A_863 : vector<16xf32>
          %xor3A_865 = arith.constant 1 : i32
          %xor3A_866 = vector.broadcast %xor3A_865 : i32 to vector<16xi32>
          %xor3A_867 = arith.xori %iota3A, %xor3A_866 : vector<16xi32>
          %broadcast_in_dim3A_868 = vector.shape_cast %xor3A_867 : vector<16xi32> to vector<16x1xi32>
          %gather3A_869 = vector.shape_cast %broadcast_in_dim3A_868 : vector<16x1xi32> to vector<16xi32>
          %gather3A_870 = tpu.dynamic_gather %add3A_864[%gather3A_869] in [0] : vector<16xf32>, vector<16xi32> -> vector<16xf32>
          %add3A_871 = arith.addf %add3A_864, %gather3A_870 : vector<16xf32>
          %slice3A_872 = vector.extract_strided_slice %get3A_180 {offsets = [0], sizes = [1], strides = [1]} : vector<16xf32> to vector<1xf32>
          %squeeze3A_873 = vector.extract %slice3A_872[0] : f32 from vector<1xf32>
          %sub3A_874 = vector.broadcast %squeeze3A_873 : f32 to vector<16xf32>
          %sub3A_875 = arith.subf %add3A_871, %sub3A_874 : vector<16xf32>
          %exp3A_876 = math.exp %sub3A_875 : vector<16xf32>
          %mul3A_877 = arith.mulf %unpack3A_841, %exp3A_876 : vector<16xf32>
          %swap3A_878 = arith.index_cast %scan3A_825 : i32 to index
          %swap3A_879 = arith.constant 0 : index
          %swap3A_880 = tpu.vector_load %arg19[%swap3A_878, %swap3A_879] {strides = array<i32>} : memref<128x80xf32, #tpu.memory_space<vmem>>, vector<16xf32>,
          tpu.vector_store %arg19[%swap3A_878, %swap3A_879], %mul3A_877 {strides = array<i32>} : memref<128x80xf32, #tpu.memory_space<vmem>>, vector<16xf32>,
          %eq3A_881 = arith.constant 0 : i32
          %eq3A_882 = vector.broadcast %eq3A_881 : i32 to vector<16xi32>
          %eq3A_883 = arith.cmpi eq, %iota3A, %eq3A_882 : vector<16xi32>
          %select_n3A_884 = arith.select %eq3A_883, %exp3A_876, %broadcast_in_dim3A_827 : vector<16xi1>, vector<16xf32>
          %mul3A_885 = arith.mulf %unpack3A_832, %unpack3A_837 : vector<16xf32>
          %xor3A_886 = arith.constant 8 : i32
          %xor3A_887 = vector.broadcast %xor3A_886 : i32 to vector<16xi32>
          %xor3A_888 = arith.xori %iota3A, %xor3A_887 : vector<16xi32>
          %broadcast_in_dim3A_889 = vector.shape_cast %xor3A_888 : vector<16xi32> to vector<16x1xi32>
          %gather3A_890 = vector.shape_cast %broadcast_in_dim3A_889 : vector<16x1xi32> to vector<16xi32>
          %gather3A_891 = tpu.dynamic_gather %mul3A_885[%gather3A_890] in [0] : vector<16xf32>, vector<16xi32> -> vector<16xf32>
          %add3A_892 = arith.addf %mul3A_885, %gather3A_891 : vector<16xf32>
          %xor3A_893 = arith.constant 4 : i32
          %xor3A_894 = vector.broadcast %xor3A_893 : i32 to vector<16xi32>
          %xor3A_895 = arith.xori %iota3A, %xor3A_894 : vector<16xi32>
          %broadcast_in_dim3A_896 = vector.shape_cast %xor3A_895 : vector<16xi32> to vector<16x1xi32>
          %gather3A_897 = vector.shape_cast %broadcast_in_dim3A_896 : vector<16x1xi32> to vector<16xi32>
          %gather3A_898 = tpu.dynamic_gather %add3A_892[%gather3A_897] in [0] : vector<16xf32>, vector<16xi32> -> vector<16xf32>
          %add3A_899 = arith.addf %add3A_892, %gather3A_898 : vector<16xf32>
          %xor3A_900 = arith.constant 2 : i32
          %xor3A_901 = vector.broadcast %xor3A_900 : i32 to vector<16xi32>
          %xor3A_902 = arith.xori %iota3A, %xor3A_901 : vector<16xi32>
          %broadcast_in_dim3A_903 = vector.shape_cast %xor3A_902 : vector<16xi32> to vector<16x1xi32>
          %gather3A_904 = vector.shape_cast %broadcast_in_dim3A_903 : vector<16x1xi32> to vector<16xi32>
          %gather3A_905 = tpu.dynamic_gather %add3A_899[%gather3A_904] in [0] : vector<16xf32>, vector<16xi32> -> vector<16xf32>
          %add3A_906 = arith.addf %add3A_899, %gather3A_905 : vector<16xf32>
          %xor3A_907 = arith.constant 1 : i32
          %xor3A_908 = vector.broadcast %xor3A_907 : i32 to vector<16xi32>
          %xor3A_909 = arith.xori %iota3A, %xor3A_908 : vector<16xi32>
          %broadcast_in_dim3A_910 = vector.shape_cast %xor3A_909 : vector<16xi32> to vector<16x1xi32>
          %gather3A_911 = vector.shape_cast %broadcast_in_dim3A_910 : vector<16x1xi32> to vector<16xi32>
          %gather3A_912 = tpu.dynamic_gather %add3A_906[%gather3A_911] in [0] : vector<16xf32>, vector<16xi32> -> vector<16xf32>
          %add3A_913 = arith.addf %add3A_906, %gather3A_912 : vector<16xf32>
          %slice3A_914 = vector.extract_strided_slice %get3A_180 {offsets = [1], sizes = [1], strides = [1]} : vector<16xf32> to vector<1xf32>
          %squeeze3A_915 = vector.extract %slice3A_914[0] : f32 from vector<1xf32>
          %sub3A_916 = vector.broadcast %squeeze3A_915 : f32 to vector<16xf32>
          %sub3A_917 = arith.subf %add3A_913, %sub3A_916 : vector<16xf32>
          %exp3A_918 = math.exp %sub3A_917 : vector<16xf32>
          %mul3A_919 = arith.mulf %unpack3A_842, %exp3A_918 : vector<16xf32>
          %swap3A_920 = arith.index_cast %scan3A_825 : i32 to index
          %swap3A_921 = arith.constant 16 : index
          %swap3A_922 = tpu.vector_load %arg19[%swap3A_920, %swap3A_921] {strides = array<i32>} : memref<128x80xf32, #tpu.memory_space<vmem>>, vector<16xf32>,
          tpu.vector_store %arg19[%swap3A_920, %swap3A_921], %mul3A_919 {strides = array<i32>} : memref<128x80xf32, #tpu.memory_space<vmem>>, vector<16xf32>,
          %eq3A_923 = arith.constant 1 : i32
          %eq3A_924 = vector.broadcast %eq3A_923 : i32 to vector<16xi32>
          %eq3A_925 = arith.cmpi eq, %iota3A, %eq3A_924 : vector<16xi32>
          %select_n3A_926 = arith.select %eq3A_925, %exp3A_918, %select_n3A_884 : vector<16xi1>, vector<16xf32>
          %get3A_927 = arith.index_cast %scan3A_825 : i32 to index
          %get3A_928 = arith.constant 32 : index
          %get3A_929 = tpu.vector_load %arg15[%get3A_927, %get3A_928] {strides = array<i32>} : memref<128x64xbf16, #tpu.memory_space<vmem>>, vector<32xbf16>,
          %unpack3A_930 = tpu.unpack_subelements %get3A_929, 0 {pack_format = #tpu.pack_format<interleaved>} : vector<32xbf16> -> vector<16xf32>
          %unpack3A_931 = tpu.unpack_subelements %get3A_929, 1 {pack_format = #tpu.pack_format<interleaved>} : vector<32xbf16> -> vector<16xf32>
          %get3A_932 = arith.index_cast %scan3A_825 : i32 to index
          %get3A_933 = arith.constant 32 : index
          %get3A_934 = tpu.vector_load %arg17[%get3A_932, %get3A_933] {strides = array<i32>} : memref<128x128xbf16, #tpu.memory_space<vmem>>, vector<32xbf16>,
          %unpack3A_935 = tpu.unpack_subelements %get3A_934, 0 {pack_format = #tpu.pack_format<interleaved>} : vector<32xbf16> -> vector<16xf32>
          %unpack3A_936 = tpu.unpack_subelements %get3A_934, 1 {pack_format = #tpu.pack_format<interleaved>} : vector<32xbf16> -> vector<16xf32>
          %get3A_937 = arith.index_cast %scan3A_825 : i32 to index
          %get3A_938 = arith.constant 96 : index
          %get3A_939 = tpu.vector_load %arg17[%get3A_937, %get3A_938] {strides = array<i32>} : memref<128x128xbf16, #tpu.memory_space<vmem>>, vector<32xbf16>,
          %unpack3A_940 = tpu.unpack_subelements %get3A_939, 0 {pack_format = #tpu.pack_format<interleaved>} : vector<32xbf16> -> vector<16xf32>
          %unpack3A_941 = tpu.unpack_subelements %get3A_939, 1 {pack_format = #tpu.pack_format<interleaved>} : vector<32xbf16> -> vector<16xf32>
          %mul3A_942 = arith.mulf %unpack3A_930, %unpack3A_935 : vector<16xf32>
          %xor3A_943 = arith.constant 8 : i32
          %xor3A_944 = vector.broadcast %xor3A_943 : i32 to vector<16xi32>
          %xor3A_945 = arith.xori %iota3A, %xor3A_944 : vector<16xi32>
          %broadcast_in_dim3A_946 = vector.shape_cast %xor3A_945 : vector<16xi32> to vector<16x1xi32>
          %gather3A_947 = vector.shape_cast %broadcast_in_dim3A_946 : vector<16x1xi32> to vector<16xi32>
          %gather3A_948 = tpu.dynamic_gather %mul3A_942[%gather3A_947] in [0] : vector<16xf32>, vector<16xi32> -> vector<16xf32>
          %add3A_949 = arith.addf %mul3A_942, %gather3A_948 : vector<16xf32>
          %xor3A_950 = arith.constant 4 : i32
          %xor3A_951 = vector.broadcast %xor3A_950 : i32 to vector<16xi32>
          %xor3A_952 = arith.xori %iota3A, %xor3A_951 : vector<16xi32>
          %broadcast_in_dim3A_953 = vector.shape_cast %xor3A_952 : vector<16xi32> to vector<16x1xi32>
          %gather3A_954 = vector.shape_cast %broadcast_in_dim3A_953 : vector<16x1xi32> to vector<16xi32>
          %gather3A_955 = tpu.dynamic_gather %add3A_949[%gather3A_954] in [0] : vector<16xf32>, vector<16xi32> -> vector<16xf32>
          %add3A_956 = arith.addf %add3A_949, %gather3A_955 : vector<16xf32>
          %xor3A_957 = arith.constant 2 : i32
          %xor3A_958 = vector.broadcast %xor3A_957 : i32 to vector<16xi32>
          %xor3A_959 = arith.xori %iota3A, %xor3A_958 : vector<16xi32>
          %broadcast_in_dim3A_960 = vector.shape_cast %xor3A_959 : vector<16xi32> to vector<16x1xi32>
          %gather3A_961 = vector.shape_cast %broadcast_in_dim3A_960 : vector<16x1xi32> to vector<16xi32>
          %gather3A_962 = tpu.dynamic_gather %add3A_956[%gather3A_961] in [0] : vector<16xf32>, vector<16xi32> -> vector<16xf32>
          %add3A_963 = arith.addf %add3A_956, %gather3A_962 : vector<16xf32>
          %xor3A_964 = arith.constant 1 : i32
          %xor3A_965 = vector.broadcast %xor3A_964 : i32 to vector<16xi32>
          %xor3A_966 = arith.xori %iota3A, %xor3A_965 : vector<16xi32>
          %broadcast_in_dim3A_967 = vector.shape_cast %xor3A_966 : vector<16xi32> to vector<16x1xi32>
          %gather3A_968 = vector.shape_cast %broadcast_in_dim3A_967 : vector<16x1xi32> to vector<16xi32>
          %gather3A_969 = tpu.dynamic_gather %add3A_963[%gather3A_968] in [0] : vector<16xf32>, vector<16xi32> -> vector<16xf32>
          %add3A_970 = arith.addf %add3A_963, %gather3A_969 : vector<16xf32>
          %slice3A_971 = vector.extract_strided_slice %get3A_180 {offsets = [2], sizes = [1], strides = [1]} : vector<16xf32> to vector<1xf32>
          %squeeze3A_972 = vector.extract %slice3A_971[0] : f32 from vector<1xf32>
          %sub3A_973 = vector.broadcast %squeeze3A_972 : f32 to vector<16xf32>
          %sub3A_974 = arith.subf %add3A_970, %sub3A_973 : vector<16xf32>
          %exp3A_975 = math.exp %sub3A_974 : vector<16xf32>
          %mul3A_976 = arith.mulf %unpack3A_940, %exp3A_975 : vector<16xf32>
          %swap3A_977 = arith.index_cast %scan3A_825 : i32 to index
          %swap3A_978 = arith.constant 32 : index
          %swap3A_979 = tpu.vector_load %arg19[%swap3A_977, %swap3A_978] {strides = array<i32>} : memref<128x80xf32, #tpu.memory_space<vmem>>, vector<16xf32>,
          tpu.vector_store %arg19[%swap3A_977, %swap3A_978], %mul3A_976 {strides = array<i32>} : memref<128x80xf32, #tpu.memory_space<vmem>>, vector<16xf32>,
          %eq3A_980 = arith.constant 2 : i32
          %eq3A_981 = vector.broadcast %eq3A_980 : i32 to vector<16xi32>
          %eq3A_982 = arith.cmpi eq, %iota3A, %eq3A_981 : vector<16xi32>
          %select_n3A_983 = arith.select %eq3A_982, %exp3A_975, %select_n3A_926 : vector<16xi1>, vector<16xf32>
          %mul3A_984 = arith.mulf %unpack3A_931, %unpack3A_936 : vector<16xf32>
          %xor3A_985 = arith.constant 8 : i32
          %xor3A_986 = vector.broadcast %xor3A_985 : i32 to vector<16xi32>
          %xor3A_987 = arith.xori %iota3A, %xor3A_986 : vector<16xi32>
          %broadcast_in_dim3A_988 = vector.shape_cast %xor3A_987 : vector<16xi32> to vector<16x1xi32>
          %gather3A_989 = vector.shape_cast %broadcast_in_dim3A_988 : vector<16x1xi32> to vector<16xi32>
          %gather3A_990 = tpu.dynamic_gather %mul3A_984[%gather3A_989] in [0] : vector<16xf32>, vector<16xi32> -> vector<16xf32>
          %add3A_991 = arith.addf %mul3A_984, %gather3A_990 : vector<16xf32>
          %xor3A_992 = arith.constant 4 : i32
          %xor3A_993 = vector.broadcast %xor3A_992 : i32 to vector<16xi32>
          %xor3A_994 = arith.xori %iota3A, %xor3A_993 : vector<16xi32>
          %broadcast_in_dim3A_995 = vector.shape_cast %xor3A_994 : vector<16xi32> to vector<16x1xi32>
          %gather3A_996 = vector.shape_cast %broadcast_in_dim3A_995 : vector<16x1xi32> to vector<16xi32>
          %gather3A_997 = tpu.dynamic_gather %add3A_991[%gather3A_996] in [0] : vector<16xf32>, vector<16xi32> -> vector<16xf32>
          %add3A_998 = arith.addf %add3A_991, %gather3A_997 : vector<16xf32>
          %xor3A_999 = arith.constant 2 : i32
          %xor3A_1000 = vector.broadcast %xor3A_999 : i32 to vector<16xi32>
          %xor3A_1001 = arith.xori %iota3A, %xor3A_1000 : vector<16xi32>
          %broadcast_in_dim3A_1002 = vector.shape_cast %xor3A_1001 : vector<16xi32> to vector<16x1xi32>
          %gather3A_1003 = vector.shape_cast %broadcast_in_dim3A_1002 : vector<16x1xi32> to vector<16xi32>
          %gather3A_1004 = tpu.dynamic_gather %add3A_998[%gather3A_1003] in [0] : vector<16xf32>, vector<16xi32> -> vector<16xf32>
          %add3A_1005 = arith.addf %add3A_998, %gather3A_1004 : vector<16xf32>
          %xor3A_1006 = arith.constant 1 : i32
          %xor3A_1007 = vector.broadcast %xor3A_1006 : i32 to vector<16xi32>
          %xor3A_1008 = arith.xori %iota3A, %xor3A_1007 : vector<16xi32>
          %broadcast_in_dim3A_1009 = vector.shape_cast %xor3A_1008 : vector<16xi32> to vector<16x1xi32>
          %gather3A_1010 = vector.shape_cast %broadcast_in_dim3A_1009 : vector<16x1xi32> to vector<16xi32>
          %gather3A_1011 = tpu.dynamic_gather %add3A_1005[%gather3A_1010] in [0] : vector<16xf32>, vector<16xi32> -> vector<16xf32>
          %add3A_1012 = arith.addf %add3A_1005, %gather3A_1011 : vector<16xf32>
          %slice3A_1013 = vector.extract_strided_slice %get3A_180 {offsets = [3], sizes = [1], strides = [1]} : vector<16xf32> to vector<1xf32>
          %squeeze3A_1014 = vector.extract %slice3A_1013[0] : f32 from vector<1xf32>
          %sub3A_1015 = vector.broadcast %squeeze3A_1014 : f32 to vector<16xf32>
          %sub3A_1016 = arith.subf %add3A_1012, %sub3A_1015 : vector<16xf32>
          %exp3A_1017 = math.exp %sub3A_1016 : vector<16xf32>
          %mul3A_1018 = arith.mulf %unpack3A_941, %exp3A_1017 : vector<16xf32>
          %swap3A_1019 = arith.index_cast %scan3A_825 : i32 to index
          %swap3A_1020 = arith.constant 48 : index
          %swap3A_1021 = tpu.vector_load %arg19[%swap3A_1019, %swap3A_1020] {strides = array<i32>} : memref<128x80xf32, #tpu.memory_space<vmem>>, vector<16xf32>,
          tpu.vector_store %arg19[%swap3A_1019, %swap3A_1020], %mul3A_1018 {strides = array<i32>} : memref<128x80xf32, #tpu.memory_space<vmem>>, vector<16xf32>,
          %eq3A_1022 = arith.constant 3 : i32
          %eq3A_1023 = vector.broadcast %eq3A_1022 : i32 to vector<16xi32>
          %eq3A_1024 = arith.cmpi eq, %iota3A, %eq3A_1023 : vector<16xi32>
          %select_n3A_1025 = arith.select %eq3A_1024, %exp3A_1017, %select_n3A_983 : vector<16xi1>, vector<16xf32>
          %swap3A_1026 = arith.index_cast %scan3A_825 : i32 to index
          %swap3A_1027 = arith.constant 64 : index
          %swap3A_1028 = tpu.vector_load %arg19[%swap3A_1026, %swap3A_1027] {strides = array<i32>} : memref<128x80xf32, #tpu.memory_space<vmem>>, vector<16xf32>,
          tpu.vector_store %arg19[%swap3A_1026, %swap3A_1027], %select_n3A_1025 {strides = array<i32>} : memref<128x80xf32, #tpu.memory_space<vmem>>, vector<16xf32>,
          %scan3A_1029 = arith.constant 0 : i32
          scf.yield %scan3A_1029 : i32
        }
        %scan3A_201 = arith.constant 128 : i32
        "tpu.region"() ({
          %run_scoped3A = tpu.sem_alloc : memref<!tpu.dma_semaphore, #tpu.memory_space<semaphore_mem>>
          %dma_start3A_215 = arith.constant 0 : i32
          %dma_start3A_216 = arith.constant 0 : i32
          %dma_start3A_217 = tpu.memref_slice %arg21[%dma_start3A_215, %dma_start3A_216] : memref<10240x80xf32, #tpu.memory_space<vmem_shared>> -> memref<10240x80xf32, #tpu.memory_space<vmem_shared>>
          tpu.enqueue_indirect_dma source(%arg19 : memref<128x80xf32, #tpu.memory_space<vmem>>) target(%dma_start3A_217 : memref<10240x80xf32, #tpu.memory_space<vmem_shared>>) offsets(%arg9 : memref<128xi32, #tpu.memory_space<vmem>>) semaphore(%run_scoped3A : memref<!tpu.dma_semaphore, #tpu.memory_space<semaphore_mem>>) {add = true}
          %dma_wait3A_218 = arith.constant 0 : i32
          %dma_wait3A_219 = arith.constant 0 : i32
          %dma_wait3A_220 = tpu.memref_slice %arg21[%dma_wait3A_218, %dma_wait3A_219] : memref<10240x80xf32, #tpu.memory_space<vmem_shared>> -> memref<10240x80xf32, #tpu.memory_space<vmem_shared>>
          tpu.wait_indirect_dma semaphore(%run_scoped3A : memref<!tpu.dma_semaphore, #tpu.memory_space<semaphore_mem>>) src(%arg19 : memref<128x80xf32, #tpu.memory_space<vmem>>) dst(%dma_wait3A_220 : memref<10240x80xf32, #tpu.memory_space<vmem_shared>>)
          tpu.yield
        }) : () -> ()
        %add3A_202 = arith.constant 1 : i32
        %add3A_203 = arith.addi %scan3A_176, %add3A_202 : i32
        %lt3A = arith.constant 182 : i32
        %lt3A_204 = arith.cmpi slt, %add3A_203, %lt3A : i32
        %convert_element_type3A_205 = arith.extui %lt3A_204 : i1 to i32
        %cond3A_206 = arith.constant 0 : i32
        %cond3A_207 = arith.cmpi ne, %convert_element_type3A_205, %cond3A_206 : i32
        scf.if %cond3A_207 {
          %dma_wait3A_215 = arith.constant 0 : i32
          %dma_wait3A_216 = arith.constant 0 : i32
          %dma_wait3A_217 = tpu.memref_slice %arg4[%arg1, %dma_wait3A_215, %dma_wait3A_216] : memref<16x182x128xi32, #tpu.memory_space<hbm>> -> memref<1x1x128xi32, #tpu.memory_space<hbm>>
          %dma_wait3A_218 = tpu.memref_squeeze %dma_wait3A_217 : memref<1x1x128xi32, #tpu.memory_space<hbm>> -> memref<128xi32, #tpu.memory_space<hbm>>
          %dma_wait3A_219 = arith.constant 0 : i32
          %dma_wait3A_220 = tpu.memref_slice %arg4[%arg1, %dma_wait3A_215, %dma_wait3A_219] : memref<16x182x128xi32, #tpu.memory_space<hbm>> -> memref<1x1x128xi32, #tpu.memory_space<hbm>>
          %dma_wait3A_221 = tpu.memref_squeeze %dma_wait3A_220 : memref<1x1x128xi32, #tpu.memory_space<hbm>> -> memref<128xi32, #tpu.memory_space<hbm>>
          tpu.wait_dma2 semaphore(%arg24 : memref<!tpu.dma_semaphore, #tpu.memory_space<semaphore_mem>>) src(%dma_wait3A_221 : memref<128xi32, #tpu.memory_space<hbm>>) dst(%arg10 : memref<128xi32, #tpu.memory_space<vmem>>)
          %dma_wait3A_222 = arith.constant 0 : i32
          %dma_wait3A_223 = arith.constant 0 : i32
          %dma_wait3A_224 = tpu.memref_slice %arg5[%arg1, %dma_wait3A_222, %dma_wait3A_223] : memref<16x182x128xi32, #tpu.memory_space<hbm>> -> memref<1x1x128xi32, #tpu.memory_space<hbm>>
          %dma_wait3A_225 = tpu.memref_squeeze %dma_wait3A_224 : memref<1x1x128xi32, #tpu.memory_space<hbm>> -> memref<128xi32, #tpu.memory_space<hbm>>
          %dma_wait3A_226 = arith.constant 0 : i32
          %dma_wait3A_227 = tpu.memref_slice %arg5[%arg1, %dma_wait3A_222, %dma_wait3A_226] : memref<16x182x128xi32, #tpu.memory_space<hbm>> -> memref<1x1x128xi32, #tpu.memory_space<hbm>>
          %dma_wait3A_228 = tpu.memref_squeeze %dma_wait3A_227 : memref<1x1x128xi32, #tpu.memory_space<hbm>> -> memref<128xi32, #tpu.memory_space<hbm>>
          tpu.wait_dma2 semaphore(%arg24 : memref<!tpu.dma_semaphore, #tpu.memory_space<semaphore_mem>>) src(%dma_wait3A_228 : memref<128xi32, #tpu.memory_space<hbm>>) dst(%arg8 : memref<128xi32, #tpu.memory_space<vmem>>)
          %get3A_229 = arith.constant 0 : index
          %get3A_230 = tpu.vector_load %arg10[%get3A_229] {strides = array<i32>} : memref<128xi32, #tpu.memory_space<vmem>>, vector<16xi32>,
          %add3A_231 = vector.broadcast %mul3A_17 : i32 to vector<16xi32>
          %add3A_232 = arith.addi %get3A_230, %add3A_231 : vector<16xi32>
          %swap3A_233 = arith.constant 0 : index
          %swap3A_234 = tpu.vector_load %arg10[%swap3A_233] {strides = array<i32>} : memref<128xi32, #tpu.memory_space<vmem>>, vector<16xi32>,
          tpu.vector_store %arg10[%swap3A_233], %add3A_232 {strides = array<i32>} : memref<128xi32, #tpu.memory_space<vmem>>, vector<16xi32>,
          %get3A_235 = arith.constant 0 : index
          %get3A_236 = tpu.vector_load %arg8[%get3A_235] {strides = array<i32>} : memref<128xi32, #tpu.memory_space<vmem>>, vector<16xi32>,
          %add3A_237 = vector.broadcast %mul3A_17 : i32 to vector<16xi32>
          %add3A_238 = arith.addi %get3A_236, %add3A_237 : vector<16xi32>
          %swap3A_239 = arith.constant 0 : index
          %swap3A_240 = tpu.vector_load %arg12[%swap3A_239] {strides = array<i32>} : memref<128xi32, #tpu.memory_space<vmem>>, vector<16xi32>,
          tpu.vector_store %arg12[%swap3A_239], %add3A_238 {strides = array<i32>} : memref<128xi32, #tpu.memory_space<vmem>>, vector<16xi32>,
          %get3A_241 = arith.constant 16 : index
          %get3A_242 = tpu.vector_load %arg10[%get3A_241] {strides = array<i32>} : memref<128xi32, #tpu.memory_space<vmem>>, vector<16xi32>,
          %add3A_243 = vector.broadcast %mul3A_17 : i32 to vector<16xi32>
          %add3A_244 = arith.addi %get3A_242, %add3A_243 : vector<16xi32>
          %swap3A_245 = arith.constant 16 : index
          %swap3A_246 = tpu.vector_load %arg10[%swap3A_245] {strides = array<i32>} : memref<128xi32, #tpu.memory_space<vmem>>, vector<16xi32>,
          tpu.vector_store %arg10[%swap3A_245], %add3A_244 {strides = array<i32>} : memref<128xi32, #tpu.memory_space<vmem>>, vector<16xi32>,
          %get3A_247 = arith.constant 16 : index
          %get3A_248 = tpu.vector_load %arg8[%get3A_247] {strides = array<i32>} : memref<128xi32, #tpu.memory_space<vmem>>, vector<16xi32>,
          %add3A_249 = vector.broadcast %mul3A_17 : i32 to vector<16xi32>
          %add3A_250 = arith.addi %get3A_248, %add3A_249 : vector<16xi32>
          %swap3A_251 = arith.constant 16 : index
          %swap3A_252 = tpu.vector_load %arg12[%swap3A_251] {strides = array<i32>} : memref<128xi32, #tpu.memory_space<vmem>>, vector<16xi32>,
          tpu.vector_store %arg12[%swap3A_251], %add3A_250 {strides = array<i32>} : memref<128xi32, #tpu.memory_space<vmem>>, vector<16xi32>,
          %get3A_253 = arith.constant 32 : index
          %get3A_254 = tpu.vector_load %arg10[%get3A_253] {strides = array<i32>} : memref<128xi32, #tpu.memory_space<vmem>>, vector<16xi32>,
          %add3A_255 = vector.broadcast %mul3A_17 : i32 to vector<16xi32>
          %add3A_256 = arith.addi %get3A_254, %add3A_255 : vector<16xi32>
          %swap3A_257 = arith.constant 32 : index
          %swap3A_258 = tpu.vector_load %arg10[%swap3A_257] {strides = array<i32>} : memref<128xi32, #tpu.memory_space<vmem>>, vector<16xi32>,
          tpu.vector_store %arg10[%swap3A_257], %add3A_256 {strides = array<i32>} : memref<128xi32, #tpu.memory_space<vmem>>, vector<16xi32>,
          %get3A_259 = arith.constant 32 : index
          %get3A_260 = tpu.vector_load %arg8[%get3A_259] {strides = array<i32>} : memref<128xi32, #tpu.memory_space<vmem>>, vector<16xi32>,
          %add3A_261 = vector.broadcast %mul3A_17 : i32 to vector<16xi32>
          %add3A_262 = arith.addi %get3A_260, %add3A_261 : vector<16xi32>
          %swap3A_263 = arith.constant 32 : index
          %swap3A_264 = tpu.vector_load %arg12[%swap3A_263] {strides = array<i32>} : memref<128xi32, #tpu.memory_space<vmem>>, vector<16xi32>,
          tpu.vector_store %arg12[%swap3A_263], %add3A_262 {strides = array<i32>} : memref<128xi32, #tpu.memory_space<vmem>>, vector<16xi32>,
          %get3A_265 = arith.constant 48 : index
          %get3A_266 = tpu.vector_load %arg10[%get3A_265] {strides = array<i32>} : memref<128xi32, #tpu.memory_space<vmem>>, vector<16xi32>,
          %add3A_267 = vector.broadcast %mul3A_17 : i32 to vector<16xi32>
          %add3A_268 = arith.addi %get3A_266, %add3A_267 : vector<16xi32>
          %swap3A_269 = arith.constant 48 : index
          %swap3A_270 = tpu.vector_load %arg10[%swap3A_269] {strides = array<i32>} : memref<128xi32, #tpu.memory_space<vmem>>, vector<16xi32>,
          tpu.vector_store %arg10[%swap3A_269], %add3A_268 {strides = array<i32>} : memref<128xi32, #tpu.memory_space<vmem>>, vector<16xi32>,
          %get3A_271 = arith.constant 48 : index
          %get3A_272 = tpu.vector_load %arg8[%get3A_271] {strides = array<i32>} : memref<128xi32, #tpu.memory_space<vmem>>, vector<16xi32>,
          %add3A_273 = vector.broadcast %mul3A_17 : i32 to vector<16xi32>
          %add3A_274 = arith.addi %get3A_272, %add3A_273 : vector<16xi32>
          %swap3A_275 = arith.constant 48 : index
          %swap3A_276 = tpu.vector_load %arg12[%swap3A_275] {strides = array<i32>} : memref<128xi32, #tpu.memory_space<vmem>>, vector<16xi32>,
          tpu.vector_store %arg12[%swap3A_275], %add3A_274 {strides = array<i32>} : memref<128xi32, #tpu.memory_space<vmem>>, vector<16xi32>,
          %get3A_277 = arith.constant 64 : index
          %get3A_278 = tpu.vector_load %arg10[%get3A_277] {strides = array<i32>} : memref<128xi32, #tpu.memory_space<vmem>>, vector<16xi32>,
          %add3A_279 = vector.broadcast %mul3A_17 : i32 to vector<16xi32>
          %add3A_280 = arith.addi %get3A_278, %add3A_279 : vector<16xi32>
          %swap3A_281 = arith.constant 64 : index
          %swap3A_282 = tpu.vector_load %arg10[%swap3A_281] {strides = array<i32>} : memref<128xi32, #tpu.memory_space<vmem>>, vector<16xi32>,
          tpu.vector_store %arg10[%swap3A_281], %add3A_280 {strides = array<i32>} : memref<128xi32, #tpu.memory_space<vmem>>, vector<16xi32>,
          %get3A_283 = arith.constant 64 : index
          %get3A_284 = tpu.vector_load %arg8[%get3A_283] {strides = array<i32>} : memref<128xi32, #tpu.memory_space<vmem>>, vector<16xi32>,
          %add3A_285 = vector.broadcast %mul3A_17 : i32 to vector<16xi32>
          %add3A_286 = arith.addi %get3A_284, %add3A_285 : vector<16xi32>
          %swap3A_287 = arith.constant 64 : index
          %swap3A_288 = tpu.vector_load %arg12[%swap3A_287] {strides = array<i32>} : memref<128xi32, #tpu.memory_space<vmem>>, vector<16xi32>,
          tpu.vector_store %arg12[%swap3A_287], %add3A_286 {strides = array<i32>} : memref<128xi32, #tpu.memory_space<vmem>>, vector<16xi32>,
          %get3A_289 = arith.constant 80 : index
          %get3A_290 = tpu.vector_load %arg10[%get3A_289] {strides = array<i32>} : memref<128xi32, #tpu.memory_space<vmem>>, vector<16xi32>,
          %add3A_291 = vector.broadcast %mul3A_17 : i32 to vector<16xi32>
          %add3A_292 = arith.addi %get3A_290, %add3A_291 : vector<16xi32>
          %swap3A_293 = arith.constant 80 : index
          %swap3A_294 = tpu.vector_load %arg10[%swap3A_293] {strides = array<i32>} : memref<128xi32, #tpu.memory_space<vmem>>, vector<16xi32>,
          tpu.vector_store %arg10[%swap3A_293], %add3A_292 {strides = array<i32>} : memref<128xi32, #tpu.memory_space<vmem>>, vector<16xi32>,
          %get3A_295 = arith.constant 80 : index
          %get3A_296 = tpu.vector_load %arg8[%get3A_295] {strides = array<i32>} : memref<128xi32, #tpu.memory_space<vmem>>, vector<16xi32>,
          %add3A_297 = vector.broadcast %mul3A_17 : i32 to vector<16xi32>
          %add3A_298 = arith.addi %get3A_296, %add3A_297 : vector<16xi32>
          %swap3A_299 = arith.constant 80 : index
          %swap3A_300 = tpu.vector_load %arg12[%swap3A_299] {strides = array<i32>} : memref<128xi32, #tpu.memory_space<vmem>>, vector<16xi32>,
          tpu.vector_store %arg12[%swap3A_299], %add3A_298 {strides = array<i32>} : memref<128xi32, #tpu.memory_space<vmem>>, vector<16xi32>,
          %get3A_301 = arith.constant 96 : index
          %get3A_302 = tpu.vector_load %arg10[%get3A_301] {strides = array<i32>} : memref<128xi32, #tpu.memory_space<vmem>>, vector<16xi32>,
          %add3A_303 = vector.broadcast %mul3A_17 : i32 to vector<16xi32>
          %add3A_304 = arith.addi %get3A_302, %add3A_303 : vector<16xi32>
          %swap3A_305 = arith.constant 96 : index
          %swap3A_306 = tpu.vector_load %arg10[%swap3A_305] {strides = array<i32>} : memref<128xi32, #tpu.memory_space<vmem>>, vector<16xi32>,
          tpu.vector_store %arg10[%swap3A_305], %add3A_304 {strides = array<i32>} : memref<128xi32, #tpu.memory_space<vmem>>, vector<16xi32>,
          %get3A_307 = arith.constant 96 : index
          %get3A_308 = tpu.vector_load %arg8[%get3A_307] {strides = array<i32>} : memref<128xi32, #tpu.memory_space<vmem>>, vector<16xi32>,
          %add3A_309 = vector.broadcast %mul3A_17 : i32 to vector<16xi32>
          %add3A_310 = arith.addi %get3A_308, %add3A_309 : vector<16xi32>
          %swap3A_311 = arith.constant 96 : index
          %swap3A_312 = tpu.vector_load %arg12[%swap3A_311] {strides = array<i32>} : memref<128xi32, #tpu.memory_space<vmem>>, vector<16xi32>,
          tpu.vector_store %arg12[%swap3A_311], %add3A_310 {strides = array<i32>} : memref<128xi32, #tpu.memory_space<vmem>>, vector<16xi32>,
          %get3A_313 = arith.constant 112 : index
          %get3A_314 = tpu.vector_load %arg10[%get3A_313] {strides = array<i32>} : memref<128xi32, #tpu.memory_space<vmem>>, vector<16xi32>,
          %add3A_315 = vector.broadcast %mul3A_17 : i32 to vector<16xi32>
          %add3A_316 = arith.addi %get3A_314, %add3A_315 : vector<16xi32>
          %swap3A_317 = arith.constant 112 : index
          %swap3A_318 = tpu.vector_load %arg10[%swap3A_317] {strides = array<i32>} : memref<128xi32, #tpu.memory_space<vmem>>, vector<16xi32>,
          tpu.vector_store %arg10[%swap3A_317], %add3A_316 {strides = array<i32>} : memref<128xi32, #tpu.memory_space<vmem>>, vector<16xi32>,
          %get3A_319 = arith.constant 112 : index
          %get3A_320 = tpu.vector_load %arg8[%get3A_319] {strides = array<i32>} : memref<128xi32, #tpu.memory_space<vmem>>, vector<16xi32>,
          %add3A_321 = vector.broadcast %mul3A_17 : i32 to vector<16xi32>
          %add3A_322 = arith.addi %get3A_320, %add3A_321 : vector<16xi32>
          %swap3A_323 = arith.constant 112 : index
          %swap3A_324 = tpu.vector_load %arg12[%swap3A_323] {strides = array<i32>} : memref<128xi32, #tpu.memory_space<vmem>>, vector<16xi32>,
          tpu.vector_store %arg12[%swap3A_323], %add3A_322 {strides = array<i32>} : memref<128xi32, #tpu.memory_space<vmem>>, vector<16xi32>,
          %dma_start3A_325 = arith.constant 0 : i32
          %dma_start3A_326 = arith.constant 0 : i32
          %dma_start3A_327 = tpu.memref_slice %arg2[%dma_start3A_325, %dma_start3A_326] : memref<20512x64xbf16, #tpu.memory_space<hbm>> -> memref<20512x64xbf16, #tpu.memory_space<hbm>>
          tpu.enqueue_indirect_dma source(%dma_start3A_327 : memref<20512x64xbf16, #tpu.memory_space<hbm>>) target(%arg14 : memref<128x64xbf16, #tpu.memory_space<vmem>>) offsets(%arg12 : memref<128xi32, #tpu.memory_space<vmem>>) semaphore(%arg22 : memref<!tpu.dma_semaphore, #tpu.memory_space<semaphore_mem>>)
          %dma_start3A_328 = arith.constant 0 : i32
          %dma_start3A_329 = arith.constant 0 : i32
          %dma_start3A_330 = tpu.memref_slice %arg3[%dma_start3A_328, %dma_start3A_329] : memref<20512x128xbf16, #tpu.memory_space<hbm>> -> memref<20512x128xbf16, #tpu.memory_space<hbm>>
          tpu.enqueue_indirect_dma source(%dma_start3A_330 : memref<20512x128xbf16, #tpu.memory_space<hbm>>) target(%arg16 : memref<128x128xbf16, #tpu.memory_space<vmem>>) offsets(%arg10 : memref<128xi32, #tpu.memory_space<vmem>>) semaphore(%arg22 : memref<!tpu.dma_semaphore, #tpu.memory_space<semaphore_mem>>)
        } else {
        }
        %add3A_208 = arith.constant 2 : i32
        %add3A_209 = arith.addi %scan3A_176, %add3A_208 : i32
        %lt3A_210 = arith.constant 182 : i32
        %lt3A_211 = arith.cmpi slt, %add3A_209, %lt3A_210 : i32
        %convert_element_type3A_212 = arith.extui %lt3A_211 : i1 to i32
        %cond3A_213 = arith.constant 0 : i32
        %cond3A_214 = arith.cmpi ne, %convert_element_type3A_212, %cond3A_213 : i32
        scf.if %cond3A_214 {
          %add3A_215 = arith.constant 2 : i32
          %add3A_216 = arith.addi %scan3A_176, %add3A_215 : i32
          %dma_start3A_217 = arith.constant 0 : i32
          %dma_start3A_218 = tpu.memref_slice %arg4[%arg1, %add3A_216, %dma_start3A_217] : memref<16x182x128xi32, #tpu.memory_space<hbm>> -> memref<1x1x128xi32, #tpu.memory_space<hbm>>
          %dma_start3A_219 = tpu.memref_squeeze %dma_start3A_218 : memref<1x1x128xi32, #tpu.memory_space<hbm>> -> memref<128xi32, #tpu.memory_space<hbm>>
          %dma_start3A_220 = arith.constant 0 : i32
          %dma_start3A_221 = tpu.memref_slice %arg4[%arg1, %add3A_216, %dma_start3A_220] : memref<16x182x128xi32, #tpu.memory_space<hbm>> -> memref<1x1x128xi32, #tpu.memory_space<hbm>>
          %dma_start3A_222 = tpu.memref_squeeze %dma_start3A_221 : memref<1x1x128xi32, #tpu.memory_space<hbm>> -> memref<128xi32, #tpu.memory_space<hbm>>
          tpu.enqueue_dma source(%dma_start3A_222 : memref<128xi32, #tpu.memory_space<hbm>>) target(%arg11 : memref<128xi32, #tpu.memory_space<vmem>>) target_semaphore(%arg25 : memref<!tpu.dma_semaphore, #tpu.memory_space<semaphore_mem>>)
          %dma_start3A_223 = arith.constant 0 : i32
          %dma_start3A_224 = tpu.memref_slice %arg5[%arg1, %add3A_216, %dma_start3A_223] : memref<16x182x128xi32, #tpu.memory_space<hbm>> -> memref<1x1x128xi32, #tpu.memory_space<hbm>>
          %dma_start3A_225 = tpu.memref_squeeze %dma_start3A_224 : memref<1x1x128xi32, #tpu.memory_space<hbm>> -> memref<128xi32, #tpu.memory_space<hbm>>
          %dma_start3A_226 = arith.constant 0 : i32
          %dma_start3A_227 = tpu.memref_slice %arg5[%arg1, %add3A_216, %dma_start3A_226] : memref<16x182x128xi32, #tpu.memory_space<hbm>> -> memref<1x1x128xi32, #tpu.memory_space<hbm>>
          %dma_start3A_228 = tpu.memref_squeeze %dma_start3A_227 : memref<1x1x128xi32, #tpu.memory_space<hbm>> -> memref<128xi32, #tpu.memory_space<hbm>>
          tpu.enqueue_dma source(%dma_start3A_228 : memref<128xi32, #tpu.memory_space<hbm>>) target(%arg9 : memref<128xi32, #tpu.memory_space<vmem>>) target_semaphore(%arg25 : memref<!tpu.dma_semaphore, #tpu.memory_space<semaphore_mem>>)
        } else {
        }
      } else {
      }
      %scan3A_188 = arith.constant 0 : i32
      scf.yield %scan3A_188 : i32
    }
    %scan3A_164 = arith.constant 182 : i32
    %barrier3A_165 = arith.constant 0 : index
    tpu.barrier barrier_id(%barrier3A_165)
    %add3A_166 = arith.constant 0 : i32
    %add3A_167 = arith.addi %mul3A_6, %add3A_166 : i32
    "tpu.region"() ({
      %run_scoped3A = tpu.sem_alloc : memref<!tpu.dma_semaphore, #tpu.memory_space<semaphore_mem>>
      %dma_start3A_176 = arith.constant 0 : i32
      %dma_start3A_177 = tpu.memref_slice %arg21[%add3A_167, %dma_start3A_176] : memref<10240x80xf32, #tpu.memory_space<vmem_shared>> -> memref<128x80xf32, #tpu.memory_space<vmem_shared>>
      %dma_start3A_178 = arith.constant 0 : i32
      %dma_start3A_179 = tpu.memref_slice %arg21[%add3A_167, %dma_start3A_178] : memref<10240x80xf32, #tpu.memory_space<vmem_shared>> -> memref<128x80xf32, #tpu.memory_space<vmem_shared>>
      tpu.enqueue_dma source(%dma_start3A_179 : memref<128x80xf32, #tpu.memory_space<vmem_shared>>) target(%arg18 : memref<128x80xf32, #tpu.memory_space<vmem>>) target_semaphore(%run_scoped3A : memref<!tpu.dma_semaphore, #tpu.memory_space<semaphore_mem>>)
      %dma_wait3A_180 = arith.constant 0 : i32
      %dma_wait3A_181 = tpu.memref_slice %arg21[%add3A_167, %dma_wait3A_180] : memref<10240x80xf32, #tpu.memory_space<vmem_shared>> -> memref<128x80xf32, #tpu.memory_space<vmem_shared>>
      %dma_wait3A_182 = arith.constant 0 : i32
      %dma_wait3A_183 = tpu.memref_slice %arg21[%add3A_167, %dma_wait3A_182] : memref<10240x80xf32, #tpu.memory_space<vmem_shared>> -> memref<128x80xf32, #tpu.memory_space<vmem_shared>>
      tpu.wait_dma2 semaphore(%run_scoped3A : memref<!tpu.dma_semaphore, #tpu.memory_space<semaphore_mem>>) src(%dma_wait3A_183 : memref<128x80xf32, #tpu.memory_space<vmem_shared>>) dst(%arg18 : memref<128x80xf32, #tpu.memory_space<vmem>>)
      tpu.yield
    }) : () -> ()
    "tpu.region"() ({
      %run_scoped3A = tpu.sem_alloc : memref<!tpu.dma_semaphore, #tpu.memory_space<semaphore_mem>>
      %dma_start3A_176 = arith.constant 0 : i32
      %dma_start3A_177 = tpu.memref_slice %arg7[%arg0, %add3A_167, %dma_start3A_176] : memref<2x10240x80xf32, #tpu.memory_space<hbm>> -> memref<1x128x80xf32, #tpu.memory_space<hbm>>
      %dma_start3A_178 = tpu.memref_squeeze %dma_start3A_177 : memref<1x128x80xf32, #tpu.memory_space<hbm>> -> memref<128x80xf32, #tpu.memory_space<hbm>>
      %dma_start3A_179 = arith.constant 0 : i32
      %dma_start3A_180 = tpu.memref_slice %arg7[%arg0, %add3A_167, %dma_start3A_179] : memref<2x10240x80xf32, #tpu.memory_space<hbm>> -> memref<1x128x80xf32, #tpu.memory_space<hbm>>
      %dma_start3A_181 = tpu.memref_squeeze %dma_start3A_180 : memref<1x128x80xf32, #tpu.memory_space<hbm>> -> memref<128x80xf32, #tpu.memory_space<hbm>>
      tpu.enqueue_dma source(%arg18 : memref<128x80xf32, #tpu.memory_space<vmem>>) target(%dma_start3A_181 : memref<128x80xf32, #tpu.memory_space<hbm>>) target_semaphore(%run_scoped3A : memref<!tpu.dma_semaphore, #tpu.memory_space<semaphore_mem>>)
      %dma_wait3A_182 = arith.constant 0 : i32
      %dma_wait3A_183 = tpu.memref_slice %arg7[%arg0, %add3A_167, %dma_wait3A_182] : memref<2x10240x80xf32, #tpu.memory_space<hbm>> -> memref<1x128x80xf32, #tpu.memory_space<hbm>>
      %dma_wait3A_184 = tpu.memref_squeeze %dma_wait3A_183 : memref<1x128x80xf32, #tpu.memory_space<hbm>> -> memref<128x80xf32, #tpu.memory_space<hbm>>
      %dma_wait3A_185 = arith.constant 0 : i32
      %dma_wait3A_186 = tpu.memref_slice %arg7[%arg0, %add3A_167, %dma_wait3A_185] : memref<2x10240x80xf32, #tpu.memory_space<hbm>> -> memref<1x128x80xf32, #tpu.memory_space<hbm>>
      %dma_wait3A_187 = tpu.memref_squeeze %dma_wait3A_186 : memref<1x128x80xf32, #tpu.memory_space<hbm>> -> memref<128x80xf32, #tpu.memory_space<hbm>>
      tpu.wait_dma2 semaphore(%run_scoped3A : memref<!tpu.dma_semaphore, #tpu.memory_space<semaphore_mem>>) src(%arg18 : memref<128x80xf32, #tpu.memory_space<vmem>>) dst(%dma_wait3A_187 : memref<128x80xf32, #tpu.memory_space<hbm>>)
      tpu.yield
    }) : () -> ()
    %add3A_168 = arith.constant 128 : i32
    %add3A_169 = arith.addi %mul3A_6, %add3A_168 : i32
    "tpu.region"() ({
      %run_scoped3A = tpu.sem_alloc : memref<!tpu.dma_semaphore, #tpu.memory_space<semaphore_mem>>
      %dma_start3A_176 = arith.constant 0 : i32
      %dma_start3A_177 = tpu.memref_slice %arg21[%add3A_169, %dma_start3A_176] : memref<10240x80xf32, #tpu.memory_space<vmem_shared>> -> memref<128x80xf32, #tpu.memory_space<vmem_shared>>
      %dma_start3A_178 = arith.constant 0 : i32
      %dma_start3A_179 = tpu.memref_slice %arg21[%add3A_169, %dma_start3A_178] : memref<10240x80xf32, #tpu.memory_space<vmem_shared>> -> memref<128x80xf32, #tpu.memory_space<vmem_shared>>
      tpu.enqueue_dma source(%dma_start3A_179 : memref<128x80xf32, #tpu.memory_space<vmem_shared>>) target(%arg18 : memref<128x80xf32, #tpu.memory_space<vmem>>) target_semaphore(%run_scoped3A : memref<!tpu.dma_semaphore, #tpu.memory_space<semaphore_mem>>)
      %dma_wait3A_180 = arith.constant 0 : i32
      %dma_wait3A_181 = tpu.memref_slice %arg21[%add3A_169, %dma_wait3A_180] : memref<10240x80xf32, #tpu.memory_space<vmem_shared>> -> memref<128x80xf32, #tpu.memory_space<vmem_shared>>
      %dma_wait3A_182 = arith.constant 0 : i32
      %dma_wait3A_183 = tpu.memref_slice %arg21[%add3A_169, %dma_wait3A_182] : memref<10240x80xf32, #tpu.memory_space<vmem_shared>> -> memref<128x80xf32, #tpu.memory_space<vmem_shared>>
      tpu.wait_dma2 semaphore(%run_scoped3A : memref<!tpu.dma_semaphore, #tpu.memory_space<semaphore_mem>>) src(%dma_wait3A_183 : memref<128x80xf32, #tpu.memory_space<vmem_shared>>) dst(%arg18 : memref<128x80xf32, #tpu.memory_space<vmem>>)
      tpu.yield
    }) : () -> ()
    "tpu.region"() ({
      %run_scoped3A = tpu.sem_alloc : memref<!tpu.dma_semaphore, #tpu.memory_space<semaphore_mem>>
      %dma_start3A_176 = arith.constant 0 : i32
      %dma_start3A_177 = tpu.memref_slice %arg7[%arg0, %add3A_169, %dma_start3A_176] : memref<2x10240x80xf32, #tpu.memory_space<hbm>> -> memref<1x128x80xf32, #tpu.memory_space<hbm>>
      %dma_start3A_178 = tpu.memref_squeeze %dma_start3A_177 : memref<1x128x80xf32, #tpu.memory_space<hbm>> -> memref<128x80xf32, #tpu.memory_space<hbm>>
      %dma_start3A_179 = arith.constant 0 : i32
      %dma_start3A_180 = tpu.memref_slice %arg7[%arg0, %add3A_169, %dma_start3A_179] : memref<2x10240x80xf32, #tpu.memory_space<hbm>> -> memref<1x128x80xf32, #tpu.memory_space<hbm>>
      %dma_start3A_181 = tpu.memref_squeeze %dma_start3A_180 : memref<1x128x80xf32, #tpu.memory_space<hbm>> -> memref<128x80xf32, #tpu.memory_space<hbm>>
      tpu.enqueue_dma source(%arg18 : memref<128x80xf32, #tpu.memory_space<vmem>>) target(%dma_start3A_181 : memref<128x80xf32, #tpu.memory_space<hbm>>) target_semaphore(%run_scoped3A : memref<!tpu.dma_semaphore, #tpu.memory_space<semaphore_mem>>)
      %dma_wait3A_182 = arith.constant 0 : i32
      %dma_wait3A_183 = tpu.memref_slice %arg7[%arg0, %add3A_169, %dma_wait3A_182] : memref<2x10240x80xf32, #tpu.memory_space<hbm>> -> memref<1x128x80xf32, #tpu.memory_space<hbm>>
      %dma_wait3A_184 = tpu.memref_squeeze %dma_wait3A_183 : memref<1x128x80xf32, #tpu.memory_space<hbm>> -> memref<128x80xf32, #tpu.memory_space<hbm>>
      %dma_wait3A_185 = arith.constant 0 : i32
      %dma_wait3A_186 = tpu.memref_slice %arg7[%arg0, %add3A_169, %dma_wait3A_185] : memref<2x10240x80xf32, #tpu.memory_space<hbm>> -> memref<1x128x80xf32, #tpu.memory_space<hbm>>
      %dma_wait3A_187 = tpu.memref_squeeze %dma_wait3A_186 : memref<1x128x80xf32, #tpu.memory_space<hbm>> -> memref<128x80xf32, #tpu.memory_space<hbm>>
      tpu.wait_dma2 semaphore(%run_scoped3A : memref<!tpu.dma_semaphore, #tpu.memory_space<semaphore_mem>>) src(%arg18 : memref<128x80xf32, #tpu.memory_space<vmem>>) dst(%dma_wait3A_187 : memref<128x80xf32, #tpu.memory_space<hbm>>)
      tpu.yield
    }) : () -> ()
    %add3A_170 = arith.constant 256 : i32
    %add3A_171 = arith.addi %mul3A_6, %add3A_170 : i32
    "tpu.region"() ({
      %run_scoped3A = tpu.sem_alloc : memref<!tpu.dma_semaphore, #tpu.memory_space<semaphore_mem>>
      %dma_start3A_176 = arith.constant 0 : i32
      %dma_start3A_177 = tpu.memref_slice %arg21[%add3A_171, %dma_start3A_176] : memref<10240x80xf32, #tpu.memory_space<vmem_shared>> -> memref<128x80xf32, #tpu.memory_space<vmem_shared>>
      %dma_start3A_178 = arith.constant 0 : i32
      %dma_start3A_179 = tpu.memref_slice %arg21[%add3A_171, %dma_start3A_178] : memref<10240x80xf32, #tpu.memory_space<vmem_shared>> -> memref<128x80xf32, #tpu.memory_space<vmem_shared>>
      tpu.enqueue_dma source(%dma_start3A_179 : memref<128x80xf32, #tpu.memory_space<vmem_shared>>) target(%arg18 : memref<128x80xf32, #tpu.memory_space<vmem>>) target_semaphore(%run_scoped3A : memref<!tpu.dma_semaphore, #tpu.memory_space<semaphore_mem>>)
      %dma_wait3A_180 = arith.constant 0 : i32
      %dma_wait3A_181 = tpu.memref_slice %arg21[%add3A_171, %dma_wait3A_180] : memref<10240x80xf32, #tpu.memory_space<vmem_shared>> -> memref<128x80xf32, #tpu.memory_space<vmem_shared>>
      %dma_wait3A_182 = arith.constant 0 : i32
      %dma_wait3A_183 = tpu.memref_slice %arg21[%add3A_171, %dma_wait3A_182] : memref<10240x80xf32, #tpu.memory_space<vmem_shared>> -> memref<128x80xf32, #tpu.memory_space<vmem_shared>>
      tpu.wait_dma2 semaphore(%run_scoped3A : memref<!tpu.dma_semaphore, #tpu.memory_space<semaphore_mem>>) src(%dma_wait3A_183 : memref<128x80xf32, #tpu.memory_space<vmem_shared>>) dst(%arg18 : memref<128x80xf32, #tpu.memory_space<vmem>>)
      tpu.yield
    }) : () -> ()
    "tpu.region"() ({
      %run_scoped3A = tpu.sem_alloc : memref<!tpu.dma_semaphore, #tpu.memory_space<semaphore_mem>>
      %dma_start3A_176 = arith.constant 0 : i32
      %dma_start3A_177 = tpu.memref_slice %arg7[%arg0, %add3A_171, %dma_start3A_176] : memref<2x10240x80xf32, #tpu.memory_space<hbm>> -> memref<1x128x80xf32, #tpu.memory_space<hbm>>
      %dma_start3A_178 = tpu.memref_squeeze %dma_start3A_177 : memref<1x128x80xf32, #tpu.memory_space<hbm>> -> memref<128x80xf32, #tpu.memory_space<hbm>>
      %dma_start3A_179 = arith.constant 0 : i32
      %dma_start3A_180 = tpu.memref_slice %arg7[%arg0, %add3A_171, %dma_start3A_179] : memref<2x10240x80xf32, #tpu.memory_space<hbm>> -> memref<1x128x80xf32, #tpu.memory_space<hbm>>
      %dma_start3A_181 = tpu.memref_squeeze %dma_start3A_180 : memref<1x128x80xf32, #tpu.memory_space<hbm>> -> memref<128x80xf32, #tpu.memory_space<hbm>>
      tpu.enqueue_dma source(%arg18 : memref<128x80xf32, #tpu.memory_space<vmem>>) target(%dma_start3A_181 : memref<128x80xf32, #tpu.memory_space<hbm>>) target_semaphore(%run_scoped3A : memref<!tpu.dma_semaphore, #tpu.memory_space<semaphore_mem>>)
      %dma_wait3A_182 = arith.constant 0 : i32
      %dma_wait3A_183 = tpu.memref_slice %arg7[%arg0, %add3A_171, %dma_wait3A_182] : memref<2x10240x80xf32, #tpu.memory_space<hbm>> -> memref<1x128x80xf32, #tpu.memory_space<hbm>>
      %dma_wait3A_184 = tpu.memref_squeeze %dma_wait3A_183 : memref<1x128x80xf32, #tpu.memory_space<hbm>> -> memref<128x80xf32, #tpu.memory_space<hbm>>
      %dma_wait3A_185 = arith.constant 0 : i32
      %dma_wait3A_186 = tpu.memref_slice %arg7[%arg0, %add3A_171, %dma_wait3A_185] : memref<2x10240x80xf32, #tpu.memory_space<hbm>> -> memref<1x128x80xf32, #tpu.memory_space<hbm>>
      %dma_wait3A_187 = tpu.memref_squeeze %dma_wait3A_186 : memref<1x128x80xf32, #tpu.memory_space<hbm>> -> memref<128x80xf32, #tpu.memory_space<hbm>>
      tpu.wait_dma2 semaphore(%run_scoped3A : memref<!tpu.dma_semaphore, #tpu.memory_space<semaphore_mem>>) src(%arg18 : memref<128x80xf32, #tpu.memory_space<vmem>>) dst(%dma_wait3A_187 : memref<128x80xf32, #tpu.memory_space<hbm>>)
      tpu.yield
    }) : () -> ()
    %add3A_172 = arith.constant 384 : i32
    %add3A_173 = arith.addi %mul3A_6, %add3A_172 : i32
    "tpu.region"() ({
      %run_scoped3A = tpu.sem_alloc : memref<!tpu.dma_semaphore, #tpu.memory_space<semaphore_mem>>
      %dma_start3A_176 = arith.constant 0 : i32
      %dma_start3A_177 = tpu.memref_slice %arg21[%add3A_173, %dma_start3A_176] : memref<10240x80xf32, #tpu.memory_space<vmem_shared>> -> memref<128x80xf32, #tpu.memory_space<vmem_shared>>
      %dma_start3A_178 = arith.constant 0 : i32
      %dma_start3A_179 = tpu.memref_slice %arg21[%add3A_173, %dma_start3A_178] : memref<10240x80xf32, #tpu.memory_space<vmem_shared>> -> memref<128x80xf32, #tpu.memory_space<vmem_shared>>
      tpu.enqueue_dma source(%dma_start3A_179 : memref<128x80xf32, #tpu.memory_space<vmem_shared>>) target(%arg18 : memref<128x80xf32, #tpu.memory_space<vmem>>) target_semaphore(%run_scoped3A : memref<!tpu.dma_semaphore, #tpu.memory_space<semaphore_mem>>)
      %dma_wait3A_180 = arith.constant 0 : i32
      %dma_wait3A_181 = tpu.memref_slice %arg21[%add3A_173, %dma_wait3A_180] : memref<10240x80xf32, #tpu.memory_space<vmem_shared>> -> memref<128x80xf32, #tpu.memory_space<vmem_shared>>
      %dma_wait3A_182 = arith.constant 0 : i32
      %dma_wait3A_183 = tpu.memref_slice %arg21[%add3A_173, %dma_wait3A_182] : memref<10240x80xf32, #tpu.memory_space<vmem_shared>> -> memref<128x80xf32, #tpu.memory_space<vmem_shared>>
      tpu.wait_dma2 semaphore(%run_scoped3A : memref<!tpu.dma_semaphore, #tpu.memory_space<semaphore_mem>>) src(%dma_wait3A_183 : memref<128x80xf32, #tpu.memory_space<vmem_shared>>) dst(%arg18 : memref<128x80xf32, #tpu.memory_space<vmem>>)
      tpu.yield
    }) : () -> ()
    "tpu.region"() ({
      %run_scoped3A = tpu.sem_alloc : memref<!tpu.dma_semaphore, #tpu.memory_space<semaphore_mem>>
      %dma_start3A_176 = arith.constant 0 : i32
      %dma_start3A_177 = tpu.memref_slice %arg7[%arg0, %add3A_173, %dma_start3A_176] : memref<2x10240x80xf32, #tpu.memory_space<hbm>> -> memref<1x128x80xf32, #tpu.memory_space<hbm>>
      %dma_start3A_178 = tpu.memref_squeeze %dma_start3A_177 : memref<1x128x80xf32, #tpu.memory_space<hbm>> -> memref<128x80xf32, #tpu.memory_space<hbm>>
      %dma_start3A_179 = arith.constant 0 : i32
      %dma_start3A_180 = tpu.memref_slice %arg7[%arg0, %add3A_173, %dma_start3A_179] : memref<2x10240x80xf32, #tpu.memory_space<hbm>> -> memref<1x128x80xf32, #tpu.memory_space<hbm>>
      %dma_start3A_181 = tpu.memref_squeeze %dma_start3A_180 : memref<1x128x80xf32, #tpu.memory_space<hbm>> -> memref<128x80xf32, #tpu.memory_space<hbm>>
      tpu.enqueue_dma source(%arg18 : memref<128x80xf32, #tpu.memory_space<vmem>>) target(%dma_start3A_181 : memref<128x80xf32, #tpu.memory_space<hbm>>) target_semaphore(%run_scoped3A : memref<!tpu.dma_semaphore, #tpu.memory_space<semaphore_mem>>)
      %dma_wait3A_182 = arith.constant 0 : i32
      %dma_wait3A_183 = tpu.memref_slice %arg7[%arg0, %add3A_173, %dma_wait3A_182] : memref<2x10240x80xf32, #tpu.memory_space<hbm>> -> memref<1x128x80xf32, #tpu.memory_space<hbm>>
      %dma_wait3A_184 = tpu.memref_squeeze %dma_wait3A_183 : memref<1x128x80xf32, #tpu.memory_space<hbm>> -> memref<128x80xf32, #tpu.memory_space<hbm>>
      %dma_wait3A_185 = arith.constant 0 : i32
      %dma_wait3A_186 = tpu.memref_slice %arg7[%arg0, %add3A_173, %dma_wait3A_185] : memref<2x10240x80xf32, #tpu.memory_space<hbm>> -> memref<1x128x80xf32, #tpu.memory_space<hbm>>
      %dma_wait3A_187 = tpu.memref_squeeze %dma_wait3A_186 : memref<1x128x80xf32, #tpu.memory_space<hbm>> -> memref<128x80xf32, #tpu.memory_space<hbm>>
      tpu.wait_dma2 semaphore(%run_scoped3A : memref<!tpu.dma_semaphore, #tpu.memory_space<semaphore_mem>>) src(%arg18 : memref<128x80xf32, #tpu.memory_space<vmem>>) dst(%dma_wait3A_187 : memref<128x80xf32, #tpu.memory_space<hbm>>)
      tpu.yield
    }) : () -> ()
    %add3A_174 = arith.constant 512 : i32
    %add3A_175 = arith.addi %mul3A_6, %add3A_174 : i32
    "tpu.region"() ({
      %run_scoped3A = tpu.sem_alloc : memref<!tpu.dma_semaphore, #tpu.memory_space<semaphore_mem>>
      %dma_start3A_176 = arith.constant 0 : i32
      %dma_start3A_177 = tpu.memref_slice %arg21[%add3A_175, %dma_start3A_176] : memref<10240x80xf32, #tpu.memory_space<vmem_shared>> -> memref<128x80xf32, #tpu.memory_space<vmem_shared>>
      %dma_start3A_178 = arith.constant 0 : i32
      %dma_start3A_179 = tpu.memref_slice %arg21[%add3A_175, %dma_start3A_178] : memref<10240x80xf32, #tpu.memory_space<vmem_shared>> -> memref<128x80xf32, #tpu.memory_space<vmem_shared>>
      tpu.enqueue_dma source(%dma_start3A_179 : memref<128x80xf32, #tpu.memory_space<vmem_shared>>) target(%arg18 : memref<128x80xf32, #tpu.memory_space<vmem>>) target_semaphore(%run_scoped3A : memref<!tpu.dma_semaphore, #tpu.memory_space<semaphore_mem>>)
      %dma_wait3A_180 = arith.constant 0 : i32
      %dma_wait3A_181 = tpu.memref_slice %arg21[%add3A_175, %dma_wait3A_180] : memref<10240x80xf32, #tpu.memory_space<vmem_shared>> -> memref<128x80xf32, #tpu.memory_space<vmem_shared>>
      %dma_wait3A_182 = arith.constant 0 : i32
      %dma_wait3A_183 = tpu.memref_slice %arg21[%add3A_175, %dma_wait3A_182] : memref<10240x80xf32, #tpu.memory_space<vmem_shared>> -> memref<128x80xf32, #tpu.memory_space<vmem_shared>>
      tpu.wait_dma2 semaphore(%run_scoped3A : memref<!tpu.dma_semaphore, #tpu.memory_space<semaphore_mem>>) src(%dma_wait3A_183 : memref<128x80xf32, #tpu.memory_space<vmem_shared>>) dst(%arg18 : memref<128x80xf32, #tpu.memory_space<vmem>>)
      tpu.yield
    }) : () -> ()
    "tpu.region"() ({
      %run_scoped3A = tpu.sem_alloc : memref<!tpu.dma_semaphore, #tpu.memory_space<semaphore_mem>>
      %dma_start3A_176 = arith.constant 0 : i32
      %dma_start3A_177 = tpu.memref_slice %arg7[%arg0, %add3A_175, %dma_start3A_176] : memref<2x10240x80xf32, #tpu.memory_space<hbm>> -> memref<1x128x80xf32, #tpu.memory_space<hbm>>
      %dma_start3A_178 = tpu.memref_squeeze %dma_start3A_177 : memref<1x128x80xf32, #tpu.memory_space<hbm>> -> memref<128x80xf32, #tpu.memory_space<hbm>>
      %dma_start3A_179 = arith.constant 0 : i32
      %dma_start3A_180 = tpu.memref_slice %arg7[%arg0, %add3A_175, %dma_start3A_179] : memref<2x10240x80xf32, #tpu.memory_space<hbm>> -> memref<1x128x80xf32, #tpu.memory_space<hbm>>
      %dma_start3A_181 = tpu.memref_squeeze %dma_start3A_180 : memref<1x128x80xf32, #tpu.memory_space<hbm>> -> memref<128x80xf32, #tpu.memory_space<hbm>>
      tpu.enqueue_dma source(%arg18 : memref<128x80xf32, #tpu.memory_space<vmem>>) target(%dma_start3A_181 : memref<128x80xf32, #tpu.memory_space<hbm>>) target_semaphore(%run_scoped3A : memref<!tpu.dma_semaphore, #tpu.memory_space<semaphore_mem>>)
      %dma_wait3A_182 = arith.constant 0 : i32
      %dma_wait3A_183 = tpu.memref_slice %arg7[%arg0, %add3A_175, %dma_wait3A_182] : memref<2x10240x80xf32, #tpu.memory_space<hbm>> -> memref<1x128x80xf32, #tpu.memory_space<hbm>>
      %dma_wait3A_184 = tpu.memref_squeeze %dma_wait3A_183 : memref<1x128x80xf32, #tpu.memory_space<hbm>> -> memref<128x80xf32, #tpu.memory_space<hbm>>
      %dma_wait3A_185 = arith.constant 0 : i32
      %dma_wait3A_186 = tpu.memref_slice %arg7[%arg0, %add3A_175, %dma_wait3A_185] : memref<2x10240x80xf32, #tpu.memory_space<hbm>> -> memref<1x128x80xf32, #tpu.memory_space<hbm>>
      %dma_wait3A_187 = tpu.memref_squeeze %dma_wait3A_186 : memref<1x128x80xf32, #tpu.memory_space<hbm>> -> memref<128x80xf32, #tpu.memory_space<hbm>>
      tpu.wait_dma2 semaphore(%run_scoped3A : memref<!tpu.dma_semaphore, #tpu.memory_space<semaphore_mem>>) src(%arg18 : memref<128x80xf32, #tpu.memory_space<vmem>>) dst(%dma_wait3A_187 : memref<128x80xf32, #tpu.memory_space<hbm>>)
      tpu.yield
    }) : () -> ()
    return
  }
}

</mosaic_0001>

<sc_bundles>
// kernel: _edge_pass.3.cloned.1.call-start
scs
__scs_entry_jumppad:
0x0: {  	(pc) =	sbr.rel $0x88, $3  }
0x1: {  	(tag) =	ssettag $0x0;
	lr =	simm.s32 $0x1  }
0x2: {  	[smem:$0x3F9C] =	sst lr;
	_ =	strace $0xD0000000  }
0x3: {  	_ = 	snop  }
0x4: {  	_ = 	snop  }
0x5: {  	_ = 	snop  }
0x6: {  	_ = 	snop  }
0x7: {  	_ = 	snop  }
__scs_overlays_trampoline_lowered:
0x8: {  	[smem:$0x3FAB] =	sst s0  }
0x9: {  	[smem:$0x3FAC] =	sst s1  }
0xa: {  	[smem:$0x3FAD] =	sst s2  }
0xb: {  	[smem:$0x3FAE] =	sst s3  }
0xc: {  	[smem:$0x3FAF] =	sst s4  }
0xd: {  	[smem:$0x3FB0] =	sst s5  }
0xe: {  	[smem:$0x3FB1] =	sst s6  }
0xf: {  	[smem:$0x3FB2] =	sst s7  }
0x10: {  	[smem:$0x3FB3] =	sst s8  }
0x11: {  	[smem:$0x3FB4] =	sst s9;
	s0 =	simm.s32 @!p0 $0x0  }
0x12: {  	s1 =	sld [smem:$0x3F9A];
	s0 =	simm.s32 @p0 $0x1  }
0x13: {  	[smem:$0x3FB5] =	sst s0;
	s0 =	simm.s32 @!p1 $0x0  }
0x14: {  	s2 =	sld [smem:$0x3F99];
	s0 =	simm.s32 @p1 $0x1  }
0x15: {  	[smem:$0x3FB6] =	sst s0;
	s0 =	simm.s32 @!p2 $0x0  }
0x16: {  	s3 =	sld [smem:$0x3FDB];
	s0 =	simm.s32 @p2 $0x1  }
0x17: {  	s4 =	simm.s32 $0x1BF5;
	[smem:$0x3FB8] =	sst s0  }
0x18: {  	s0 =	sld [smem:$0x3F9B];
	_ =	swait.ge [sflag:s4], $0x0  }
0x19: {  	s7 =	sld [smem:$0x3F9C]  }
0x1a: {  	s8 =	sadd.s32 $0xFFFFE003, lr  }
0x1b: {  	s9 =	sadd.s32 $0xFFFFFEF7, lr;
	s5 =	simm.s32 $0xFFFFFFFF;
	p2 =	slt.u32 s8, $0xFFFFF086  }
0x1c: {  	p1 =	slt.u32 s9, $0xF7A;
	s5 =	simm.s32 @!p2 $0x0  }
0x1d: {  	s5 =	simm.s32 @p1 $0x1;
	p0 =	seq.s32 s7, s2  }
0x1e: {  	s7 =	smul.u32 @!p0 $0xF7A, s2;
	p2 =	seq.s32 @!p0 s5, $0x0  }
0x1f: {  	s9 =	smul.u32 $0xF7A, s1;
	s8 =	simm.s32 @!p0 $0x1BF5;
	p2 =	por !p2, p0  }
0x20: {  	[sflag:s8] =	ssyncset.s32 @!p0 $0xFFFFF086;
	s6 =	sadd.s32 @!p0 s3, s7;
	s7 =	simm.s32 @!p0 $0x108  }
0x21: {  	s3 =	sadd.s32 s3, s9;
	s6 =	sadd.s32 @!p0 $0x88, s6;
	s7 =	simm.s32 @p2 $0x1082  }
0x22: {  	[simem:s7], [sflag:s8] =	dma.local @!p0 [hbm:s6], $0xF7A  }
0x23: {  	s9 =	sor.u32 $0xD0000000, s2;
	s6 =	simm.s32 $0x108;
	_ =	swait.ge @!p0 [sflag:s8], $0x0  }
0x24: {  	s3 =	sadd.s32 $0x88, s3;
	s6 =	simm.s32 @!p1 $0x1082;
	[sflag:s4] =	ssyncset.s32 $0xFFFFF086  }
0x25: {  	[simem:s6], [sflag:s4] =	dma.local [hbm:s3], $0xF7A  }
0x26: {  	[smem:$0x3F9C] =	sst s1;
	(tag) =	ssettag s2;
	_ =	strace s9  }
0x27: {  	s1 =	sld [smem:$0x3FAC]  }
0x28: {  	s2 =	sld [smem:$0x3FAD]  }
0x29: {  	s4 =	sld [smem:$0x3FAF]  }
0x2a: {  	p0 =	seq.s32 s5, $0x0;
	s5 =	sld [smem:$0x3FB0]  }
0x2b: {  	s6 =	sld [smem:$0x3FB1]  }
0x2c: {  	s7 =	sld [smem:$0x3FB2]  }
0x2d: {  	s3 =	simm.s32 $0x108;
	s8 =	sld [smem:$0x3FB3]  }
0x2e: {  	s3 =	simm.s32 @!p0 $0x1082;
	s9 =	sld [smem:$0x3FB4]  }
0x2f: {  	lr =	sadd.s32 s0, s3;
	s0 =	sld [smem:$0x3FAB]  }
0x30: {  	s3 =	sld [smem:$0x3FAE]  }
0x31: {  	[smem:$0x3FB7] =	sst s10  }
0x32: {  	s10 =	sld [smem:$0x3FB5];
	_ =	sdelay $0x3  }
0x33: {  	p0 =	seq.s32 s10, $0x1;
	s10 =	sld [smem:$0x3FB7];
	_ =	sdelay $0x3  }
0x34: {  	[smem:$0x3FB7] =	sst s10  }
0x35: {  	s10 =	sld [smem:$0x3FB6];
	_ =	sdelay $0x3  }
0x36: {  	p1 =	seq.s32 s10, $0x1;
	s10 =	sld [smem:$0x3FB7];
	_ =	sdelay $0x3  }
0x37: {  	[smem:$0x3FB7] =	sst s10  }
0x38: {  	s10 =	sld [smem:$0x3FB8]  }
0x39: {  	_ = 	snop;
	(pc) =	sbr.ind lr, $3  }
0x3a: {  	_ = 	snop  }
0x3b: {  	_ = 	snop  }
0x3c: {  	p2 =	seq.s32 s10, $0x1;
	s10 =	sld [smem:$0x3FB7]  }
0x3d: {  	_ =	shalt  }
0x3e: {  	_ =	shalt  }
0x3f: {  	_ =	shalt  }
0x40: {  	_ =	shalt  }
0x41: {  	_ =	shalt  }
0x42: {  	_ =	shalt  }
0x43: {  	_ =	shalt  }
0x44: {  	_ =	shalt  }
0x45: {  	_ =	shalt  }
0x46: {  	_ =	shalt  }
0x47: {  	_ =	shalt  }
0x48: {  	_ =	shalt  }
0x49: {  	_ =	shalt  }
0x4a: {  	_ =	shalt  }
0x4b: {  	_ =	shalt  }
0x4c: {  	_ =	shalt  }
0x4d: {  	_ =	shalt  }
0x4e: {  	_ =	shalt  }
0x4f: {  	_ =	shalt  }
0x50: {  	_ =	shalt  }
0x51: {  	_ =	shalt  }
0x52: {  	_ =	shalt  }
0x53: {  	_ =	shalt  }
0x54: {  	_ =	shalt  }
0x55: {  	_ =	shalt  }
0x56: {  	_ =	shalt  }
0x57: {  	_ =	shalt  }
0x58: {  	_ =	shalt  }
0x59: {  	_ =	shalt  }
0x5a: {  	_ =	shalt  }
0x5b: {  	_ =	shalt  }
0x5c: {  	_ =	shalt  }
0x5d: {  	_ =	shalt  }
0x5e: {  	_ =	shalt  }
0x5f: {  	_ =	shalt  }
0x60: {  	_ =	shalt  }
0x61: {  	_ =	shalt  }
0x62: {  	_ =	shalt  }
0x63: {  	_ =	shalt  }
0x64: {  	_ =	shalt  }
0x65: {  	_ =	shalt  }
0x66: {  	_ =	shalt  }
0x67: {  	_ =	shalt  }
0x68: {  	_ =	shalt  }
0x69: {  	_ =	shalt  }
0x6a: {  	_ =	shalt  }
0x6b: {  	_ =	shalt  }
0x6c: {  	_ =	shalt  }
0x6d: {  	_ =	shalt  }
0x6e: {  	_ =	shalt  }
0x6f: {  	_ =	shalt  }
0x70: {  	_ =	shalt  }
0x71: {  	_ =	shalt  }
0x72: {  	_ =	shalt  }
0x73: {  	_ =	shalt  }
0x74: {  	_ =	shalt  }
0x75: {  	_ =	shalt  }
0x76: {  	_ =	shalt  }
0x77: {  	_ =	shalt  }
0x78: {  	_ =	shalt  }
0x79: {  	_ =	shalt  }
0x7a: {  	_ =	shalt  }
0x7b: {  	_ =	shalt  }
0x7c: {  	_ =	shalt  }
0x7d: {  	_ =	shalt  }
0x7e: {  	_ =	shalt  }
0x7f: {  	_ =	shalt  }
0x80: {  	_ =	shalt  }
0x81: {  	_ =	shalt  }
0x82: {  	_ =	shalt  }
0x83: {  	_ =	shalt  }
0x84: {  	_ =	shalt  }
0x85: {  	_ =	shalt  }
0x86: {  	_ =	shalt  }
0x87: {  	_ =	shalt  }
.Lfunc_end0:
.L_simem_size_0:
called_computation_lowered:
.L_overlay_start_0:
0x88: {  	s2 =	sld [smem:$0x3FD9]  }
0x89: {  	s3 =	sld [smem:$0x3FFE];
	_ =	sdelay $0x1  }
0x8a: {  	s1 =	srdreg.scid  }
0x8b: {  	s0 =	sand.u32 $0x1, s1  }
0x8c: {  	s17 =	sshll.u32 s0, $0xA;
	s2 =	sadd.s32 s3, s2  }
0x8d: {  	s2 =	sadd.s32 s2, s17  }
0x8e: {  	[smem:$0x3FC3] =	sst s2  }
0x8f: {  	_ = 	snop  }
0x90: {  	s2 =	sld [smem:$0x3FD0];
	(tm) =	ssettm $0x1  }
0x91: {  	s18 =	sld [smem:$0x3FFB];
	_ =	sdelay $0x3  }
0x92: {  	_ =	strace s18  }
0x93: {  	s3 =	sld [smem:$0x3FFC];
	_ =	sdelay $0x3  }
0x94: {  	_ =	strace s3  }
0x95: {  	s3 =	sld [smem:$0x3FFD];
	_ =	sdelay $0x3  }
0x96: {  	_ =	strace s3  }
0x97: {  	_ =	strace $0x8FFFFFFF  }
0x98: {  	s19 =	sld [smem:$0x3FDB];
	_ =	sdelay $0x1  }
0x99: {  	s4 =	simm.s32 $_scs_section_size  }
0x9a: {  	s5 =	simm.s32 $_size__tile_overlayer_lowered;
	s6 =	simm.s32 $_tile_overlayer_lowered  }
0x9b: {  	s22 =	simm.s32 $0x1BFF;
	s21 =	sshll.u32 s6, $0x1;
	s3 =	sadd.s32 s4, s19  }
0x9c: {  	s7 =	simm.s32 $0x0;
	s20 =	sshll.u32 s5, $0x1;
	s5 =	sadd.s32 s21, s3  }
0x9d: {  	[timem:s7], [sflag:s22] =	dma.local [hbm:s5], s20  }
0x9e: {  	_ =	swait.ge [sflag:s22], s20  }
0x9f: {  	s4 =	ssub.s32 $0x0, s20;
	[sflag:s22] =	ssyncset.done $0x0  }
0xa0: {  	[sflag:s22] =	ssyncadd.s32 s4;
	_ =	sdelay $0x1  }
0xa1: {  	s23 =	simm.s32 $0x1B8B  }
0xa2: {  	_ =	swait.ge [sflag:s23], $0x1  }
0xa3: {  	[sflag:s23] =	ssyncset.done $0x0  }
0xa4: {  	s25 =	simm.s32 $0x1B8E;
	s24 =	sld [smem:$0x3FFE];
	[sflag:s23] =	ssyncadd.s32 $0xFFFFFFFF  }
0xa5: {  	s26 =	simm.s32 $execute0_lowered;
	[smem:$0x3FD2] =	sst s25  }
0xa6: {  	s5 =	sshll.u32 s26, $0x1;
	_ =	strace $0x80000046;
	[dreg:$0x1] =	wrdreg $0xFFFFFFFF  }
0xa7: {  	s28 =	simm.s32 $_size_execute0_lowered;
	s3 =	sadd.s32 s3, s5;
	[dreg:$0x0] =	wrdreg $0x0  }
0xa8: {  	s5 =	sshll.u32 s28, $0x1;
	[dreg:$0x2] =	wrdreg s3  }
0xa9: {  	[dreg:$0x3] =	wrdreg s5  }
0xaa: {  	[dreg:$0x4] =	wrdreg $0xC0  }
0xab: {  	_ =	task [dreg:s7], $0x5FFFF  }
0xac: {  	[dreg:$0x1] =	wrdreg $0xFFFFFFFF  }
0xad: {  	[dreg:$0x0] =	wrdreg $0x60  }
0xae: {  	[dreg:$0x2] =	wrdreg s24  }
0xaf: {  	[dreg:$0x3] =	wrdreg s2  }
0xb0: {  	[dreg:$0x4] =	wrdreg $0xB3100  }
0xb1: {  	[dreg:$0x5] =	wrdreg $0x9  }
0xb2: {  	_ =	task.clear_ibuf [dreg:s7], $0x6FFFF;
	_ =	strace $0x90000046  }
0xb3: {  	s29 =	simm.s32 $0x9;
	_ =	strace $0x80000048  }
0xb4: {  	_ =	swait.ge [sflag:s29], $0x1  }
0xb5: {  	[sflag:s29] =	ssyncadd.s32 $0xFFFFFFFF  }
0xb6: {  	_ =	strace $0x90000048  }
0xb7: {  	_ =	sfence  }
0xb8: {  	s30 =	sld [smem:$0x0];
	_ =	sdelay $0x2  }
0xb9: {  	s31 =	sshll.u32 s1, $0xD;
	s1 =	sshrl.u32 s1, $0x2  }
0xba: {  	s3 =	sand.u32 $0x4000, s31;
	s1 =	sadd.s32 s1, s30  }
0xbb: {  	s0 =	sor.u32 s3, s0;
	s1 =	sshll.u32 s1, $0x11  }
0xbc: {  	s0 =	sor.u32 s1, s0  }
0xbd: {  	s0 =	sadd.s32 $0x8F2B, s0  }
0xbe: {  	[sflag:s0] =	ssyncadd.remote.s32 $0x1  }
0xbf: {  	_ =	sfence.sel $0xFFFF  }
0xc0: {  	[dreg:$0x0] =	wrdreg $0xFFFFFFFF;
	(pc) =	sbr.abs _section_cstart, $3  }
0xc1: {  	[dreg:$0x1] =	wrdreg $0xFFFFFFFF  }
0xc2: {  	_ =	task.clear_ibuf [dreg:s7], $0x2FFFF;
	_ =	strace $0x9FFFFFFF  }
0xc3: {  	(tm) =	ssettm $0x7FFFFFFF  }
tec
execute0_lowered:
.L_overlay_start_1:
0x0: {  	(tag) =	ssettag $0x1  }
0x1: {  	s3 =	rddreg [dreg:$0x0]  }
0x2: {  	s0 =	rddreg [dreg:$0x1]  }
0x3: {  	s1 =	rddreg [dreg:$0x2]  }
0x4: {  	s2 =	simm.s32 $0x0;
	s6 =	srdreg.scid;
	s12 =	stileid.u32  }
0x5: {  	s28 =	simm.s32 $0x6300;
	s29 =	simm.s32 $0x100;
	s30 =	simm.s32 $0x180  }
0x6: {  	s31 =	simm.s32 $0x80;
	[smem:$0x7FF] =	sst s2;
	s4 =	sadd.s32 $0x17E00, s3  }
0x7: {  	s5 =	sadd.s32 $0x2C000, s3;
	s8 =	sand.u32 $0x1, s6;
	s14 =	smul.u32 $0xC800, s12  }
0x8: {  	s6 =	sadd.s32 $0x1200, s3;
	s7 =	sadd.s32 $0xC800, s3;
	s15 =	smul.u32 $0x5B00, s12  }
0x9: {  	_ =	strace $0x80000047;
	s9 =	ssub.s32 $0x2, s8;
	s18 =	smul.u32 $0xC8000, s8  }
0xa: {  	s10 =	sshll.u32 s8, $0x1;
	s8 =	smul.u32 $0x2810, s8;
	s11 =	sshrl.u32 s9, $0x1  }
0xb: {  	s3 =	sadd.s32 s10, s3;
	s22 =	sadd.s32 s14, s1;
	s13 =	sadd.s32 $0x2800, s14  }
0xc: {  	s19 =	sadd.s32 $0x5000, s14;
	s20 =	sadd.s32 $0x7800, s14;
	s16 =	sadd.s32 $0xA000, s14  }
0xd: {  	s17 =	sshrl.u32 s15, $0x3;
	s9 =	ssub.s32 s9, s11;
	s3 =	sadd.s32 $0x1000, s3  }
0xe: {  	s24 =	sadd.s32 s13, s1;
	s21 =	sadd.s32 s19, s1;
	[dreg:$0x4] =	wrdreg s3  }
0xf: {  	s23 =	sadd.s32 s20, s1;
	s25 =	sadd.s32 s16, s1;
	[dreg:$0x5] =	wrdreg s21  }
0x10: {  	s26 =	sadd.s32 s6, s17;
	s14 =	sadd.s32 s14, s18;
	[dreg:$0x6] =	wrdreg s23  }
0x11: {  	s10 =	sadd.s32 s18, s19;
	s11 =	sadd.s32 s18, s20;
	[dreg:$0x7] =	wrdreg s25  }
0x12: {  	v0 =	vimm.s32 $0xFEDCBA98;
	s16 =	sadd.s32 s18, s16;
	[dreg:$0x8] =	wrdreg s26;
	s3 =	sadd.s32 s18, s13  }
0x13: {  	v0 =	vunpack.c.l.s4.s8 v0;
	s13 =	sadd.s32 s7, s17;
	s17 =	sor.u32 $0x10, s17;
	s14 =	sshrl.u32 s14, $0x3  }
0x14: {  	v1 =	vimm.s32 $0x76543210;
	v3 =	vimm.s32 $0x32107654;
	v4 =	vimm.s32 $0xDCFE98BA;
	s19 =	sshrl.u32 s10, $0x3;
	s20 =	sshrl.u32 s11, $0x3;
	s21 =	sshrl.u32 s16, $0x3  }
0x15: {  	v5 =	vimm.s32 $0x54761032;
	v2 =	vunpack.c.0.s8.s32 v0;
	v0 =	vimm.s32 $0xBA98FEDC;
	s26 =	smax.u32 s9, $0x1;
	s16 =	simm.s32 $0x1;
	[dreg:$0x9] =	wrdreg s13  }
0x16: {  	v6 =	vimm.s32 $0xEFCDAB89;
	v7 =	vimm.s32 $0x67452301;
	v0 =	vunpack.c.l.s4.s8 v0;
	s3 =	sshrl.u32 s3, $0x3;
	s18 =	sadd.s32 s0, s14;
	s23 =	sadd.s32 s6, s17  }
0x17: {  	vm0 =	vmmov $0x1;
	vm1 =	vcmask $0x310;
	v4 =	vunpack.c.l.s4.s8 v4;
	s25 =	sadd.s32 s7, s17;
	[dreg:$0x11] =	wrdreg s26;
	s26 =	simm.s32 $0x5  }
0x18: {  	v5 =	vunpack.c.l.s4.s8 v5;
	v8 =	vunpack.c.0.s8.s32 v0;
	v0 =	vmov s8;
	s8 =	simm.s32 $0x2300;
	s14 =	simm.s32 $0x2;
	[dreg:$0xa] =	wrdreg s18  }
0x19: {  	v3 =	vunpack.c.l.s4.s8 v3;
	v6 =	vunpack.c.l.s4.s8 v6;
	v7 =	vunpack.c.l.s4.s8 v7;
	s17 =	simm.s32 $0x4;
	s3 =	sadd.s32 s0, s3;
	[dreg:$0xf] =	wrdreg s23  }
0x1a: {  	v1 =	vunpack.c.l.s4.s8 v1;
	v4 =	vunpack.c.0.s8.s32 v4;
	v5 =	vunpack.c.0.s8.s32 v5;
	[dreg:$0x10] =	wrdreg s25;
	s23 =	sadd.s32 $0x100, s15;
	s25 =	simm.s32 $0x300  }
.Ltmp0:
0x1b: {  	v3 =	vunpack.c.0.s8.s32 v3;
	v6 =	vunpack.c.0.s8.s32 v6;
	v7 =	vunpack.c.0.s8.s32 v7;
	s15 =	simm.s32 $0x8B00;
	s18 =	simm.s32 $0x280;
	(pc) =	sbr.rel .LBB2_1-.Ltmp0, $4  }
0x1c: {  	vm2 =	vcmask $0x710;
	v63 =	vunpack.c.0.s8.s32 v1;
	v4 =	vcombine.low v5, v4;
	[dreg:$0xb] =	wrdreg s3;
	s3 =	sadd.s32 s0, s19;
	s19 =	simm.s32 $0x1300  }
0x1d: {  	v2 =	vand.u32 $0xF, v2;
	v5 =	vcombine.low v7, v6;
	v3 =	vcombine.low v3, v8;
	[dreg:$0xc] =	wrdreg s3;
	s3 =	sadd.s32 s0, s20;
	s0 =	sadd.s32 s0, s21  }
0x1e: {  	vm3 =	vcmask $0xB10;
	v1 =	vimm.f32 $0.0e+00;
	v2 =	vcombine.low v2, v63;
	s20 =	simm.s32 $0x4300;
	s21 =	simm.s32 $0x0;
	[dreg:$0xd] =	wrdreg s3  }
0x1f: {  	v4 =	vand.u32 $0xF, v4;
	v5 =	vand.u32 $0xF, v5;
	[dreg:$0xe] =	wrdreg s0;
	s0 =	simm.s32 $0x3;
	s3 =	simm.s32 $0x200;
	v3 =	vand.u32 $0xF, v3  }
.LBB2_13:
0x20: {  	[bflag:$0x0] =	sbarrier.arrive $0xFFFF  }
0x21: {  	[tilespmem:s28], [sflag:$0x5] =	stream.linear.gather [spmem:s12], $0x2800, $0x38;
	[tilespmem:$0x17B10] =	vst v63  }
0x22: {  	_ =	swait.ge [sflag:s26], $0x2800  }
0x23: {  	[sflag:s26] =	ssyncset.done $0x0  }
0x24: {  	s9 =	rddreg [dreg:$0xa];
	[sflag:s26] =	ssyncadd.s32 $0xFFFFD800  }
0x25: {  	[hbm4b:s9+s2] =	stream.linear.scatter [tilespmem:s28], [sflag:$0x5], $0x2800, $0x38;
	[tilespmem:$0x17B10] =	vst v63  }
0x26: {  	_ =	swait.ge [sflag:s26], $0x2800  }
0x27: {  	[sflag:s26] =	ssyncset.done $0x0  }
0x28: {  	[sflag:s26] =	ssyncadd.s32 $0xFFFFD800  }
0x29: {  	[tilespmem:s28], [sflag:$0x5] =	stream.linear.gather [spmem:s13], $0x2800, $0x38;
	[tilespmem:$0x17B10] =	vst v63  }
0x2a: {  	_ =	swait.ge [sflag:s26], $0x2800  }
0x2b: {  	[sflag:s26] =	ssyncset.done $0x0  }
0x2c: {  	s10 =	rddreg [dreg:$0xb];
	[sflag:s26] =	ssyncadd.s32 $0xFFFFD800  }
0x2d: {  	[hbm4b:s10+s2] =	stream.linear.scatter [tilespmem:s28], [sflag:$0x5], $0x2800, $0x38;
	[tilespmem:$0x17B10] =	vst v63  }
0x2e: {  	_ =	swait.ge [sflag:s26], $0x2800  }
0x2f: {  	[sflag:s26] =	ssyncset.done $0x0  }
0x30: {  	s11 =	rddreg [dreg:$0x5];
	[sflag:s26] =	ssyncadd.s32 $0xFFFFD800  }
0x31: {  	[tilespmem:s28], [sflag:$0x5] =	stream.linear.gather [spmem:s11], $0x2800, $0x38;
	[tilespmem:$0x17B10] =	vst v63  }
0x32: {  	_ =	swait.ge [sflag:s26], $0x2800  }
0x33: {  	[sflag:s26] =	ssyncset.done $0x0  }
0x34: {  	s22 =	smov.u32 s12;
	s12 =	rddreg [dreg:$0xc];
	[sflag:s26] =	ssyncadd.s32 $0xFFFFD800  }
0x35: {  	[hbm4b:s12+s2] =	stream.linear.scatter [tilespmem:s28], [sflag:$0x5], $0x2800, $0x38;
	[tilespmem:$0x17B10] =	vst v63  }
0x36: {  	_ =	swait.ge [sflag:s26], $0x2800  }
0x37: {  	[sflag:s26] =	ssyncset.done $0x0  }
0x38: {  	s24 =	smov.u32 s13;
	s13 =	rddreg [dreg:$0x6];
	[sflag:s26] =	ssyncadd.s32 $0xFFFFD800  }
0x39: {  	[tilespmem:s28], [sflag:$0x5] =	stream.linear.gather [spmem:s13], $0x2800, $0x38;
	[tilespmem:$0x17B10] =	vst v63  }
0x3a: {  	_ =	swait.ge [sflag:s26], $0x2800  }
0x3b: {  	[sflag:s26] =	ssyncset.done $0x0  }
0x3c: {  	s10 =	rddreg [dreg:$0xd];
	[sflag:s26] =	ssyncadd.s32 $0xFFFFD800  }
0x3d: {  	[hbm4b:s10+s2] =	stream.linear.scatter [tilespmem:s28], [sflag:$0x5], $0x2800, $0x38;
	[tilespmem:$0x17B10] =	vst v63  }
0x3e: {  	_ =	swait.ge [sflag:s26], $0x2800  }
0x3f: {  	[sflag:s26] =	ssyncset.done $0x0  }
0x40: {  	s11 =	rddreg [dreg:$0x7];
	[sflag:s26] =	ssyncadd.s32 $0xFFFFD800  }
0x41: {  	[tilespmem:s28], [sflag:$0x5] =	stream.linear.gather [spmem:s11], $0x2800, $0x38;
	[tilespmem:$0x17B10] =	vst v63  }
0x42: {  	_ =	swait.ge [sflag:s26], $0x2800  }
0x43: {  	[sflag:s26] =	ssyncset.done $0x0  }
0x44: {  	s12 =	rddreg [dreg:$0xe];
	[sflag:s26] =	ssyncadd.s32 $0xFFFFD800  }
0x45: {  	[hbm4b:s12+s2] =	stream.linear.scatter [tilespmem:s28], [sflag:$0x5], $0x2800, $0x38;
	[tilespmem:$0x17B10] =	vst v63  }
0x46: {  	_ =	swait.ge [sflag:s26], $0x2800  }
0x47: {  	s21 =	sadd.s32 $0x1, s21;
	s13 =	rddreg [dreg:$0x11]  }
0x48: {  	p0 =	sne.s32 s21, s13  }
.Ltmp1:
0x49: {  	_ = 	snop;
	(pc) =	sbr.rel @!p0 .LBB2_14-.Ltmp1, $3  }
0x4a: {  	_ =	sdelay $0x1  }
0x4b: {  	[sflag:s26] =	ssyncset.done $0x0  }
0x4c: {  	[sflag:s26] =	ssyncadd.s32 $0xFFFFD800  }
.LBB2_1:
0x4d: {  	s9 =	rddreg [dreg:$0x4];
	s10 =	simm.s32 $0xB300  }
0x4e: {  	[tilespmem:s10], [sflag:$0x5] =	stream.linear.gather [hbm4b:s9+s2], $0x10, $0x38;
	[tilespmem:$0x17B10] =	vst v63  }
0x4f: {  	_ =	swait.ge [sflag:s26], $0x10  }
0x50: {  	[sflag:s26] =	ssyncset.done $0x0  }
0x51: {  	s10 =	simm.s32 $0x140;
	s9 =	simm.s32 $0x0;
	[sflag:s26] =	ssyncadd.s32 $0xFFFFFFF0  }
.LBB2_2:
0x52: {  	p0 =	sne.s32 s10, $0x9EC0;
	[tilespmem:s9+$0x6340] =	vst v1;
	s11 =	smov.u32 s10;
	s10 =	sadd.s32 $0x140, s10  }
.Ltmp2:
0x53: {  	[tilespmem:s9+$0x6330] =	vst v1;
	(pc) =	sbr.rel @p0 .LBB2_2-.Ltmp2, $4  }
0x54: {  	[tilespmem:s9+$0x6320] =	vst v1  }
0x55: {  	[tilespmem:s9+$0x6300] =	vst v1  }
0x56: {  	[tilespmem:s9+$0x6310] =	vst v1  }
0x57: {  	s9 =	sshra.s32 s11, $0x2  }
0x58: {  	[tilespmem:s9+$0x6340] =	vst v1  }
0x59: {  	[tilespmem:s9+$0x6330] =	vst v1  }
0x5a: {  	[tilespmem:s9+$0x6320] =	vst v1  }
0x5b: {  	[tilespmem:s9+$0x6300] =	vst v1  }
0x5c: {  	[tilespmem:s9+$0x6310] =	vst v1  }
0x5d: {  	[spmem:s22] =	stream.linear.scatter [tilespmem:s28], [sflag:$0x5], $0x2800, $0x38;
	[tilespmem:$0x17B10] =	vst v63  }
0x5e: {  	_ =	swait.ge [sflag:s26], $0x2800  }
0x5f: {  	[sflag:s26] =	ssyncset.done $0x0  }
0x60: {  	[sflag:s26] =	ssyncadd.s32 $0xFFFFD800  }
0x61: {  	[spmem:s24] =	stream.linear.scatter [tilespmem:s28], [sflag:$0x5], $0x2800, $0x38;
	[tilespmem:$0x17B10] =	vst v63  }
0x62: {  	_ =	swait.ge [sflag:s26], $0x2800  }
0x63: {  	[sflag:s26] =	ssyncset.done $0x0  }
0x64: {  	s10 =	rddreg [dreg:$0x5];
	[sflag:s26] =	ssyncadd.s32 $0xFFFFD800  }
0x65: {  	[spmem:s10] =	stream.linear.scatter [tilespmem:s28], [sflag:$0x5], $0x2800, $0x38;
	[tilespmem:$0x17B10] =	vst v63  }
0x66: {  	_ =	swait.ge [sflag:s26], $0x2800  }
0x67: {  	[sflag:s26] =	ssyncset.done $0x0  }
0x68: {  	s11 =	rddreg [dreg:$0x6];
	[sflag:s26] =	ssyncadd.s32 $0xFFFFD800  }
0x69: {  	[spmem:s11] =	stream.linear.scatter [tilespmem:s28], [sflag:$0x5], $0x2800, $0x38;
	[tilespmem:$0x17B10] =	vst v63  }
0x6a: {  	_ =	swait.ge [sflag:s26], $0x2800  }
0x6b: {  	[sflag:s26] =	ssyncset.done $0x0  }
0x6c: {  	s12 =	smov.u32 s22;
	s22 =	rddreg [dreg:$0x7];
	[sflag:s26] =	ssyncadd.s32 $0xFFFFD800  }
0x6d: {  	[spmem:s22] =	stream.linear.scatter [tilespmem:s28], [sflag:$0x5], $0x2800, $0x38;
	[tilespmem:$0x17B10] =	vst v63  }
0x6e: {  	_ =	swait.ge [sflag:s26], $0x2800  }
0x6f: {  	[sflag:s26] =	ssyncset.done $0x0  }
0x70: {  	[sflag:s26] =	ssyncadd.s32 $0xFFFFD800  }
0x71: {  	[bflag:$0x0] =	sbarrier.arrive $0xFFFF  }
0x72: {  	s13 =	smov.u32 s24;
	s22 =	simm.s32 $0x0;
	s24 =	rddreg [dreg:$0x8]  }
0x73: {  	[tilespmem:s29], [sflag:$0x3] =	stream.linear.gather [hbm4b:s24+s22], $0x80, $0x38;
	[tilespmem:$0x17B10] =	vst v63  }
0x74: {  	s10 =	rddreg [dreg:$0x9]  }
0x75: {  	[tilespmem:s22], [sflag:$0x3] =	stream.linear.gather [hbm4b:s10+s22], $0x80, $0x38;
	[tilespmem:$0x17B10] =	vst v63  }
0x76: {  	s11 =	rddreg [dreg:$0xf]  }
0x77: {  	[tilespmem:s30], [sflag:$0x4] =	stream.linear.gather [hbm4b:s11+s22], $0x80, $0x38;
	[tilespmem:$0x17B10] =	vst v63  }
0x78: {  	s24 =	rddreg [dreg:$0x10]  }
0x79: {  	[tilespmem:s31], [sflag:$0x4] =	stream.linear.gather [hbm4b:s24+s22], $0x80, $0x38;
	[tilespmem:$0x17B10] =	vst v63  }
0x7a: {  	_ =	swait.ge [sflag:s0], $0x80  }
0x7b: {  	[sflag:s0] =	ssyncset.done $0x0  }
0x7c: {  	[sflag:s0] =	ssyncadd.s32 $0xFFFFFF80  }
0x7d: {  	_ =	swait.ge [sflag:s0], $0x80  }
0x7e: {  	[sflag:s0] =	ssyncset.done $0x0  }
0x7f: {  	[sflag:s0] =	ssyncadd.s32 $0xFFFFFF80  }
0x80: {  	v6 =	vld [tilespmem:$0x100]  }
0x81: {  	v7 =	vld [tilespmem:$0x0]  }
0x82: {  	v8 =	vld [tilespmem:$0x110]  }
0x83: {  	v9 =	vld [tilespmem:$0x10]  }
0x84: {  	v10 =	vld [tilespmem:$0x120]  }
0x85: {  	v11 =	vld [tilespmem:$0x20];
	v6 =	vadd.s32 v0, v6  }
0x86: {  	[tilespmem:$0x100] =	vst v6;
	v6 =	vadd.s32 v0, v7;
	v7 =	vld [tilespmem:$0x130]  }
0x87: {  	v56 =	vld [tilespmem:$0x30];
	[tilespmem:$0x200] =	vst v6;
	v6 =	vadd.s32 v0, v8  }
0x88: {  	v57 =	vld [tilespmem:$0x140];
	[tilespmem:$0x110] =	vst v6;
	v6 =	vadd.s32 v0, v9  }
0x89: {  	v58 =	vld [tilespmem:$0x40];
	[tilespmem:$0x210] =	vst v6;
	v6 =	vadd.s32 v0, v10  }
0x8a: {  	v59 =	vld [tilespmem:$0x150];
	[tilespmem:$0x120] =	vst v6;
	v6 =	vadd.s32 v0, v11  }
0x8b: {  	[tilespmem:$0x220] =	vst v6;
	v6 =	vadd.s32 v0, v7;
	v7 =	vld [tilespmem:$0x50]  }
0x8c: {  	v60 =	vld [tilespmem:$0x160];
	[tilespmem:$0x130] =	vst v6;
	v6 =	vadd.s32 v0, v56  }
0x8d: {  	v61 =	vld [tilespmem:$0x60];
	[tilespmem:$0x230] =	vst v6;
	v6 =	vadd.s32 v0, v57  }
0x8e: {  	v62 =	vld [tilespmem:$0x170];
	[tilespmem:$0x140] =	vst v6;
	v6 =	vadd.s32 v0, v58  }
0x8f: {  	v63 =	vld [tilespmem:$0x70];
	[tilespmem:$0x240] =	vst v6;
	v6 =	vadd.s32 v0, v59  }
0x90: {  	[tilespmem:$0x150] =	vst v6;
	v6 =	vadd.s32 v0, v7  }
0x91: {  	[tilespmem:$0x250] =	vst v6;
	v6 =	vadd.s32 v0, v60  }
0x92: {  	[tilespmem:$0x160] =	vst v6;
	v6 =	vadd.s32 v0, v61  }
0x93: {  	[tilespmem:$0x260] =	vst v6;
	v6 =	vadd.s32 v0, v62  }
.Ltmp3:
0x94: {  	[tilespmem:$0x170] =	vst v6;
	v6 =	vadd.s32 v0, v63;
	(pc) =	sbr.rel .LBB2_4-.Ltmp3, $4  }
0x95: {  	[tilespmem:$0x270] =	vst v6  }
0x96: {  	[tilespmem:s25], [sflag:$0x1] =	stream.indirect.gather [hbm4b:s4+s31], $0x20, s3, s31, $0xb8;
	[tilespmem:$0x17B10] =	vst v63  }
0x97: {  	_ = 	snop  }
0x98: {  	[tilespmem:s8], [sflag:$0x1] =	stream.indirect.gather [hbm4b:s5+s31], $0x40, s29, s31, $0xb8;
	[tilespmem:$0x17B10] =	vst v63  }
.LBB2_12:
0x99: {  	s22 =	sadd.s32 $0x1, s22  }
0x9a: {  	p0 =	sne.s32 s22, $0xB6  }
.Ltmp4:
0x9b: {  	_ = 	snop;
	(pc) =	sbr.rel @!p0 .LBB2_13-.Ltmp4, $1  }
0x9c: {  	_ =	sdelay $0x3  }
.LBB2_4:
0x9d: {  	v9 =	vld [tilespmem:$0xB300];
	s9 =	sand.u32 $0x1, s22  }
0x9e: {  	p0 =	seq.s32 s9, $0x1  }
.Ltmp5:
0x9f: {  	_ = 	snop;
	(pc) =	sbr.rel @!p0 .LBB2_5-.Ltmp5, $3  }
0xa0: {  	_ =	sdelay $0x1  }
0xa1: {  	v6 =	vbroadcast v9, $0x0;
	v7 =	vbroadcast v9, $0x1  }
0xa2: {  	v8 =	vbroadcast v9, $0x2;
	v9 =	vbroadcast v9, $0x3  }
0xa3: {  	_ =	swait.ge [sflag:s14], $0x1000  }
0xa4: {  	[sflag:s14] =	ssyncset.done $0x0  }
0xa5: {  	[sflag:s14] =	ssyncadd.s32 $0xFFFFF000  }
0xa6: {  	_ =	swait.ge [sflag:s14], $0x2000  }
0xa7: {  	s24 =	simm.s32 $0xFFFFFFFC;
	s9 =	simm.s32 $0x1340;
	[sflag:s14] =	ssyncset.done $0x0  }
0xa8: {  	s10 =	simm.s32 $0x4380;
	s11 =	simm.s32 $0x8BA0;
	[sflag:s14] =	ssyncadd.s32 $0xFFFFE000  }
.LBB2_9:
0xa9: {  	v10 =	vld [tilespmem:s9+$0xFFFFFFC0]  }
0xaa: {  	v11 =	vld [tilespmem:s10+$0xFFFFFF80];
	_ =	sdelay $0x4  }
0xab: {  	v12 =	vunpack.i.l.bf16.f32 v10;
	v13 =	vunpack.i.l.bf16.f32 v11  }
0xac: {  	v10 =	vunpack.i.u.bf16.f32 v10;
	v11 =	vunpack.i.u.bf16.f32 v11;
	v12 =	vmul.f32 v13, v12  }
0xad: {  	v10 =	vmul.f32 v11, v10  }
0xae: {  	v11 =	vperm.xlane v12, v2  }
0xaf: {  	v28 =	vperm.xlane v10, v2  }
0xb0: {  	v11 =	vadd.f32 v11, v12  }
0xb1: {  	v10 =	vadd.f32 v28, v10  }
0xb2: {  	v12 =	vperm.xlane v11, v3  }
0xb3: {  	v13 =	vperm.xlane v10, v3  }
0xb4: {  	v11 =	vadd.f32 v12, v11  }
0xb5: {  	v10 =	vadd.f32 v13, v10  }
0xb6: {  	v12 =	vperm.xlane v11, v4  }
0xb7: {  	v13 =	vperm.xlane v10, v4  }
0xb8: {  	v11 =	vadd.f32 v12, v11  }
0xb9: {  	v10 =	vadd.f32 v13, v10  }
0xba: {  	v12 =	vperm.xlane v11, v5  }
0xbb: {  	v13 =	vperm.xlane v10, v5  }
0xbc: {  	v11 =	vadd.f32 v12, v11  }
0xbd: {  	v10 =	vadd.f32 v13, v10  }
0xbe: {  	v11 =	vsub.f32 v11, v6  }
0xbf: {  	v10 =	vsub.f32 v10, v7  }
0xc0: {  	v11 =	vmul.f32 $1.442695020e+00, v11  }
0xc1: {  	v10 =	vmul.f32 $1.442695020e+00, v10  }
0xc2: {  	(erf) = vpow2.f32 v11  }
0xc3: {  	(erf) = vpow2.f32 v10;
	_ =	sdelay $0x2  }
0xc4: {  	v10 =	vld [tilespmem:s10+$0xFFFFFFA0];
	_ =	sdelay $0x4  }
0xc5: {  	v11 =	vunpack.i.l.bf16.f32 v10;
	v29 =	vpop (erf)  }
0xc6: {  	v10 =	vunpack.i.u.bf16.f32 v10;
	v11 =	vmul.f32 v29, v11;
	v30 =	vpop (erf)  }
0xc7: {  	v10 =	vmul.f32 v30, v10  }
0xc8: {  	[tilespmem:s11+$0xFFFFFF60] =	vst v11  }
0xc9: {  	[tilespmem:s11+$0xFFFFFF70] =	vst v10  }
0xca: {  	v10 =	vld [tilespmem:s9+$0xFFFFFFD0]  }
0xcb: {  	v11 =	vld [tilespmem:s10+$0xFFFFFF90];
	_ =	sdelay $0x4  }
0xcc: {  	v14 =	vunpack.i.l.bf16.f32 v10;
	v15 =	vunpack.i.l.bf16.f32 v11  }
0xcd: {  	v10 =	vunpack.i.u.bf16.f32 v10;
	v11 =	vunpack.i.u.bf16.f32 v11;
	v14 =	vmul.f32 v15, v14  }
0xce: {  	v10 =	vmul.f32 v11, v10  }
0xcf: {  	v11 =	vperm.xlane v14, v2  }
0xd0: {  	v31 =	vperm.xlane v10, v2  }
0xd1: {  	v11 =	vadd.f32 v11, v14  }
0xd2: {  	v10 =	vadd.f32 v31, v10  }
0xd3: {  	v14 =	vperm.xlane v11, v3  }
0xd4: {  	v15 =	vperm.xlane v10, v3  }
0xd5: {  	v11 =	vadd.f32 v14, v11  }
0xd6: {  	v10 =	vadd.f32 v15, v10  }
0xd7: {  	v14 =	vperm.xlane v11, v4  }
0xd8: {  	v15 =	vperm.xlane v10, v4  }
0xd9: {  	v11 =	vadd.f32 v14, v11  }
0xda: {  	v10 =	vadd.f32 v15, v10  }
0xdb: {  	v14 =	vperm.xlane v11, v5  }
0xdc: {  	v15 =	vperm.xlane v10, v5  }
0xdd: {  	v11 =	vadd.f32 v14, v11  }
0xde: {  	v10 =	vadd.f32 v15, v10  }
0xdf: {  	v11 =	vsub.f32 v11, v8  }
0xe0: {  	v10 =	vsub.f32 v10, v9  }
0xe1: {  	v11 =	vmul.f32 $1.442695020e+00, v11  }
0xe2: {  	v10 =	vmul.f32 $1.442695020e+00, v10  }
0xe3: {  	(erf) = vpow2.f32 v11  }
0xe4: {  	(erf) = vpow2.f32 v10;
	_ =	sdelay $0x2  }
0xe5: {  	v10 =	vld [tilespmem:s10+$0xFFFFFFB0];
	_ =	sdelay $0x4  }
0xe6: {  	v11 =	vunpack.i.l.bf16.f32 v10;
	v32 =	vpop (erf)  }
0xe7: {  	v12 =	vnsel vm0, $0x0, v29;
	v10 =	vunpack.i.u.bf16.f32 v10;
	v11 =	vmul.f32 v32, v11;
	v33 =	vpop (erf)  }
0xe8: {  	v12 =	vsel vm1, v12, v30;
	v10 =	vmul.f32 v33, v10  }
0xe9: {  	[tilespmem:s11+$0xFFFFFF80] =	vst v11;
	v11 =	vsel vm2, v12, v32  }
0xea: {  	[tilespmem:s11+$0xFFFFFF90] =	vst v10;
	v10 =	vsel vm3, v11, v33  }
0xeb: {  	[tilespmem:s11+$0xFFFFFFA0] =	vst v10  }
0xec: {  	v10 =	vld [tilespmem:s9+$0xFFFFFFE0]  }
0xed: {  	v11 =	vld [tilespmem:s10+$0xFFFFFFC0];
	_ =	sdelay $0x4  }
0xee: {  	v34 =	vunpack.i.l.bf16.f32 v10;
	v35 =	vunpack.i.l.bf16.f32 v11  }
0xef: {  	v10 =	vunpack.i.u.bf16.f32 v10;
	v11 =	vunpack.i.u.bf16.f32 v11;
	v12 =	vmul.f32 v35, v34  }
0xf0: {  	v10 =	vmul.f32 v11, v10  }
0xf1: {  	v11 =	vperm.xlane v12, v2  }
0xf2: {  	v36 =	vperm.xlane v10, v2  }
0xf3: {  	v11 =	vadd.f32 v11, v12  }
0xf4: {  	v10 =	vadd.f32 v36, v10  }
0xf5: {  	v12 =	vperm.xlane v11, v3  }
0xf6: {  	v13 =	vperm.xlane v10, v3  }
0xf7: {  	v11 =	vadd.f32 v12, v11  }
0xf8: {  	v10 =	vadd.f32 v13, v10  }
0xf9: {  	v12 =	vperm.xlane v11, v4  }
0xfa: {  	v13 =	vperm.xlane v10, v4  }
0xfb: {  	v11 =	vadd.f32 v12, v11  }
0xfc: {  	v10 =	vadd.f32 v13, v10  }
0xfd: {  	v12 =	vperm.xlane v11, v5  }
0xfe: {  	v13 =	vperm.xlane v10, v5  }
0xff: {  	v11 =	vadd.f32 v12, v11  }
0x100: {  	v10 =	vadd.f32 v13, v10  }
0x101: {  	v11 =	vsub.f32 v11, v6  }
0x102: {  	v10 =	vsub.f32 v10, v7  }
0x103: {  	v11 =	vmul.f32 $1.442695020e+00, v11  }
0x104: {  	v10 =	vmul.f32 $1.442695020e+00, v10  }
0x105: {  	(erf) = vpow2.f32 v11  }
0x106: {  	(erf) = vpow2.f32 v10;
	_ =	sdelay $0x2  }
0x107: {  	v10 =	vld [tilespmem:s10+$0xFFFFFFE0];
	_ =	sdelay $0x4  }
0x108: {  	v11 =	vunpack.i.l.bf16.f32 v10;
	v37 =	vpop (erf)  }
0x109: {  	v10 =	vunpack.i.u.bf16.f32 v10;
	v11 =	vmul.f32 v37, v11;
	v38 =	vpop (erf)  }
0x10a: {  	v10 =	vmul.f32 v38, v10  }
0x10b: {  	[tilespmem:s11+$0xFFFFFFB0] =	vst v11  }
0x10c: {  	[tilespmem:s11+$0xFFFFFFC0] =	vst v10  }
0x10d: {  	v10 =	vld [tilespmem:s9+$0xFFFFFFF0]  }
0x10e: {  	v11 =	vld [tilespmem:s10+$0xFFFFFFD0];
	_ =	sdelay $0x4  }
0x10f: {  	v39 =	vunpack.i.l.bf16.f32 v10;
	v40 =	vunpack.i.l.bf16.f32 v11  }
0x110: {  	v10 =	vunpack.i.u.bf16.f32 v10;
	v11 =	vunpack.i.u.bf16.f32 v11;
	v14 =	vmul.f32 v40, v39  }
0x111: {  	v10 =	vmul.f32 v11, v10  }
0x112: {  	v11 =	vperm.xlane v14, v2  }
0x113: {  	v41 =	vperm.xlane v10, v2  }
0x114: {  	v11 =	vadd.f32 v11, v14  }
0x115: {  	v10 =	vadd.f32 v41, v10  }
0x116: {  	v14 =	vperm.xlane v11, v3  }
0x117: {  	v15 =	vperm.xlane v10, v3  }
0x118: {  	v11 =	vadd.f32 v14, v11  }
0x119: {  	v10 =	vadd.f32 v15, v10  }
0x11a: {  	v14 =	vperm.xlane v11, v4  }
0x11b: {  	v15 =	vperm.xlane v10, v4  }
0x11c: {  	v11 =	vadd.f32 v14, v11  }
0x11d: {  	v10 =	vadd.f32 v15, v10  }
0x11e: {  	v14 =	vperm.xlane v11, v5  }
0x11f: {  	v15 =	vperm.xlane v10, v5  }
0x120: {  	v11 =	vadd.f32 v14, v11  }
0x121: {  	v10 =	vadd.f32 v15, v10  }
0x122: {  	v11 =	vsub.f32 v11, v8  }
0x123: {  	v10 =	vsub.f32 v10, v9  }
0x124: {  	v11 =	vmul.f32 $1.442695020e+00, v11  }
0x125: {  	v10 =	vmul.f32 $1.442695020e+00, v10  }
0x126: {  	(erf) = vpow2.f32 v11  }
0x127: {  	(erf) = vpow2.f32 v10;
	_ =	sdelay $0x2  }
0x128: {  	v10 =	vld [tilespmem:s10+$0xFFFFFFF0];
	_ =	sdelay $0x4  }
0x129: {  	v11 =	vunpack.i.l.bf16.f32 v10;
	v42 =	vpop (erf)  }
0x12a: {  	v12 =	vnsel vm0, $0x0, v37;
	v10 =	vunpack.i.u.bf16.f32 v10;
	v11 =	vmul.f32 v42, v11;
	v43 =	vpop (erf)  }
0x12b: {  	v12 =	vsel vm1, v12, v38;
	v10 =	vmul.f32 v43, v10  }
0x12c: {  	[tilespmem:s11+$0xFFFFFFD0] =	vst v11;
	v11 =	vsel vm2, v12, v42  }
0x12d: {  	[tilespmem:s11+$0xFFFFFFE0] =	vst v10;
	v10 =	vsel vm3, v11, v43  }
0x12e: {  	[tilespmem:s11+$0xFFFFFFF0] =	vst v10  }
0x12f: {  	v10 =	vld [tilespmem:s9+$0x0]  }
0x130: {  	v11 =	vld [tilespmem:s10+$0x0];
	_ =	sdelay $0x4  }
0x131: {  	v44 =	vunpack.i.l.bf16.f32 v10;
	v45 =	vunpack.i.l.bf16.f32 v11  }
0x132: {  	v10 =	vunpack.i.u.bf16.f32 v10;
	v11 =	vunpack.i.u.bf16.f32 v11;
	v12 =	vmul.f32 v45, v44  }
0x133: {  	v10 =	vmul.f32 v11, v10  }
0x134: {  	v11 =	vperm.xlane v12, v2  }
0x135: {  	v46 =	vperm.xlane v10, v2  }
0x136: {  	v11 =	vadd.f32 v11, v12  }
0x137: {  	v10 =	vadd.f32 v46, v10  }
0x138: {  	v12 =	vperm.xlane v11, v3  }
0x139: {  	v13 =	vperm.xlane v10, v3  }
0x13a: {  	v11 =	vadd.f32 v12, v11  }
0x13b: {  	v10 =	vadd.f32 v13, v10  }
0x13c: {  	v12 =	vperm.xlane v11, v4  }
0x13d: {  	v13 =	vperm.xlane v10, v4  }
0x13e: {  	v11 =	vadd.f32 v12, v11  }
0x13f: {  	v10 =	vadd.f32 v13, v10  }
0x140: {  	v12 =	vperm.xlane v11, v5  }
0x141: {  	v13 =	vperm.xlane v10, v5  }
0x142: {  	v11 =	vadd.f32 v12, v11  }
0x143: {  	v10 =	vadd.f32 v13, v10  }
0x144: {  	v11 =	vsub.f32 v11, v6  }
0x145: {  	v10 =	vsub.f32 v10, v7  }
0x146: {  	v11 =	vmul.f32 $1.442695020e+00, v11  }
0x147: {  	v10 =	vmul.f32 $1.442695020e+00, v10  }
0x148: {  	(erf) = vpow2.f32 v11  }
0x149: {  	(erf) = vpow2.f32 v10;
	_ =	sdelay $0x2  }
0x14a: {  	v10 =	vld [tilespmem:s10+$0x20];
	_ =	sdelay $0x4  }
0x14b: {  	v11 =	vunpack.i.l.bf16.f32 v10;
	v47 =	vpop (erf)  }
0x14c: {  	v10 =	vunpack.i.u.bf16.f32 v10;
	v11 =	vmul.f32 v47, v11;
	v48 =	vpop (erf)  }
0x14d: {  	v10 =	vmul.f32 v48, v10  }
0x14e: {  	[tilespmem:s11+$0x0] =	vst v11  }
0x14f: {  	[tilespmem:s11+$0x10] =	vst v10  }
0x150: {  	v10 =	vld [tilespmem:s9+$0x10]  }
0x151: {  	v11 =	vld [tilespmem:s10+$0x10];
	_ =	sdelay $0x4  }
0x152: {  	v49 =	vunpack.i.l.bf16.f32 v10;
	v50 =	vunpack.i.l.bf16.f32 v11  }
0x153: {  	v10 =	vunpack.i.u.bf16.f32 v10;
	v11 =	vunpack.i.u.bf16.f32 v11;
	v14 =	vmul.f32 v50, v49  }
0x154: {  	v10 =	vmul.f32 v11, v10  }
0x155: {  	v11 =	vperm.xlane v14, v2  }
0x156: {  	v51 =	vperm.xlane v10, v2  }
0x157: {  	v11 =	vadd.f32 v11, v14  }
0x158: {  	v10 =	vadd.f32 v51, v10  }
0x159: {  	v14 =	vperm.xlane v11, v3  }
0x15a: {  	v15 =	vperm.xlane v10, v3  }
0x15b: {  	v11 =	vadd.f32 v14, v11  }
0x15c: {  	v10 =	vadd.f32 v15, v10  }
0x15d: {  	v14 =	vperm.xlane v11, v4  }
0x15e: {  	v15 =	vperm.xlane v10, v4  }
0x15f: {  	v11 =	vadd.f32 v14, v11  }
0x160: {  	v10 =	vadd.f32 v15, v10  }
0x161: {  	v14 =	vperm.xlane v11, v5  }
0x162: {  	v15 =	vperm.xlane v10, v5  }
0x163: {  	v11 =	vadd.f32 v14, v11  }
0x164: {  	v10 =	vadd.f32 v15, v10  }
0x165: {  	v11 =	vsub.f32 v11, v8  }
0x166: {  	v10 =	vsub.f32 v10, v9  }
0x167: {  	v11 =	vmul.f32 $1.442695020e+00, v11  }
0x168: {  	v10 =	vmul.f32 $1.442695020e+00, v10  }
0x169: {  	(erf) = vpow2.f32 v11  }
0x16a: {  	(erf) = vpow2.f32 v10;
	_ =	sdelay $0x2  }
0x16b: {  	v10 =	vld [tilespmem:s10+$0x30];
	_ =	sdelay $0x4  }
0x16c: {  	v11 =	vunpack.i.l.bf16.f32 v10;
	v52 =	vpop (erf)  }
0x16d: {  	v12 =	vnsel vm0, $0x0, v47;
	v10 =	vunpack.i.u.bf16.f32 v10;
	v11 =	vmul.f32 v52, v11;
	v53 =	vpop (erf)  }
0x16e: {  	v12 =	vsel vm1, v12, v48;
	v10 =	vmul.f32 v53, v10  }
0x16f: {  	[tilespmem:s11+$0x20] =	vst v11;
	v11 =	vsel vm2, v12, v52  }
0x170: {  	[tilespmem:s11+$0x30] =	vst v10;
	v10 =	vsel vm3, v11, v53  }
0x171: {  	[tilespmem:s11+$0x40] =	vst v10  }
0x172: {  	v10 =	vld [tilespmem:s9+$0x20]  }
0x173: {  	v11 =	vld [tilespmem:s10+$0x40];
	_ =	sdelay $0x4  }
0x174: {  	v54 =	vunpack.i.l.bf16.f32 v10;
	v55 =	vunpack.i.l.bf16.f32 v11  }
0x175: {  	v10 =	vunpack.i.u.bf16.f32 v10;
	v11 =	vunpack.i.u.bf16.f32 v11;
	v12 =	vmul.f32 v55, v54  }
0x176: {  	v10 =	vmul.f32 v11, v10  }
0x177: {  	v11 =	vperm.xlane v12, v2  }
0x178: {  	v56 =	vperm.xlane v10, v2  }
0x179: {  	v11 =	vadd.f32 v11, v12  }
0x17a: {  	v10 =	vadd.f32 v56, v10  }
0x17b: {  	v12 =	vperm.xlane v11, v3  }
0x17c: {  	v13 =	vperm.xlane v10, v3  }
0x17d: {  	v11 =	vadd.f32 v12, v11  }
0x17e: {  	v10 =	vadd.f32 v13, v10  }
0x17f: {  	v12 =	vperm.xlane v11, v4  }
0x180: {  	v13 =	vperm.xlane v10, v4  }
0x181: {  	v11 =	vadd.f32 v12, v11  }
0x182: {  	v10 =	vadd.f32 v13, v10  }
0x183: {  	v12 =	vperm.xlane v11, v5  }
0x184: {  	v13 =	vperm.xlane v10, v5  }
0x185: {  	v11 =	vadd.f32 v12, v11  }
0x186: {  	v10 =	vadd.f32 v13, v10  }
0x187: {  	v11 =	vsub.f32 v11, v6  }
0x188: {  	v10 =	vsub.f32 v10, v7  }
0x189: {  	v11 =	vmul.f32 $1.442695020e+00, v11  }
0x18a: {  	v10 =	vmul.f32 $1.442695020e+00, v10  }
0x18b: {  	(erf) = vpow2.f32 v11  }
0x18c: {  	(erf) = vpow2.f32 v10;
	_ =	sdelay $0x2  }
0x18d: {  	v10 =	vld [tilespmem:s10+$0x60];
	_ =	sdelay $0x4  }
0x18e: {  	v11 =	vunpack.i.l.bf16.f32 v10;
	v57 =	vpop (erf)  }
0x18f: {  	v10 =	vunpack.i.u.bf16.f32 v10;
	v11 =	vmul.f32 v57, v11;
	v58 =	vpop (erf)  }
0x190: {  	v10 =	vmul.f32 v58, v10  }
0x191: {  	[tilespmem:s11+$0x50] =	vst v11  }
0x192: {  	[tilespmem:s11+$0x60] =	vst v10  }
0x193: {  	v10 =	vld [tilespmem:s9+$0x30]  }
0x194: {  	v11 =	vld [tilespmem:s10+$0x50];
	_ =	sdelay $0x4  }
0x195: {  	v59 =	vunpack.i.l.bf16.f32 v10;
	v60 =	vunpack.i.l.bf16.f32 v11  }
0x196: {  	v10 =	vunpack.i.u.bf16.f32 v10;
	v11 =	vunpack.i.u.bf16.f32 v11;
	v14 =	vmul.f32 v60, v59  }
0x197: {  	v10 =	vmul.f32 v11, v10  }
0x198: {  	v11 =	vperm.xlane v14, v2  }
0x199: {  	v61 =	vperm.xlane v10, v2  }
0x19a: {  	v11 =	vadd.f32 v11, v14  }
0x19b: {  	v10 =	vadd.f32 v61, v10  }
0x19c: {  	v14 =	vperm.xlane v11, v3  }
0x19d: {  	v15 =	vperm.xlane v10, v3  }
0x19e: {  	v11 =	vadd.f32 v14, v11  }
0x19f: {  	v10 =	vadd.f32 v15, v10  }
0x1a0: {  	v14 =	vperm.xlane v11, v4  }
0x1a1: {  	v15 =	vperm.xlane v10, v4  }
0x1a2: {  	v11 =	vadd.f32 v14, v11  }
0x1a3: {  	v10 =	vadd.f32 v15, v10  }
0x1a4: {  	v14 =	vperm.xlane v11, v5  }
0x1a5: {  	v15 =	vperm.xlane v10, v5  }
0x1a6: {  	v11 =	vadd.f32 v14, v11  }
0x1a7: {  	v10 =	vadd.f32 v15, v10  }
0x1a8: {  	v11 =	vsub.f32 v11, v8  }
0x1a9: {  	v10 =	vsub.f32 v10, v9  }
0x1aa: {  	v11 =	vmul.f32 $1.442695020e+00, v11  }
0x1ab: {  	v10 =	vmul.f32 $1.442695020e+00, v10  }
0x1ac: {  	(erf) = vpow2.f32 v11  }
0x1ad: {  	(erf) = vpow2.f32 v10;
	_ =	sdelay $0x2  }
0x1ae: {  	v10 =	vld [tilespmem:s10+$0x70];
	_ =	sdelay $0x3  }
0x1af: {  	s24 =	sadd.s32 $0x4, s24  }
0x1b0: {  	p0 =	slt.u32 s24, $0x7C;
	v62 =	vunpack.i.l.bf16.f32 v10;
	v11 =	vpop (erf)  }
.Ltmp6:
0x1b1: {  	v12 =	vnsel vm0, $0x0, v57;
	v10 =	vunpack.i.u.bf16.f32 v10;
	v14 =	vmul.f32 v11, v62;
	v63 =	vpop (erf);
	(pc) =	sbr.rel @p0 .LBB2_9-.Ltmp6, $4  }
0x1b2: {  	v12 =	vsel vm1, v12, v58;
	v10 =	vmul.f32 v63, v10  }
0x1b3: {  	v11 =	vsel vm2, v12, v11;
	[tilespmem:s11+$0x70] =	vst v14  }
0x1b4: {  	[tilespmem:s11+$0x80] =	vst v10;
	v10 =	vsel vm3, v11, v63  }
0x1b5: {  	s9 =	sadd.s32 $0x80, s9;
	s10 =	sadd.s32 $0x100, s10;
	[tilespmem:s11+$0x90] =	vst v10;
	s11 =	sadd.s32 $0x140, s11  }
0x1b6: {  	p0 =	seq.s32 s22, $0xB5  }
.Ltmp7:
0x1b7: {  	_ = 	snop;
	(pc) =	sbr.rel @p0 .LBB2_13-.Ltmp7, $4  }
0x1b8: {  	[spmem:s1] =	stream.indirect.scatter.add.f32 [tilespmem:s15], [sflag:$0x5], $0x50, s31, s31, $0xb8;
	[tilespmem:$0x17B10] =	vst v63  }
0x1b9: {  	_ =	swait.ge [sflag:s26], $0x2800  }
0x1ba: {  	[sflag:s26] =	ssyncset.done $0x0  }
0x1bb: {  	[sflag:s26] =	ssyncadd.s32 $0xFFFFD800  }
0x1bc: {  	_ =	swait.ge [sflag:s0], $0x80  }
0x1bd: {  	[sflag:s0] =	ssyncset.done $0x0  }
0x1be: {  	[sflag:s0] =	ssyncadd.s32 $0xFFFFFF80  }
0x1bf: {  	_ =	swait.ge [sflag:s0], $0x80  }
0x1c0: {  	[sflag:s0] =	ssyncset.done $0x0  }
0x1c1: {  	[sflag:s0] =	ssyncadd.s32 $0xFFFFFF80  }
0x1c2: {  	v6 =	vld [tilespmem:$0x100]  }
0x1c3: {  	v7 =	vld [tilespmem:$0x0]  }
0x1c4: {  	v8 =	vld [tilespmem:$0x110]  }
0x1c5: {  	v9 =	vld [tilespmem:$0x10]  }
0x1c6: {  	v10 =	vld [tilespmem:$0x120]  }
0x1c7: {  	v11 =	vld [tilespmem:$0x20];
	v6 =	vadd.s32 v0, v6  }
0x1c8: {  	[tilespmem:$0x100] =	vst v6;
	v6 =	vadd.s32 v0, v7;
	v7 =	vld [tilespmem:$0x130]  }
0x1c9: {  	v56 =	vld [tilespmem:$0x30];
	[tilespmem:$0x200] =	vst v6;
	v6 =	vadd.s32 v0, v8  }
0x1ca: {  	v57 =	vld [tilespmem:$0x140];
	[tilespmem:$0x110] =	vst v6;
	v6 =	vadd.s32 v0, v9  }
0x1cb: {  	v58 =	vld [tilespmem:$0x40];
	[tilespmem:$0x210] =	vst v6;
	v6 =	vadd.s32 v0, v10  }
0x1cc: {  	v59 =	vld [tilespmem:$0x150];
	[tilespmem:$0x120] =	vst v6;
	v6 =	vadd.s32 v0, v11  }
0x1cd: {  	[tilespmem:$0x220] =	vst v6;
	v6 =	vadd.s32 v0, v7;
	v7 =	vld [tilespmem:$0x50]  }
0x1ce: {  	v60 =	vld [tilespmem:$0x160];
	[tilespmem:$0x130] =	vst v6;
	v6 =	vadd.s32 v0, v56  }
0x1cf: {  	v61 =	vld [tilespmem:$0x60];
	[tilespmem:$0x230] =	vst v6;
	v6 =	vadd.s32 v0, v57  }
0x1d0: {  	v62 =	vld [tilespmem:$0x170];
	[tilespmem:$0x140] =	vst v6;
	v6 =	vadd.s32 v0, v58  }
0x1d1: {  	v63 =	vld [tilespmem:$0x70];
	[tilespmem:$0x240] =	vst v6;
	v6 =	vadd.s32 v0, v59  }
0x1d2: {  	[tilespmem:$0x150] =	vst v6;
	v6 =	vadd.s32 v0, v7  }
0x1d3: {  	[tilespmem:$0x250] =	vst v6;
	v6 =	vadd.s32 v0, v60  }
0x1d4: {  	[tilespmem:$0x160] =	vst v6;
	v6 =	vadd.s32 v0, v61  }
0x1d5: {  	[tilespmem:$0x260] =	vst v6;
	v6 =	vadd.s32 v0, v62  }
0x1d6: {  	p0 =	sgt.u32 s22, $0xB3;
	[tilespmem:$0x170] =	vst v6;
	v6 =	vadd.s32 v0, v63  }
0x1d7: {  	s9 =	sshll.u32 @!p0 s22, $0x7;
	[tilespmem:$0x270] =	vst v6  }
0x1d8: {  	[tilespmem:s25], [sflag:$0x1] =	stream.indirect.gather [hbm4b:s4+s31], $0x20, s3, s31, $0xb8;
	[tilespmem:$0x17B10] =	vst v63  }
0x1d9: {  	s9 =	sadd.s32 @!p0 s9, s23  }
0x1da: {  	[tilespmem:s8], [sflag:$0x1] =	stream.indirect.gather [hbm4b:s5+s31], $0x40, s29, s31, $0xb8;
	[tilespmem:$0x17B10] =	vst v63  }
.Ltmp8:
0x1db: {  	s9 =	sshrl.u32 @!p0 s9, $0x3;
	(pc) =	sbr.rel .LBB2_12-.Ltmp8, $4  }
0x1dc: {  	s11 =	simm.s32 @!p0 $0x0;
	s24 =	simm.s32 @!p0 $0x180;
	s10 =	sadd.s32 @!p0 s6, s9  }
0x1dd: {  	[tilespmem:s24], [sflag:$0x4] =	stream.linear.gather @!p0 [hbm4b:s10+s11], $0x80, $0x38;
	[tilespmem:$0x17B10] =	vst v63  }
0x1de: {  	s9 =	sadd.s32 @!p0 s7, s9;
	s10 =	simm.s32 @!p0 $0x80  }
0x1df: {  	[tilespmem:s10], [sflag:$0x4] =	stream.linear.gather @!p0 [hbm4b:s9+s11], $0x80, $0x38;
	[tilespmem:$0x17B10] =	vst v63  }
.LBB2_5:
0x1e0: {  	_ =	swait.ge [sflag:s16], $0x1000  }
0x1e1: {  	[sflag:s16] =	ssyncset.done $0x0  }
0x1e2: {  	[sflag:s16] =	ssyncadd.s32 $0xFFFFF000  }
0x1e3: {  	_ =	swait.ge [sflag:s16], $0x2000  }
0x1e4: {  	s24 =	simm.s32 $0xFFFFFFFC;
	s9 =	simm.s32 $0x340;
	[sflag:s16] =	ssyncset.done $0x0  }
0x1e5: {  	s10 =	simm.s32 $0x2380;
	s11 =	simm.s32 $0x63A0;
	[sflag:s16] =	ssyncadd.s32 $0xFFFFE000  }
.LBB2_6:
0x1e6: {  	v10 =	vld [tilespmem:s9+$0xFFFFFFC0]  }
0x1e7: {  	v11 =	vld [tilespmem:s10+$0xFFFFFF80];
	_ =	sdelay $0x4  }
0x1e8: {  	v12 =	vunpack.i.l.bf16.f32 v10;
	v13 =	vunpack.i.l.bf16.f32 v11  }
0x1e9: {  	v10 =	vunpack.i.u.bf16.f32 v10;
	v11 =	vunpack.i.u.bf16.f32 v11;
	v12 =	vmul.f32 v13, v12  }
0x1ea: {  	v10 =	vmul.f32 v11, v10  }
0x1eb: {  	v11 =	vperm.xlane v12, v2  }
0x1ec: {  	v28 =	vperm.xlane v10, v2  }
0x1ed: {  	v11 =	vadd.f32 v11, v12  }
0x1ee: {  	v10 =	vadd.f32 v28, v10  }
0x1ef: {  	v12 =	vperm.xlane v11, v3  }
0x1f0: {  	v13 =	vperm.xlane v10, v3  }
0x1f1: {  	v11 =	vadd.f32 v12, v11  }
0x1f2: {  	v10 =	vadd.f32 v13, v10  }
0x1f3: {  	v12 =	vperm.xlane v11, v4  }
0x1f4: {  	v13 =	vperm.xlane v10, v4  }
0x1f5: {  	v11 =	vadd.f32 v12, v11  }
0x1f6: {  	v10 =	vadd.f32 v13, v10  }
0x1f7: {  	v12 =	vperm.xlane v11, v5  }
0x1f8: {  	v13 =	vperm.xlane v10, v5  }
0x1f9: {  	v11 =	vadd.f32 v12, v11  }
0x1fa: {  	v10 =	vadd.f32 v13, v10  }
0x1fb: {  	v11 =	vsub.f32 v11, v6  }
0x1fc: {  	v10 =	vsub.f32 v10, v7  }
0x1fd: {  	v11 =	vmul.f32 $1.442695020e+00, v11  }
0x1fe: {  	v10 =	vmul.f32 $1.442695020e+00, v10  }
0x1ff: {  	(erf) = vpow2.f32 v11  }
0x200: {  	(erf) = vpow2.f32 v10;
	_ =	sdelay $0x2  }
0x201: {  	v10 =	vld [tilespmem:s10+$0xFFFFFFA0];
	_ =	sdelay $0x4  }
0x202: {  	v11 =	vunpack.i.l.bf16.f32 v10;
	v29 =	vpop (erf)  }
0x203: {  	v10 =	vunpack.i.u.bf16.f32 v10;
	v11 =	vmul.f32 v29, v11;
	v30 =	vpop (erf)  }
0x204: {  	v10 =	vmul.f32 v30, v10  }
0x205: {  	[tilespmem:s11+$0xFFFFFF60] =	vst v11  }
0x206: {  	[tilespmem:s11+$0xFFFFFF70] =	vst v10  }
0x207: {  	v10 =	vld [tilespmem:s9+$0xFFFFFFD0]  }
0x208: {  	v11 =	vld [tilespmem:s10+$0xFFFFFF90];
	_ =	sdelay $0x4  }
0x209: {  	v14 =	vunpack.i.l.bf16.f32 v10;
	v15 =	vunpack.i.l.bf16.f32 v11  }
0x20a: {  	v10 =	vunpack.i.u.bf16.f32 v10;
	v11 =	vunpack.i.u.bf16.f32 v11;
	v14 =	vmul.f32 v15, v14  }
0x20b: {  	v10 =	vmul.f32 v11, v10  }
0x20c: {  	v11 =	vperm.xlane v14, v2  }
0x20d: {  	v31 =	vperm.xlane v10, v2  }
0x20e: {  	v11 =	vadd.f32 v11, v14  }
0x20f: {  	v10 =	vadd.f32 v31, v10  }
0x210: {  	v14 =	vperm.xlane v11, v3  }
0x211: {  	v15 =	vperm.xlane v10, v3  }
0x212: {  	v11 =	vadd.f32 v14, v11  }
0x213: {  	v10 =	vadd.f32 v15, v10  }
0x214: {  	v14 =	vperm.xlane v11, v4  }
0x215: {  	v15 =	vperm.xlane v10, v4  }
0x216: {  	v11 =	vadd.f32 v14, v11  }
0x217: {  	v10 =	vadd.f32 v15, v10  }
0x218: {  	v14 =	vperm.xlane v11, v5  }
0x219: {  	v15 =	vperm.xlane v10, v5  }
0x21a: {  	v11 =	vadd.f32 v14, v11  }
0x21b: {  	v10 =	vadd.f32 v15, v10  }
0x21c: {  	v11 =	vsub.f32 v11, v8  }
0x21d: {  	v10 =	vsub.f32 v10, v9  }
0x21e: {  	v11 =	vmul.f32 $1.442695020e+00, v11  }
0x21f: {  	v10 =	vmul.f32 $1.442695020e+00, v10  }
0x220: {  	(erf) = vpow2.f32 v11  }
0x221: {  	(erf) = vpow2.f32 v10;
	_ =	sdelay $0x2  }
0x222: {  	v10 =	vld [tilespmem:s10+$0xFFFFFFB0];
	_ =	sdelay $0x4  }
0x223: {  	v11 =	vunpack.i.l.bf16.f32 v10;
	v32 =	vpop (erf)  }
0x224: {  	v12 =	vnsel vm0, $0x0, v29;
	v10 =	vunpack.i.u.bf16.f32 v10;
	v11 =	vmul.f32 v32, v11;
	v33 =	vpop (erf)  }
0x225: {  	v12 =	vsel vm1, v12, v30;
	v10 =	vmul.f32 v33, v10  }
0x226: {  	[tilespmem:s11+$0xFFFFFF80] =	vst v11;
	v11 =	vsel vm2, v12, v32  }
0x227: {  	[tilespmem:s11+$0xFFFFFF90] =	vst v10;
	v10 =	vsel vm3, v11, v33  }
0x228: {  	[tilespmem:s11+$0xFFFFFFA0] =	vst v10  }
0x229: {  	v10 =	vld [tilespmem:s9+$0xFFFFFFE0]  }
0x22a: {  	v11 =	vld [tilespmem:s10+$0xFFFFFFC0];
	_ =	sdelay $0x4  }
0x22b: {  	v34 =	vunpack.i.l.bf16.f32 v10;
	v35 =	vunpack.i.l.bf16.f32 v11  }
0x22c: {  	v10 =	vunpack.i.u.bf16.f32 v10;
	v11 =	vunpack.i.u.bf16.f32 v11;
	v12 =	vmul.f32 v35, v34  }
0x22d: {  	v10 =	vmul.f32 v11, v10  }
0x22e: {  	v11 =	vperm.xlane v12, v2  }
0x22f: {  	v36 =	vperm.xlane v10, v2  }
0x230: {  	v11 =	vadd.f32 v11, v12  }
0x231: {  	v10 =	vadd.f32 v36, v10  }
0x232: {  	v12 =	vperm.xlane v11, v3  }
0x233: {  	v13 =	vperm.xlane v10, v3  }
0x234: {  	v11 =	vadd.f32 v12, v11  }
0x235: {  	v10 =	vadd.f32 v13, v10  }
0x236: {  	v12 =	vperm.xlane v11, v4  }
0x237: {  	v13 =	vperm.xlane v10, v4  }
0x238: {  	v11 =	vadd.f32 v12, v11  }
0x239: {  	v10 =	vadd.f32 v13, v10  }
0x23a: {  	v12 =	vperm.xlane v11, v5  }
0x23b: {  	v13 =	vperm.xlane v10, v5  }
0x23c: {  	v11 =	vadd.f32 v12, v11  }
0x23d: {  	v10 =	vadd.f32 v13, v10  }
0x23e: {  	v11 =	vsub.f32 v11, v6  }
0x23f: {  	v10 =	vsub.f32 v10, v7  }
0x240: {  	v11 =	vmul.f32 $1.442695020e+00, v11  }
0x241: {  	v10 =	vmul.f32 $1.442695020e+00, v10  }
0x242: {  	(erf) = vpow2.f32 v11  }
0x243: {  	(erf) = vpow2.f32 v10;
	_ =	sdelay $0x2  }
0x244: {  	v10 =	vld [tilespmem:s10+$0xFFFFFFE0];
	_ =	sdelay $0x4  }
0x245: {  	v11 =	vunpack.i.l.bf16.f32 v10;
	v37 =	vpop (erf)  }
0x246: {  	v10 =	vunpack.i.u.bf16.f32 v10;
	v11 =	vmul.f32 v37, v11;
	v38 =	vpop (erf)  }
0x247: {  	v10 =	vmul.f32 v38, v10  }
0x248: {  	[tilespmem:s11+$0xFFFFFFB0] =	vst v11  }
0x249: {  	[tilespmem:s11+$0xFFFFFFC0] =	vst v10  }
0x24a: {  	v10 =	vld [tilespmem:s9+$0xFFFFFFF0]  }
0x24b: {  	v11 =	vld [tilespmem:s10+$0xFFFFFFD0];
	_ =	sdelay $0x4  }
0x24c: {  	v39 =	vunpack.i.l.bf16.f32 v10;
	v40 =	vunpack.i.l.bf16.f32 v11  }
0x24d: {  	v10 =	vunpack.i.u.bf16.f32 v10;
	v11 =	vunpack.i.u.bf16.f32 v11;
	v14 =	vmul.f32 v40, v39  }
0x24e: {  	v10 =	vmul.f32 v11, v10  }
0x24f: {  	v11 =	vperm.xlane v14, v2  }
0x250: {  	v41 =	vperm.xlane v10, v2  }
0x251: {  	v11 =	vadd.f32 v11, v14  }
0x252: {  	v10 =	vadd.f32 v41, v10  }
0x253: {  	v14 =	vperm.xlane v11, v3  }
0x254: {  	v15 =	vperm.xlane v10, v3  }
0x255: {  	v11 =	vadd.f32 v14, v11  }
0x256: {  	v10 =	vadd.f32 v15, v10  }
0x257: {  	v14 =	vperm.xlane v11, v4  }
0x258: {  	v15 =	vperm.xlane v10, v4  }
0x259: {  	v11 =	vadd.f32 v14, v11  }
0x25a: {  	v10 =	vadd.f32 v15, v10  }
0x25b: {  	v14 =	vperm.xlane v11, v5  }
0x25c: {  	v15 =	vperm.xlane v10, v5  }
0x25d: {  	v11 =	vadd.f32 v14, v11  }
0x25e: {  	v10 =	vadd.f32 v15, v10  }
0x25f: {  	v11 =	vsub.f32 v11, v8  }
0x260: {  	v10 =	vsub.f32 v10, v9  }
0x261: {  	v11 =	vmul.f32 $1.442695020e+00, v11  }
0x262: {  	v10 =	vmul.f32 $1.442695020e+00, v10  }
0x263: {  	(erf) = vpow2.f32 v11  }
0x264: {  	(erf) = vpow2.f32 v10;
	_ =	sdelay $0x2  }
0x265: {  	v10 =	vld [tilespmem:s10+$0xFFFFFFF0];
	_ =	sdelay $0x4  }
0x266: {  	v11 =	vunpack.i.l.bf16.f32 v10;
	v42 =	vpop (erf)  }
0x267: {  	v12 =	vnsel vm0, $0x0, v37;
	v10 =	vunpack.i.u.bf16.f32 v10;
	v11 =	vmul.f32 v42, v11;
	v43 =	vpop (erf)  }
0x268: {  	v12 =	vsel vm1, v12, v38;
	v10 =	vmul.f32 v43, v10  }
0x269: {  	[tilespmem:s11+$0xFFFFFFD0] =	vst v11;
	v11 =	vsel vm2, v12, v42  }
0x26a: {  	[tilespmem:s11+$0xFFFFFFE0] =	vst v10;
	v10 =	vsel vm3, v11, v43  }
0x26b: {  	[tilespmem:s11+$0xFFFFFFF0] =	vst v10  }
0x26c: {  	v10 =	vld [tilespmem:s9+$0x0]  }
0x26d: {  	v11 =	vld [tilespmem:s10+$0x0];
	_ =	sdelay $0x4  }
0x26e: {  	v44 =	vunpack.i.l.bf16.f32 v10;
	v45 =	vunpack.i.l.bf16.f32 v11  }
0x26f: {  	v10 =	vunpack.i.u.bf16.f32 v10;
	v11 =	vunpack.i.u.bf16.f32 v11;
	v12 =	vmul.f32 v45, v44  }
0x270: {  	v10 =	vmul.f32 v11, v10  }
0x271: {  	v11 =	vperm.xlane v12, v2  }
0x272: {  	v46 =	vperm.xlane v10, v2  }
0x273: {  	v11 =	vadd.f32 v11, v12  }
0x274: {  	v10 =	vadd.f32 v46, v10  }
0x275: {  	v12 =	vperm.xlane v11, v3  }
0x276: {  	v13 =	vperm.xlane v10, v3  }
0x277: {  	v11 =	vadd.f32 v12, v11  }
0x278: {  	v10 =	vadd.f32 v13, v10  }
0x279: {  	v12 =	vperm.xlane v11, v4  }
0x27a: {  	v13 =	vperm.xlane v10, v4  }
0x27b: {  	v11 =	vadd.f32 v12, v11  }
0x27c: {  	v10 =	vadd.f32 v13, v10  }
0x27d: {  	v12 =	vperm.xlane v11, v5  }
0x27e: {  	v13 =	vperm.xlane v10, v5  }
0x27f: {  	v11 =	vadd.f32 v12, v11  }
0x280: {  	v10 =	vadd.f32 v13, v10  }
0x281: {  	v11 =	vsub.f32 v11, v6  }
0x282: {  	v10 =	vsub.f32 v10, v7  }
0x283: {  	v11 =	vmul.f32 $1.442695020e+00, v11  }
0x284: {  	v10 =	vmul.f32 $1.442695020e+00, v10  }
0x285: {  	(erf) = vpow2.f32 v11  }
0x286: {  	(erf) = vpow2.f32 v10;
	_ =	sdelay $0x2  }
0x287: {  	v10 =	vld [tilespmem:s10+$0x20];
	_ =	sdelay $0x4  }
0x288: {  	v11 =	vunpack.i.l.bf16.f32 v10;
	v47 =	vpop (erf)  }
0x289: {  	v10 =	vunpack.i.u.bf16.f32 v10;
	v11 =	vmul.f32 v47, v11;
	v48 =	vpop (erf)  }
0x28a: {  	v10 =	vmul.f32 v48, v10  }
0x28b: {  	[tilespmem:s11+$0x0] =	vst v11  }
0x28c: {  	[tilespmem:s11+$0x10] =	vst v10  }
0x28d: {  	v10 =	vld [tilespmem:s9+$0x10]  }
0x28e: {  	v11 =	vld [tilespmem:s10+$0x10];
	_ =	sdelay $0x4  }
0x28f: {  	v49 =	vunpack.i.l.bf16.f32 v10;
	v50 =	vunpack.i.l.bf16.f32 v11  }
0x290: {  	v10 =	vunpack.i.u.bf16.f32 v10;
	v11 =	vunpack.i.u.bf16.f32 v11;
	v14 =	vmul.f32 v50, v49  }
0x291: {  	v10 =	vmul.f32 v11, v10  }
0x292: {  	v11 =	vperm.xlane v14, v2  }
0x293: {  	v51 =	vperm.xlane v10, v2  }
0x294: {  	v11 =	vadd.f32 v11, v14  }
0x295: {  	v10 =	vadd.f32 v51, v10  }
0x296: {  	v14 =	vperm.xlane v11, v3  }
0x297: {  	v15 =	vperm.xlane v10, v3  }
0x298: {  	v11 =	vadd.f32 v14, v11  }
0x299: {  	v10 =	vadd.f32 v15, v10  }
0x29a: {  	v14 =	vperm.xlane v11, v4  }
0x29b: {  	v15 =	vperm.xlane v10, v4  }
0x29c: {  	v11 =	vadd.f32 v14, v11  }
0x29d: {  	v10 =	vadd.f32 v15, v10  }
0x29e: {  	v14 =	vperm.xlane v11, v5  }
0x29f: {  	v15 =	vperm.xlane v10, v5  }
0x2a0: {  	v11 =	vadd.f32 v14, v11  }
0x2a1: {  	v10 =	vadd.f32 v15, v10  }
0x2a2: {  	v11 =	vsub.f32 v11, v8  }
0x2a3: {  	v10 =	vsub.f32 v10, v9  }
0x2a4: {  	v11 =	vmul.f32 $1.442695020e+00, v11  }
0x2a5: {  	v10 =	vmul.f32 $1.442695020e+00, v10  }
0x2a6: {  	(erf) = vpow2.f32 v11  }
0x2a7: {  	(erf) = vpow2.f32 v10;
	_ =	sdelay $0x2  }
0x2a8: {  	v10 =	vld [tilespmem:s10+$0x30];
	_ =	sdelay $0x4  }
0x2a9: {  	v11 =	vunpack.i.l.bf16.f32 v10;
	v52 =	vpop (erf)  }
0x2aa: {  	v12 =	vnsel vm0, $0x0, v47;
	v10 =	vunpack.i.u.bf16.f32 v10;
	v11 =	vmul.f32 v52, v11;
	v53 =	vpop (erf)  }
0x2ab: {  	v12 =	vsel vm1, v12, v48;
	v10 =	vmul.f32 v53, v10  }
0x2ac: {  	[tilespmem:s11+$0x20] =	vst v11;
	v11 =	vsel vm2, v12, v52  }
0x2ad: {  	[tilespmem:s11+$0x30] =	vst v10;
	v10 =	vsel vm3, v11, v53  }
0x2ae: {  	[tilespmem:s11+$0x40] =	vst v10  }
0x2af: {  	v10 =	vld [tilespmem:s9+$0x20]  }
0x2b0: {  	v11 =	vld [tilespmem:s10+$0x40];
	_ =	sdelay $0x4  }
0x2b1: {  	v54 =	vunpack.i.l.bf16.f32 v10;
	v55 =	vunpack.i.l.bf16.f32 v11  }
0x2b2: {  	v10 =	vunpack.i.u.bf16.f32 v10;
	v11 =	vunpack.i.u.bf16.f32 v11;
	v12 =	vmul.f32 v55, v54  }
0x2b3: {  	v10 =	vmul.f32 v11, v10  }
0x2b4: {  	v11 =	vperm.xlane v12, v2  }
0x2b5: {  	v56 =	vperm.xlane v10, v2  }
0x2b6: {  	v11 =	vadd.f32 v11, v12  }
0x2b7: {  	v10 =	vadd.f32 v56, v10  }
0x2b8: {  	v12 =	vperm.xlane v11, v3  }
0x2b9: {  	v13 =	vperm.xlane v10, v3  }
0x2ba: {  	v11 =	vadd.f32 v12, v11  }
0x2bb: {  	v10 =	vadd.f32 v13, v10  }
0x2bc: {  	v12 =	vperm.xlane v11, v4  }
0x2bd: {  	v13 =	vperm.xlane v10, v4  }
0x2be: {  	v11 =	vadd.f32 v12, v11  }
0x2bf: {  	v10 =	vadd.f32 v13, v10  }
0x2c0: {  	v12 =	vperm.xlane v11, v5  }
0x2c1: {  	v13 =	vperm.xlane v10, v5  }
0x2c2: {  	v11 =	vadd.f32 v12, v11  }
0x2c3: {  	v10 =	vadd.f32 v13, v10  }
0x2c4: {  	v11 =	vsub.f32 v11, v6  }
0x2c5: {  	v10 =	vsub.f32 v10, v7  }
0x2c6: {  	v11 =	vmul.f32 $1.442695020e+00, v11  }
0x2c7: {  	v10 =	vmul.f32 $1.442695020e+00, v10  }
0x2c8: {  	(erf) = vpow2.f32 v11  }
0x2c9: {  	(erf) = vpow2.f32 v10;
	_ =	sdelay $0x2  }
0x2ca: {  	v10 =	vld [tilespmem:s10+$0x60];
	_ =	sdelay $0x4  }
0x2cb: {  	v11 =	vunpack.i.l.bf16.f32 v10;
	v57 =	vpop (erf)  }
0x2cc: {  	v10 =	vunpack.i.u.bf16.f32 v10;
	v11 =	vmul.f32 v57, v11;
	v58 =	vpop (erf)  }
0x2cd: {  	v10 =	vmul.f32 v58, v10  }
0x2ce: {  	[tilespmem:s11+$0x50] =	vst v11  }
0x2cf: {  	[tilespmem:s11+$0x60] =	vst v10  }
0x2d0: {  	v10 =	vld [tilespmem:s9+$0x30]  }
0x2d1: {  	v11 =	vld [tilespmem:s10+$0x50];
	_ =	sdelay $0x4  }
0x2d2: {  	v59 =	vunpack.i.l.bf16.f32 v10;
	v60 =	vunpack.i.l.bf16.f32 v11  }
0x2d3: {  	v10 =	vunpack.i.u.bf16.f32 v10;
	v11 =	vunpack.i.u.bf16.f32 v11;
	v14 =	vmul.f32 v60, v59  }
0x2d4: {  	v10 =	vmul.f32 v11, v10  }
0x2d5: {  	v11 =	vperm.xlane v14, v2  }
0x2d6: {  	v61 =	vperm.xlane v10, v2  }
0x2d7: {  	v11 =	vadd.f32 v11, v14  }
0x2d8: {  	v10 =	vadd.f32 v61, v10  }
0x2d9: {  	v14 =	vperm.xlane v11, v3  }
0x2da: {  	v15 =	vperm.xlane v10, v3  }
0x2db: {  	v11 =	vadd.f32 v14, v11  }
0x2dc: {  	v10 =	vadd.f32 v15, v10  }
0x2dd: {  	v14 =	vperm.xlane v11, v4  }
0x2de: {  	v15 =	vperm.xlane v10, v4  }
0x2df: {  	v11 =	vadd.f32 v14, v11  }
0x2e0: {  	v10 =	vadd.f32 v15, v10  }
0x2e1: {  	v14 =	vperm.xlane v11, v5  }
0x2e2: {  	v15 =	vperm.xlane v10, v5  }
0x2e3: {  	v11 =	vadd.f32 v14, v11  }
0x2e4: {  	v10 =	vadd.f32 v15, v10  }
0x2e5: {  	v11 =	vsub.f32 v11, v8  }
0x2e6: {  	v10 =	vsub.f32 v10, v9  }
0x2e7: {  	v11 =	vmul.f32 $1.442695020e+00, v11  }
0x2e8: {  	v10 =	vmul.f32 $1.442695020e+00, v10  }
0x2e9: {  	(erf) = vpow2.f32 v11  }
0x2ea: {  	(erf) = vpow2.f32 v10;
	_ =	sdelay $0x2  }
0x2eb: {  	v10 =	vld [tilespmem:s10+$0x70];
	_ =	sdelay $0x3  }
0x2ec: {  	s24 =	sadd.s32 $0x4, s24  }
0x2ed: {  	p0 =	slt.u32 s24, $0x7C;
	v62 =	vunpack.i.l.bf16.f32 v10;
	v11 =	vpop (erf)  }
.Ltmp9:
0x2ee: {  	v12 =	vnsel vm0, $0x0, v57;
	v10 =	vunpack.i.u.bf16.f32 v10;
	v14 =	vmul.f32 v11, v62;
	v63 =	vpop (erf);
	(pc) =	sbr.rel @p0 .LBB2_6-.Ltmp9, $4  }
0x2ef: {  	v12 =	vsel vm1, v12, v58;
	v10 =	vmul.f32 v63, v10  }
0x2f0: {  	v11 =	vsel vm2, v12, v11;
	[tilespmem:s11+$0x70] =	vst v14  }
0x2f1: {  	[tilespmem:s11+$0x80] =	vst v10;
	v10 =	vsel vm3, v11, v63  }
0x2f2: {  	s9 =	sadd.s32 $0x80, s9;
	s10 =	sadd.s32 $0x100, s10;
	[tilespmem:s11+$0x90] =	vst v10;
	s11 =	sadd.s32 $0x140, s11  }
0x2f3: {  	[spmem:s1] =	stream.indirect.scatter.add.f32 [tilespmem:s28], [sflag:$0x5], $0x50, s2, s31, $0xb8;
	[tilespmem:$0x17B10] =	vst v63  }
0x2f4: {  	_ =	swait.ge [sflag:s26], $0x2800  }
0x2f5: {  	[sflag:s26] =	ssyncset.done $0x0  }
0x2f6: {  	[sflag:s26] =	ssyncadd.s32 $0xFFFFD800  }
0x2f7: {  	_ =	swait.ge [sflag:s17], $0x80  }
0x2f8: {  	[sflag:s17] =	ssyncset.done $0x0  }
0x2f9: {  	[sflag:s17] =	ssyncadd.s32 $0xFFFFFF80  }
0x2fa: {  	_ =	swait.ge [sflag:s17], $0x80  }
0x2fb: {  	[sflag:s17] =	ssyncset.done $0x0  }
0x2fc: {  	[sflag:s17] =	ssyncadd.s32 $0xFFFFFF80  }
0x2fd: {  	v6 =	vld [tilespmem:$0x180]  }
0x2fe: {  	v7 =	vld [tilespmem:$0x80]  }
0x2ff: {  	v8 =	vld [tilespmem:$0x190]  }
0x300: {  	v9 =	vld [tilespmem:$0x90]  }
0x301: {  	v10 =	vld [tilespmem:$0x1A0]  }
0x302: {  	v11 =	vld [tilespmem:$0xA0];
	v6 =	vadd.s32 v0, v6  }
0x303: {  	[tilespmem:$0x180] =	vst v6;
	v6 =	vadd.s32 v0, v7;
	v7 =	vld [tilespmem:$0x1B0]  }
0x304: {  	v56 =	vld [tilespmem:$0xB0];
	[tilespmem:$0x280] =	vst v6;
	v6 =	vadd.s32 v0, v8  }
0x305: {  	v57 =	vld [tilespmem:$0x1C0];
	[tilespmem:$0x190] =	vst v6;
	v6 =	vadd.s32 v0, v9  }
0x306: {  	v58 =	vld [tilespmem:$0xC0];
	[tilespmem:$0x290] =	vst v6;
	v6 =	vadd.s32 v0, v10  }
0x307: {  	v59 =	vld [tilespmem:$0x1D0];
	[tilespmem:$0x1A0] =	vst v6;
	v6 =	vadd.s32 v0, v11  }
0x308: {  	[tilespmem:$0x2A0] =	vst v6;
	v6 =	vadd.s32 v0, v7;
	v7 =	vld [tilespmem:$0xD0]  }
0x309: {  	v60 =	vld [tilespmem:$0x1E0];
	[tilespmem:$0x1B0] =	vst v6;
	v6 =	vadd.s32 v0, v56  }
0x30a: {  	v61 =	vld [tilespmem:$0xE0];
	[tilespmem:$0x2B0] =	vst v6;
	v6 =	vadd.s32 v0, v57  }
0x30b: {  	v62 =	vld [tilespmem:$0x1F0];
	[tilespmem:$0x1C0] =	vst v6;
	v6 =	vadd.s32 v0, v58  }
0x30c: {  	v63 =	vld [tilespmem:$0xF0];
	[tilespmem:$0x2C0] =	vst v6;
	v6 =	vadd.s32 v0, v59  }
0x30d: {  	[tilespmem:$0x1D0] =	vst v6;
	v6 =	vadd.s32 v0, v7  }
0x30e: {  	[tilespmem:$0x2D0] =	vst v6;
	v6 =	vadd.s32 v0, v60  }
0x30f: {  	[tilespmem:$0x1E0] =	vst v6;
	v6 =	vadd.s32 v0, v61  }
0x310: {  	[tilespmem:$0x2E0] =	vst v6;
	v6 =	vadd.s32 v0, v62  }
0x311: {  	p0 =	sgt.u32 s22, $0xB3;
	[tilespmem:$0x1F0] =	vst v6;
	v6 =	vadd.s32 v0, v63  }
0x312: {  	s9 =	sshll.u32 @!p0 s22, $0x7;
	[tilespmem:$0x2F0] =	vst v6  }
0x313: {  	[tilespmem:s19], [sflag:$0x2] =	stream.indirect.gather [hbm4b:s4+s31], $0x20, s18, s31, $0xb8;
	[tilespmem:$0x17B10] =	vst v63  }
0x314: {  	s9 =	sadd.s32 @!p0 s9, s23  }
0x315: {  	[tilespmem:s20], [sflag:$0x2] =	stream.indirect.gather [hbm4b:s5+s31], $0x40, s30, s31, $0xb8;
	[tilespmem:$0x17B10] =	vst v63  }
.Ltmp10:
0x316: {  	s9 =	sshrl.u32 @!p0 s9, $0x3;
	(pc) =	sbr.rel .LBB2_12-.Ltmp10, $4  }
0x317: {  	s11 =	simm.s32 @!p0 $0x0;
	s24 =	simm.s32 @!p0 $0x100;
	s10 =	sadd.s32 @!p0 s6, s9  }
0x318: {  	[tilespmem:s24], [sflag:$0x3] =	stream.linear.gather @!p0 [hbm4b:s10+s11], $0x80, $0x38;
	[tilespmem:$0x17B10] =	vst v63  }
0x319: {  	s9 =	sadd.s32 @!p0 s7, s9  }
0x31a: {  	[tilespmem:s11], [sflag:$0x3] =	stream.linear.gather @!p0 [hbm4b:s9+s11], $0x80, $0x38;
	[tilespmem:$0x17B10] =	vst v63  }
.LBB2_14:
0x31b: {  	_ =	sfence.sel $0x180000  }
0x31c: {  	[bflag:$0x0] =	sbarrier.arrive $0xFFFF  }
0x31d: {  	_ =	strace $0x90000047  }
0x31e: {  	s0 =	stileid.u32;
	[bflag:$0x2] =	sbarrier.arrive $0xFFFF  }
0x31f: {  	p0 =	sne.s32 s0, $0x0;
	s0 =	rddreg [dreg:$0x3]  }
0x320: {  	s0 =	sadd.s32 @!p0 $0x100000, s0  }
0x321: {  	[sflag:s0] =	ssyncadd.tile.s32 @!p0 $0x1;
	_ =	shalt  }
.Lfunc_end2:
_tile_overlayer_lowered:
.L_overlay_start_2:
0x322: {  	(tag) =	ssettag $0x2  }
0x323: {  	s0 =	rddreg [dreg:$0x0];
	s2 =	stileid.u32  }
0x324: {  	s1 =	rddreg [dreg:$0x1];
	p0 =	sne.s32 s2, $0x0  }
0x325: {  	s3 =	rddreg [dreg:$0x2];
	[bflag:$0x3] =	sbarrier.arrive $0xFFFF;
	s2 =	simm.s32 @!p0 $0x1C05  }
0x326: {  	[timem:s3], [sflag:s2] =	dma.local @!p0 [hbm:s0], s1  }
0x327: {  	s0 =	simm.s32 @!p0 $0x5  }
0x328: {  	_ =	swait.ge @!p0 [sflag:s0], s1  }
0x329: {  	s1 =	ssub.s32 @!p0 $0x0, s1;
	[sflag:s0] =	ssyncset.done @!p0 $0x0  }
0x32a: {  	[sflag:s0] =	ssyncadd.s32 @!p0 s1  }
0x32b: {  	[bflag:$0x3] =	sbarrier.arrive $0xFFFF  }
0x32c: {  	_ =	shalt  }

</sc_bundles>
